<compile_context>
chip_gen: v7x
topology: tpu7x:2x2x1
jax: 0.10.2.dev20260603
libtpu: 0.0.44.dev20260713+nightly
codegen_flags: <defaults>
</compile_context>

<pallas_src>
import functools

import jax
import jax.numpy as jnp
from jax import lax
from jax.experimental import pallas as pl
from jax.experimental.pallas import tpu as pltpu
from jax.experimental.pallas import tpu_sc as plsc

N_NODES = 100000
N_EDGES = 6400000
NUM_GRAPHS = 512

NC = 2
NS = 16
NT = NC * NS

CH = 100
NCHUNKS = N_EDGES // CH
TILE_CHUNKS = NCHUNKS // NT
WIN = 8
NWIN = TILE_CHUNKS // WIN

NPAD = 100096
TPR = NPAD // NS

BROW = 2000
BP = 2000
NBP = N_NODES // BP

_mesh = lambda: plsc.VectorSubcoreMesh(core_axis_name="c", subcore_axis_name="s")
_SC_PARAMS = pltpu.CompilerParams(use_tc_tiling_on_sc=False)


def _sc_degree(dstr, zeros_t):

    @functools.partial(
        pl.kernel,
        out_type=jax.ShapeDtypeStruct((NC * NPAD,), jnp.float32),
        mesh=_mesh(),
        compiler_params=_SC_PARAMS,
        scratch_types=[
            pltpu.VMEM((WIN, CH), jnp.int32),
            pltpu.VMEM((112,), jnp.float32),
            pltpu.VMEM_SHARED((NPAD,), jnp.float32),
            pltpu.SemaphoreType.DMA,
            pltpu.SemaphoreType.DMA,
        ],
    )
    def degk(dst_hbm, z_hbm, out_hbm, dstw, ones_v, acc, sd, ss):
        cid = lax.axis_index("c")
        sid = lax.axis_index("s")
        tid = cid * NS + sid
        pltpu.sync_copy(z_hbm, acc.at[pl.ds(sid * TPR, TPR)])
        for j in range(7):
            ones_v[pl.ds(j * 16, 16)] = jnp.ones((16,), jnp.float32)
        plsc.subcore_barrier()

        @pl.loop(0, NWIN)
        def _(w):
            wbase = tid * TILE_CHUNKS + w * WIN
            pltpu.sync_copy(dst_hbm.at[pl.ds(wbase, WIN), :], dstw)
            hs = [
                pltpu.async_copy(
                    ones_v.at[pl.ds(0, CH)], acc.at[dstw.at[j]], ss, add=True
                )
                for j in range(WIN)
            ]
            for h in hs:
                h.wait()

        plsc.subcore_barrier()
        pltpu.sync_copy(
            acc.at[pl.ds(sid * TPR, TPR)],
            out_hbm.at[pl.ds(cid * NPAD + sid * TPR, TPR)],
        )

    return degk(dstr, zeros_t)


def _sc_aggregate(g, srcr, dstr, zeros_t, d):

    @functools.partial(
        pl.kernel,
        out_type=jax.ShapeDtypeStruct((NC, NPAD, d), jnp.float32),
        mesh=_mesh(),
        compiler_params=_SC_PARAMS,
        scratch_types=[
            pltpu.VMEM((WIN, CH), jnp.int32),
            pltpu.VMEM((WIN, CH), jnp.int32),
            pltpu.VMEM((WIN, CH, d), jnp.float32),
            pltpu.VMEM_SHARED((NPAD, d), jnp.float32),
            pltpu.SemaphoreType.DMA,
            pltpu.SemaphoreType.DMA,
            pltpu.SemaphoreType.DMA,
        ],
    )
    def aggk(g_hbm, src_hbm, dst_hbm, z_hbm, out_hbm, srcw, dstw, rows, acc, si, sg, ss):
        cid = lax.axis_index("c")
        sid = lax.axis_index("s")
        tid = cid * NS + sid
        pltpu.sync_copy(z_hbm, acc.at[pl.ds(sid * TPR, TPR), :])
        plsc.subcore_barrier()

        @pl.loop(0, NWIN)
        def _(w):
            wbase = tid * TILE_CHUNKS + w * WIN
            pltpu.sync_copy(src_hbm.at[pl.ds(wbase, WIN), :], srcw)
            pltpu.sync_copy(dst_hbm.at[pl.ds(wbase, WIN), :], dstw)
            ghs = [
                pltpu.async_copy(g_hbm.at[srcw.at[j]], rows.at[j], sg)
                for j in range(WIN)
            ]
            for h in ghs:
                h.wait()
            shs = [
                pltpu.async_copy(rows.at[j], acc.at[dstw.at[j]], ss, add=True)
                for j in range(WIN)
            ]
            for h in shs:
                h.wait()

        plsc.subcore_barrier()
        pltpu.sync_copy(
            acc.at[pl.ds(sid * TPR, TPR), :],
            out_hbm.at[cid, pl.ds(sid * TPR, TPR), :],
        )

    return aggk(g, srcr, dstr, zeros_t)


def _tc_prep(x, deg_t, w0, b0, w1):

    def body(x_ref, deg_ref, w0_ref, b0_ref, w1_ref, o_ref):
        deg = jnp.sum(deg_ref[...], axis=1, keepdims=True) + 1.0
        dis = lax.rsqrt(deg)
        x = x_ref[...]
        emb = x[:, 0:1] * w0_ref[...] + b0_ref[...]
        h0 = jnp.concatenate([emb, x[:, 1:4]], axis=1)
        w1v = w1_ref[...]
        h1 = h0[:, 0:1] * w1v[0:1, :]
        for k in range(1, 7):
            h1 = h1 + h0[:, k : k + 1] * w1v[k : k + 1, :]
        o_ref[...] = h1 * dis

    return pl.pallas_call(
        body,
        grid=(N_NODES // BROW,),
        in_specs=[
            pl.BlockSpec((BROW, 4), lambda i: (i, 0)),
            pl.BlockSpec((BROW, 2), lambda i: (i, 0)),
            pl.BlockSpec((1, 4), lambda i: (0, 0)),
            pl.BlockSpec((1, 4), lambda i: (0, 0)),
            pl.BlockSpec((7, 16), lambda i: (0, 0)),
        ],
        out_specs=pl.BlockSpec((BROW, 16), lambda i: (i, 0)),
        out_shape=jax.ShapeDtypeStruct((N_NODES, 16), jnp.float32),
    )(x, deg_t, w0, b0, w1)


def _tc_mid(s1p, g1, deg_t, w2, b1):

    def body(s_ref, g1_ref, deg_ref, w2_ref, b1_ref, o_ref):
        deg = jnp.sum(deg_ref[...], axis=1, keepdims=True) + 1.0
        dis = lax.rsqrt(deg)
        s = s_ref[0] + s_ref[1] + g1_ref[...]
        h1 = jnp.tanh(s * dis + b1_ref[...])
        w2v = w2_ref[...]
        h2 = h1[:, 0:1] * w2v[0:1, :]
        for k in range(1, 16):
            h2 = h2 + h1[:, k : k + 1] * w2v[k : k + 1, :]
        o_ref[...] = h2 * dis

    return pl.pallas_call(
        body,
        grid=(N_NODES // BROW,),
        in_specs=[
            pl.BlockSpec((2, BROW, 16), lambda i: (0, i, 0)),
            pl.BlockSpec((BROW, 16), lambda i: (i, 0)),
            pl.BlockSpec((BROW, 2), lambda i: (i, 0)),
            pl.BlockSpec((16, 8), lambda i: (0, 0)),
            pl.BlockSpec((1, 16), lambda i: (0, 0)),
        ],
        out_specs=pl.BlockSpec((BROW, 8), lambda i: (i, 0)),
        out_shape=jax.ShapeDtypeStruct((N_NODES, 8), jnp.float32),
    )(s1p, g1, deg_t, w2, b1)


def _tc_pool(s2p, g2, deg_t, batch3, b2, w3, b3):

    def body(s_ref, g2_ref, deg_ref, b_ref, b2_ref, w3_ref, b3_ref, o_ref, acc_ref):
        i = pl.program_id(0)

        @pl.when(i == 0)
        def _():
            acc_ref[...] = jnp.zeros_like(acc_ref)

        deg = jnp.sum(deg_ref[...], axis=1, keepdims=True) + 1.0
        dis = lax.rsqrt(deg)
        h2 = jnp.tanh((s_ref[0] + s_ref[1] + g2_ref[...]) * dis + b2_ref[...])
        h2e = jnp.concatenate(
            [h2, jnp.ones((BP, 1), jnp.float32), jnp.zeros((BP, 7), jnp.float32)],
            axis=1,
        )
        b = b_ref[0]
        gg = lax.broadcasted_iota(jnp.int32, (NUM_GRAPHS, BP), 0)
        oh = (b == gg).astype(jnp.float32)
        acc_ref[...] += jnp.dot(oh, h2e, preferred_element_type=jnp.float32)

        @pl.when(i == NBP - 1)
        def _():
            cnt = jnp.maximum(acc_ref[:, 8:9], 1.0)
            pooled = acc_ref[:, 0:8] / cnt
            o_ref[...] = (
                jnp.dot(pooled, w3_ref[...], preferred_element_type=jnp.float32)
                + b3_ref[...]
            )

    return pl.pallas_call(
        body,
        grid=(NBP,),
        in_specs=[
            pl.BlockSpec((2, BP, 8), lambda i: (0, i, 0)),
            pl.BlockSpec((BP, 8), lambda i: (i, 0)),
            pl.BlockSpec((BP, 2), lambda i: (i, 0)),
            pl.BlockSpec((1, 1, BP), lambda i: (i, 0, 0)),
            pl.BlockSpec((1, 8), lambda i: (0, 0)),
            pl.BlockSpec((8, 1), lambda i: (0, 0)),
            pl.BlockSpec((1, 1), lambda i: (0, 0)),
        ],
        out_specs=pl.BlockSpec((NUM_GRAPHS, 1), lambda i: (0, 0)),
        out_shape=jax.ShapeDtypeStruct((NUM_GRAPHS, 1), jnp.float32),
        scratch_shapes=[pltpu.VMEM((NUM_GRAPHS, 16), jnp.float32)],
    )(s2p, g2, deg_t, batch3, b2, w3, b3)


def kernel(x, edge_index, batch, W0, b0, W1, b1, W2, b2, W3, b3):
    srcr = edge_index[0].reshape(NCHUNKS, CH)
    dstr = edge_index[1].reshape(NCHUNKS, CH)
    batch3 = batch.reshape(NBP, 1, BP)
    z1 = jnp.zeros((TPR,), jnp.float32)
    z16 = jnp.zeros((TPR, 16), jnp.float32)
    z8 = jnp.zeros((TPR, 8), jnp.float32)
    w0r = W0.reshape(1, 4)
    b0r = b0.reshape(1, 4)
    b1r = b1.reshape(1, 16)
    b2r = b2.reshape(1, 8)
    b3r = b3.reshape(1, 1)

    degp = _sc_degree(dstr, z1).reshape(NC, NPAD)
    deg_t = jnp.swapaxes(degp, 0, 1)
    g1 = _tc_prep(x, deg_t, w0r, b0r, W1)
    s1p = _sc_aggregate(g1, srcr, dstr, z16, 16)
    g2 = _tc_mid(s1p, g1, deg_t, W2, b1r)
    s2p = _sc_aggregate(g2, srcr, dstr, z8, 8)
    return _tc_pool(s2p, g2, deg_t, batch3, b2r, W3, b3r)

# --- scband reference (transcript-rebuilt; emitter-appended) ---
"""Pipeline reference for scband-gcn-54984171323947 (READ-ONLY COPY).

The authoritative reference and input builder live on the scoring server;
editing this copy changes nothing except your own understanding.
"""

import jax, jax.numpy as jnp
import numpy as np

N_NODES = 100000
N_EDGES = 6400000
NUM_GRAPHS = 512


def setup_inputs(seed: int = 0) -> dict:
    key = jax.random.key(seed)
    ks = jax.random.split(key, 12)
    x = jax.random.normal(ks[0], (N_NODES, 4), dtype=jnp.float32)
    # int32 used for portability on CPU jax without x64; semantics match int64 indices
    edge_index = jax.random.randint(ks[1], (2, N_EDGES), 0, N_NODES, dtype=jnp.int32)
    batch = jnp.sort(jax.random.randint(ks[2], (N_NODES,), 0, NUM_GRAPHS, dtype=jnp.int32))
    W0 = jax.random.normal(ks[3], (1, 4), dtype=jnp.float32) * 0.5
    b0 = jnp.zeros((4,), dtype=jnp.float32)
    W1 = jax.random.normal(ks[4], (7, 16), dtype=jnp.float32) * (1.0 / np.sqrt(7))
    b1 = jnp.zeros((16,), dtype=jnp.float32)
    W2 = jax.random.normal(ks[5], (16, 8), dtype=jnp.float32) * (1.0 / np.sqrt(16))
    b2 = jnp.zeros((8,), dtype=jnp.float32)
    W3 = jax.random.normal(ks[6], (8, 1), dtype=jnp.float32) * (1.0 / np.sqrt(8))
    b3 = jnp.zeros((1,), dtype=jnp.float32)
    return {"x": x, "edge_index": edge_index, "batch": batch,
            "W0": W0, "b0": b0, "W1": W1, "b1": b1,
            "W2": W2, "b2": b2, "W3": W3, "b3": b3}


def _gcn_conv(h, src, dst, W, b, n_nodes):
    # PyG GCNConv: add self-loops, symmetric normalization, x @ W, scatter-add, + bias
    h = h @ W
    loop = jnp.arange(n_nodes, dtype=src.dtype)
    si = jnp.concatenate([src, loop])
    di = jnp.concatenate([dst, loop])
    deg = jax.ops.segment_sum(jnp.ones(si.shape[0], dtype=h.dtype), di, num_segments=n_nodes)
    dis = jnp.where(deg > 0, jax.lax.rsqrt(jnp.maximum(deg, 1e-12)), 0.0)
    norm = dis[si] * dis[di]
    msg = h[si] * norm[:, None]
    out = jax.ops.segment_sum(msg, di, num_segments=n_nodes)
    return out + b


def reference(x, edge_index, batch, W0, b0, W1, b1, W2, b2, W3, b3):
    n_nodes = x.shape[0]
    src = edge_index[0]
    dst = edge_index[1]
    atoms_vector = x[:, :1]
    atoms_xyz = x[:, 1:]
    one_hot_emb = atoms_vector @ W0 + b0
    h = jnp.concatenate([one_hot_emb, atoms_xyz], axis=1)
    h = jnp.tanh(_gcn_conv(h, src, dst, W1, b1, n_nodes))
    # dropout is a no-op in eval mode (training=False)
    h = jnp.tanh(_gcn_conv(h, src, dst, W2, b2, n_nodes))
    # scatter mean over graphs in batch
    sums = jax.ops.segment_sum(h, batch, num_segments=NUM_GRAPHS)
    counts = jax.ops.segment_sum(jnp.ones((n_nodes,), dtype=h.dtype), batch, num_segments=NUM_GRAPHS)
    pooled = sums / jnp.maximum(counts, 1.0)[:, None]
    return pooled @ W3 + b3

if __name__ == "__main__":
    import jax
    _d = setup_inputs()
    print(jax.jit(kernel)(*tuple(_d.values())))

</pallas_src>

<mosaic_0001>
#map = affine_map<(d0, d1) -> (0, 0)>
#map1 = affine_map<(d0, d1) -> (0, 0, 0)>
module attributes {stable_mosaic.version = 14 : i64} {
  func.func @aggk(%arg0: i32, %arg1: i32, %arg2: memref<100000x8xf32, #tpu.memory_space<hbm>>, %arg3: memref<64000x100xi32, #tpu.memory_space<hbm>>, %arg4: memref<64000x100xi32, #tpu.memory_space<hbm>>, %arg5: memref<6256x8xf32, #tpu.memory_space<hbm>>, %arg6: memref<2x100096x8xf32, #tpu.memory_space<hbm>>, %arg7: memref<8x100xi32, #tpu.memory_space<vmem>>, %arg8: memref<8x100xi32, #tpu.memory_space<vmem>>, %arg9: memref<8x100x8xf32, #tpu.memory_space<vmem>>, %arg10: memref<100096x8xf32, #tpu.memory_space<vmem_shared>>, %arg11: memref<!tpu.dma_semaphore, #tpu.memory_space<semaphore_mem>>, %arg12: memref<!tpu.dma_semaphore, #tpu.memory_space<semaphore_mem>>, %arg13: memref<!tpu.dma_semaphore, #tpu.memory_space<semaphore_mem>>) attributes {dimension_semantics = [#tpu.dimension_semantics<core_parallel>, #tpu.dimension_semantics<subcore_parallel>], iteration_bounds = array<i64: 2, 16>, scalar_prefetch = 0 : i64, scratch_operands = 7 : i64, tpu.core_type = #tpu.core_type<sc_vector_subcore>, window_params = [{transform_indices = #map}, {transform_indices = #map}, {transform_indices = #map}, {transform_indices = #map}, {transform_indices = #map1}]} {
    %mul3A = arith.constant 16 : i32
    %mul3A_0 = arith.muli %arg0, %mul3A : i32
    %add3A = arith.addi %mul3A_0, %arg1 : i32
    %mul3A_1 = arith.constant 6256 : i32
    %mul3A_2 = arith.muli %arg1, %mul3A_1 : i32
    "tpu.region"() ({
      %run_scoped3A = tpu.sem_alloc : memref<!tpu.dma_semaphore, #tpu.memory_space<semaphore_mem>>
      %dma_start3A = arith.constant 0 : i32
      %dma_start3A_12 = tpu.memref_slice %arg10[%mul3A_2, %dma_start3A] : memref<100096x8xf32, #tpu.memory_space<vmem_shared>> -> memref<6256x8xf32, #tpu.memory_space<vmem_shared>>
      tpu.enqueue_dma source(%arg5 : memref<6256x8xf32, #tpu.memory_space<hbm>>) target(%dma_start3A_12 : memref<6256x8xf32, #tpu.memory_space<vmem_shared>>) target_semaphore(%run_scoped3A : memref<!tpu.dma_semaphore, #tpu.memory_space<semaphore_mem>>)
      %dma_wait3A = arith.constant 0 : i32
      %dma_wait3A_13 = tpu.memref_slice %arg10[%mul3A_2, %dma_wait3A] : memref<100096x8xf32, #tpu.memory_space<vmem_shared>> -> memref<6256x8xf32, #tpu.memory_space<vmem_shared>>
      tpu.wait_dma2 semaphore(%run_scoped3A : memref<!tpu.dma_semaphore, #tpu.memory_space<semaphore_mem>>) src(%arg5 : memref<6256x8xf32, #tpu.memory_space<hbm>>) dst(%dma_wait3A_13 : memref<6256x8xf32, #tpu.memory_space<vmem_shared>>)
      tpu.yield
    }) : () -> ()
    %barrier3A = arith.constant 0 : index
    tpu.barrier barrier_id(%barrier3A)
    %scan3A = arith.constant 0 : i32
    %scan3A_3 = arith.constant 250 : i32
    %scan3A_4 = arith.addi %scan3A, %scan3A_3 : i32
    %scan3A_5 = arith.constant 1 : i32
    scf.for %scan3A_12 = %scan3A to %scan3A_4 step %scan3A_5  : i32 {
      %mul3A_13 = arith.constant 1 : i32
      %mul3A_14 = arith.muli %scan3A_12, %mul3A_13 : i32
      %add3A_15 = arith.constant 0 : i32
      %add3A_16 = arith.addi %add3A_15, %mul3A_14 : i32
      %mul3A_17 = arith.constant 2000 : i32
      %mul3A_18 = arith.muli %add3A, %mul3A_17 : i32
      %mul3A_19 = arith.constant 8 : i32
      %mul3A_20 = arith.muli %add3A_16, %mul3A_19 : i32
      %add3A_21 = arith.addi %mul3A_18, %mul3A_20 : i32
      "tpu.region"() ({
        %run_scoped3A = tpu.sem_alloc : memref<!tpu.dma_semaphore, #tpu.memory_space<semaphore_mem>>
        %dma_start3A_404 = arith.constant 0 : i32
        %dma_start3A_405 = tpu.memref_slice %arg3[%add3A_21, %dma_start3A_404] : memref<64000x100xi32, #tpu.memory_space<hbm>> -> memref<8x100xi32, #tpu.memory_space<hbm>>
        %dma_start3A_406 = arith.constant 0 : i32
        %dma_start3A_407 = tpu.memref_slice %arg3[%add3A_21, %dma_start3A_406] : memref<64000x100xi32, #tpu.memory_space<hbm>> -> memref<8x100xi32, #tpu.memory_space<hbm>>
        tpu.enqueue_dma source(%dma_start3A_407 : memref<8x100xi32, #tpu.memory_space<hbm>>) target(%arg7 : memref<8x100xi32, #tpu.memory_space<vmem>>) target_semaphore(%run_scoped3A : memref<!tpu.dma_semaphore, #tpu.memory_space<semaphore_mem>>)
        %dma_wait3A_408 = arith.constant 0 : i32
        %dma_wait3A_409 = tpu.memref_slice %arg3[%add3A_21, %dma_wait3A_408] : memref<64000x100xi32, #tpu.memory_space<hbm>> -> memref<8x100xi32, #tpu.memory_space<hbm>>
        %dma_wait3A_410 = arith.constant 0 : i32
        %dma_wait3A_411 = tpu.memref_slice %arg3[%add3A_21, %dma_wait3A_410] : memref<64000x100xi32, #tpu.memory_space<hbm>> -> memref<8x100xi32, #tpu.memory_space<hbm>>
        tpu.wait_dma2 semaphore(%run_scoped3A : memref<!tpu.dma_semaphore, #tpu.memory_space<semaphore_mem>>) src(%dma_wait3A_411 : memref<8x100xi32, #tpu.memory_space<hbm>>) dst(%arg7 : memref<8x100xi32, #tpu.memory_space<vmem>>)
        tpu.yield
      }) : () -> ()
      "tpu.region"() ({
        %run_scoped3A = tpu.sem_alloc : memref<!tpu.dma_semaphore, #tpu.memory_space<semaphore_mem>>
        %dma_start3A_404 = arith.constant 0 : i32
        %dma_start3A_405 = tpu.memref_slice %arg4[%add3A_21, %dma_start3A_404] : memref<64000x100xi32, #tpu.memory_space<hbm>> -> memref<8x100xi32, #tpu.memory_space<hbm>>
        %dma_start3A_406 = arith.constant 0 : i32
        %dma_start3A_407 = tpu.memref_slice %arg4[%add3A_21, %dma_start3A_406] : memref<64000x100xi32, #tpu.memory_space<hbm>> -> memref<8x100xi32, #tpu.memory_space<hbm>>
        tpu.enqueue_dma source(%dma_start3A_407 : memref<8x100xi32, #tpu.memory_space<hbm>>) target(%arg8 : memref<8x100xi32, #tpu.memory_space<vmem>>) target_semaphore(%run_scoped3A : memref<!tpu.dma_semaphore, #tpu.memory_space<semaphore_mem>>)
        %dma_wait3A_408 = arith.constant 0 : i32
        %dma_wait3A_409 = tpu.memref_slice %arg4[%add3A_21, %dma_wait3A_408] : memref<64000x100xi32, #tpu.memory_space<hbm>> -> memref<8x100xi32, #tpu.memory_space<hbm>>
        %dma_wait3A_410 = arith.constant 0 : i32
        %dma_wait3A_411 = tpu.memref_slice %arg4[%add3A_21, %dma_wait3A_410] : memref<64000x100xi32, #tpu.memory_space<hbm>> -> memref<8x100xi32, #tpu.memory_space<hbm>>
        tpu.wait_dma2 semaphore(%run_scoped3A : memref<!tpu.dma_semaphore, #tpu.memory_space<semaphore_mem>>) src(%dma_wait3A_411 : memref<8x100xi32, #tpu.memory_space<hbm>>) dst(%arg8 : memref<8x100xi32, #tpu.memory_space<vmem>>)
        tpu.yield
      }) : () -> ()
      %dma_start3A = arith.constant 0 : i32
      %dma_start3A_22 = arith.constant 0 : i32
      %dma_start3A_23 = arith.constant 0 : i32
      %dma_start3A_24 = arith.constant 0 : i32
      %dma_start3A_25 = tpu.memref_slice %arg9[%dma_start3A_22, %dma_start3A_23, %dma_start3A_24] : memref<8x100x8xf32, #tpu.memory_space<vmem>> -> memref<1x100x8xf32, #tpu.memory_space<vmem>>
      %dma_start3A_26 = tpu.memref_squeeze %dma_start3A_25 : memref<1x100x8xf32, #tpu.memory_space<vmem>> -> memref<100x8xf32, #tpu.memory_space<vmem>>
      %dma_start3A_27 = arith.constant 0 : i32
      %dma_start3A_28 = tpu.memref_slice %arg7[%dma_start3A, %dma_start3A_27] : memref<8x100xi32, #tpu.memory_space<vmem>> -> memref<1x100xi32, #tpu.memory_space<vmem>>
      %dma_start3A_29 = tpu.memref_squeeze %dma_start3A_28 : memref<1x100xi32, #tpu.memory_space<vmem>> -> memref<100xi32, #tpu.memory_space<vmem>>
      %dma_start3A_30 = arith.constant 0 : i32
      %dma_start3A_31 = arith.constant 0 : i32
      %dma_start3A_32 = tpu.memref_slice %arg2[%dma_start3A_30, %dma_start3A_31] : memref<100000x8xf32, #tpu.memory_space<hbm>> -> memref<100000x8xf32, #tpu.memory_space<hbm>>
      tpu.enqueue_indirect_dma source(%dma_start3A_32 : memref<100000x8xf32, #tpu.memory_space<hbm>>) target(%dma_start3A_26 : memref<100x8xf32, #tpu.memory_space<vmem>>) offsets(%dma_start3A_29 : memref<100xi32, #tpu.memory_space<vmem>>) semaphore(%arg12 : memref<!tpu.dma_semaphore, #tpu.memory_space<semaphore_mem>>)
      %dma_start3A_33 = arith.constant 1 : i32
      %dma_start3A_34 = arith.constant 1 : i32
      %dma_start3A_35 = arith.constant 0 : i32
      %dma_start3A_36 = arith.constant 0 : i32
      %dma_start3A_37 = tpu.memref_slice %arg9[%dma_start3A_34, %dma_start3A_35, %dma_start3A_36] : memref<8x100x8xf32, #tpu.memory_space<vmem>> -> memref<1x100x8xf32, #tpu.memory_space<vmem>>
      %dma_start3A_38 = tpu.memref_squeeze %dma_start3A_37 : memref<1x100x8xf32, #tpu.memory_space<vmem>> -> memref<100x8xf32, #tpu.memory_space<vmem>>
      %dma_start3A_39 = arith.constant 0 : i32
      %dma_start3A_40 = tpu.memref_slice %arg7[%dma_start3A_33, %dma_start3A_39] : memref<8x100xi32, #tpu.memory_space<vmem>> -> memref<1x100xi32, #tpu.memory_space<vmem>>
      %dma_start3A_41 = tpu.memref_squeeze %dma_start3A_40 : memref<1x100xi32, #tpu.memory_space<vmem>> -> memref<100xi32, #tpu.memory_space<vmem>>
      %dma_start3A_42 = arith.constant 0 : i32
      %dma_start3A_43 = arith.constant 0 : i32
      %dma_start3A_44 = tpu.memref_slice %arg2[%dma_start3A_42, %dma_start3A_43] : memref<100000x8xf32, #tpu.memory_space<hbm>> -> memref<100000x8xf32, #tpu.memory_space<hbm>>
      tpu.enqueue_indirect_dma source(%dma_start3A_44 : memref<100000x8xf32, #tpu.memory_space<hbm>>) target(%dma_start3A_38 : memref<100x8xf32, #tpu.memory_space<vmem>>) offsets(%dma_start3A_41 : memref<100xi32, #tpu.memory_space<vmem>>) semaphore(%arg12 : memref<!tpu.dma_semaphore, #tpu.memory_space<semaphore_mem>>)
      %dma_start3A_45 = arith.constant 2 : i32
      %dma_start3A_46 = arith.constant 2 : i32
      %dma_start3A_47 = arith.constant 0 : i32
      %dma_start3A_48 = arith.constant 0 : i32
      %dma_start3A_49 = tpu.memref_slice %arg9[%dma_start3A_46, %dma_start3A_47, %dma_start3A_48] : memref<8x100x8xf32, #tpu.memory_space<vmem>> -> memref<1x100x8xf32, #tpu.memory_space<vmem>>
      %dma_start3A_50 = tpu.memref_squeeze %dma_start3A_49 : memref<1x100x8xf32, #tpu.memory_space<vmem>> -> memref<100x8xf32, #tpu.memory_space<vmem>>
      %dma_start3A_51 = arith.constant 0 : i32
      %dma_start3A_52 = tpu.memref_slice %arg7[%dma_start3A_45, %dma_start3A_51] : memref<8x100xi32, #tpu.memory_space<vmem>> -> memref<1x100xi32, #tpu.memory_space<vmem>>
      %dma_start3A_53 = tpu.memref_squeeze %dma_start3A_52 : memref<1x100xi32, #tpu.memory_space<vmem>> -> memref<100xi32, #tpu.memory_space<vmem>>
      %dma_start3A_54 = arith.constant 0 : i32
      %dma_start3A_55 = arith.constant 0 : i32
      %dma_start3A_56 = tpu.memref_slice %arg2[%dma_start3A_54, %dma_start3A_55] : memref<100000x8xf32, #tpu.memory_space<hbm>> -> memref<100000x8xf32, #tpu.memory_space<hbm>>
      tpu.enqueue_indirect_dma source(%dma_start3A_56 : memref<100000x8xf32, #tpu.memory_space<hbm>>) target(%dma_start3A_50 : memref<100x8xf32, #tpu.memory_space<vmem>>) offsets(%dma_start3A_53 : memref<100xi32, #tpu.memory_space<vmem>>) semaphore(%arg12 : memref<!tpu.dma_semaphore, #tpu.memory_space<semaphore_mem>>)
      %dma_start3A_57 = arith.constant 3 : i32
      %dma_start3A_58 = arith.constant 3 : i32
      %dma_start3A_59 = arith.constant 0 : i32
      %dma_start3A_60 = arith.constant 0 : i32
      %dma_start3A_61 = tpu.memref_slice %arg9[%dma_start3A_58, %dma_start3A_59, %dma_start3A_60] : memref<8x100x8xf32, #tpu.memory_space<vmem>> -> memref<1x100x8xf32, #tpu.memory_space<vmem>>
      %dma_start3A_62 = tpu.memref_squeeze %dma_start3A_61 : memref<1x100x8xf32, #tpu.memory_space<vmem>> -> memref<100x8xf32, #tpu.memory_space<vmem>>
      %dma_start3A_63 = arith.constant 0 : i32
      %dma_start3A_64 = tpu.memref_slice %arg7[%dma_start3A_57, %dma_start3A_63] : memref<8x100xi32, #tpu.memory_space<vmem>> -> memref<1x100xi32, #tpu.memory_space<vmem>>
      %dma_start3A_65 = tpu.memref_squeeze %dma_start3A_64 : memref<1x100xi32, #tpu.memory_space<vmem>> -> memref<100xi32, #tpu.memory_space<vmem>>
      %dma_start3A_66 = arith.constant 0 : i32
      %dma_start3A_67 = arith.constant 0 : i32
      %dma_start3A_68 = tpu.memref_slice %arg2[%dma_start3A_66, %dma_start3A_67] : memref<100000x8xf32, #tpu.memory_space<hbm>> -> memref<100000x8xf32, #tpu.memory_space<hbm>>
      tpu.enqueue_indirect_dma source(%dma_start3A_68 : memref<100000x8xf32, #tpu.memory_space<hbm>>) target(%dma_start3A_62 : memref<100x8xf32, #tpu.memory_space<vmem>>) offsets(%dma_start3A_65 : memref<100xi32, #tpu.memory_space<vmem>>) semaphore(%arg12 : memref<!tpu.dma_semaphore, #tpu.memory_space<semaphore_mem>>)
      %dma_start3A_69 = arith.constant 4 : i32
      %dma_start3A_70 = arith.constant 4 : i32
      %dma_start3A_71 = arith.constant 0 : i32
      %dma_start3A_72 = arith.constant 0 : i32
      %dma_start3A_73 = tpu.memref_slice %arg9[%dma_start3A_70, %dma_start3A_71, %dma_start3A_72] : memref<8x100x8xf32, #tpu.memory_space<vmem>> -> memref<1x100x8xf32, #tpu.memory_space<vmem>>
      %dma_start3A_74 = tpu.memref_squeeze %dma_start3A_73 : memref<1x100x8xf32, #tpu.memory_space<vmem>> -> memref<100x8xf32, #tpu.memory_space<vmem>>
      %dma_start3A_75 = arith.constant 0 : i32
      %dma_start3A_76 = tpu.memref_slice %arg7[%dma_start3A_69, %dma_start3A_75] : memref<8x100xi32, #tpu.memory_space<vmem>> -> memref<1x100xi32, #tpu.memory_space<vmem>>
      %dma_start3A_77 = tpu.memref_squeeze %dma_start3A_76 : memref<1x100xi32, #tpu.memory_space<vmem>> -> memref<100xi32, #tpu.memory_space<vmem>>
      %dma_start3A_78 = arith.constant 0 : i32
      %dma_start3A_79 = arith.constant 0 : i32
      %dma_start3A_80 = tpu.memref_slice %arg2[%dma_start3A_78, %dma_start3A_79] : memref<100000x8xf32, #tpu.memory_space<hbm>> -> memref<100000x8xf32, #tpu.memory_space<hbm>>
      tpu.enqueue_indirect_dma source(%dma_start3A_80 : memref<100000x8xf32, #tpu.memory_space<hbm>>) target(%dma_start3A_74 : memref<100x8xf32, #tpu.memory_space<vmem>>) offsets(%dma_start3A_77 : memref<100xi32, #tpu.memory_space<vmem>>) semaphore(%arg12 : memref<!tpu.dma_semaphore, #tpu.memory_space<semaphore_mem>>)
      %dma_start3A_81 = arith.constant 5 : i32
      %dma_start3A_82 = arith.constant 5 : i32
      %dma_start3A_83 = arith.constant 0 : i32
      %dma_start3A_84 = arith.constant 0 : i32
      %dma_start3A_85 = tpu.memref_slice %arg9[%dma_start3A_82, %dma_start3A_83, %dma_start3A_84] : memref<8x100x8xf32, #tpu.memory_space<vmem>> -> memref<1x100x8xf32, #tpu.memory_space<vmem>>
      %dma_start3A_86 = tpu.memref_squeeze %dma_start3A_85 : memref<1x100x8xf32, #tpu.memory_space<vmem>> -> memref<100x8xf32, #tpu.memory_space<vmem>>
      %dma_start3A_87 = arith.constant 0 : i32
      %dma_start3A_88 = tpu.memref_slice %arg7[%dma_start3A_81, %dma_start3A_87] : memref<8x100xi32, #tpu.memory_space<vmem>> -> memref<1x100xi32, #tpu.memory_space<vmem>>
      %dma_start3A_89 = tpu.memref_squeeze %dma_start3A_88 : memref<1x100xi32, #tpu.memory_space<vmem>> -> memref<100xi32, #tpu.memory_space<vmem>>
      %dma_start3A_90 = arith.constant 0 : i32
      %dma_start3A_91 = arith.constant 0 : i32
      %dma_start3A_92 = tpu.memref_slice %arg2[%dma_start3A_90, %dma_start3A_91] : memref<100000x8xf32, #tpu.memory_space<hbm>> -> memref<100000x8xf32, #tpu.memory_space<hbm>>
      tpu.enqueue_indirect_dma source(%dma_start3A_92 : memref<100000x8xf32, #tpu.memory_space<hbm>>) target(%dma_start3A_86 : memref<100x8xf32, #tpu.memory_space<vmem>>) offsets(%dma_start3A_89 : memref<100xi32, #tpu.memory_space<vmem>>) semaphore(%arg12 : memref<!tpu.dma_semaphore, #tpu.memory_space<semaphore_mem>>)
      %dma_start3A_93 = arith.constant 6 : i32
      %dma_start3A_94 = arith.constant 6 : i32
      %dma_start3A_95 = arith.constant 0 : i32
      %dma_start3A_96 = arith.constant 0 : i32
      %dma_start3A_97 = tpu.memref_slice %arg9[%dma_start3A_94, %dma_start3A_95, %dma_start3A_96] : memref<8x100x8xf32, #tpu.memory_space<vmem>> -> memref<1x100x8xf32, #tpu.memory_space<vmem>>
      %dma_start3A_98 = tpu.memref_squeeze %dma_start3A_97 : memref<1x100x8xf32, #tpu.memory_space<vmem>> -> memref<100x8xf32, #tpu.memory_space<vmem>>
      %dma_start3A_99 = arith.constant 0 : i32
      %dma_start3A_100 = tpu.memref_slice %arg7[%dma_start3A_93, %dma_start3A_99] : memref<8x100xi32, #tpu.memory_space<vmem>> -> memref<1x100xi32, #tpu.memory_space<vmem>>
      %dma_start3A_101 = tpu.memref_squeeze %dma_start3A_100 : memref<1x100xi32, #tpu.memory_space<vmem>> -> memref<100xi32, #tpu.memory_space<vmem>>
      %dma_start3A_102 = arith.constant 0 : i32
      %dma_start3A_103 = arith.constant 0 : i32
      %dma_start3A_104 = tpu.memref_slice %arg2[%dma_start3A_102, %dma_start3A_103] : memref<100000x8xf32, #tpu.memory_space<hbm>> -> memref<100000x8xf32, #tpu.memory_space<hbm>>
      tpu.enqueue_indirect_dma source(%dma_start3A_104 : memref<100000x8xf32, #tpu.memory_space<hbm>>) target(%dma_start3A_98 : memref<100x8xf32, #tpu.memory_space<vmem>>) offsets(%dma_start3A_101 : memref<100xi32, #tpu.memory_space<vmem>>) semaphore(%arg12 : memref<!tpu.dma_semaphore, #tpu.memory_space<semaphore_mem>>)
      %dma_start3A_105 = arith.constant 7 : i32
      %dma_start3A_106 = arith.constant 7 : i32
      %dma_start3A_107 = arith.constant 0 : i32
      %dma_start3A_108 = arith.constant 0 : i32
      %dma_start3A_109 = tpu.memref_slice %arg9[%dma_start3A_106, %dma_start3A_107, %dma_start3A_108] : memref<8x100x8xf32, #tpu.memory_space<vmem>> -> memref<1x100x8xf32, #tpu.memory_space<vmem>>
      %dma_start3A_110 = tpu.memref_squeeze %dma_start3A_109 : memref<1x100x8xf32, #tpu.memory_space<vmem>> -> memref<100x8xf32, #tpu.memory_space<vmem>>
      %dma_start3A_111 = arith.constant 0 : i32
      %dma_start3A_112 = tpu.memref_slice %arg7[%dma_start3A_105, %dma_start3A_111] : memref<8x100xi32, #tpu.memory_space<vmem>> -> memref<1x100xi32, #tpu.memory_space<vmem>>
      %dma_start3A_113 = tpu.memref_squeeze %dma_start3A_112 : memref<1x100xi32, #tpu.memory_space<vmem>> -> memref<100xi32, #tpu.memory_space<vmem>>
      %dma_start3A_114 = arith.constant 0 : i32
      %dma_start3A_115 = arith.constant 0 : i32
      %dma_start3A_116 = tpu.memref_slice %arg2[%dma_start3A_114, %dma_start3A_115] : memref<100000x8xf32, #tpu.memory_space<hbm>> -> memref<100000x8xf32, #tpu.memory_space<hbm>>
      tpu.enqueue_indirect_dma source(%dma_start3A_116 : memref<100000x8xf32, #tpu.memory_space<hbm>>) target(%dma_start3A_110 : memref<100x8xf32, #tpu.memory_space<vmem>>) offsets(%dma_start3A_113 : memref<100xi32, #tpu.memory_space<vmem>>) semaphore(%arg12 : memref<!tpu.dma_semaphore, #tpu.memory_space<semaphore_mem>>)
      %dma_wait3A = arith.constant 0 : i32
      %dma_wait3A_117 = arith.constant 0 : i32
      %dma_wait3A_118 = arith.constant 0 : i32
      %dma_wait3A_119 = arith.constant 0 : i32
      %dma_wait3A_120 = tpu.memref_slice %arg9[%dma_wait3A_117, %dma_wait3A_118, %dma_wait3A_119] : memref<8x100x8xf32, #tpu.memory_space<vmem>> -> memref<1x100x8xf32, #tpu.memory_space<vmem>>
      %dma_wait3A_121 = tpu.memref_squeeze %dma_wait3A_120 : memref<1x100x8xf32, #tpu.memory_space<vmem>> -> memref<100x8xf32, #tpu.memory_space<vmem>>
      %dma_wait3A_122 = arith.constant 0 : i32
      %dma_wait3A_123 = tpu.memref_slice %arg7[%dma_wait3A, %dma_wait3A_122] : memref<8x100xi32, #tpu.memory_space<vmem>> -> memref<1x100xi32, #tpu.memory_space<vmem>>
      %dma_wait3A_124 = tpu.memref_squeeze %dma_wait3A_123 : memref<1x100xi32, #tpu.memory_space<vmem>> -> memref<100xi32, #tpu.memory_space<vmem>>
      %dma_wait3A_125 = arith.constant 0 : i32
      %dma_wait3A_126 = arith.constant 0 : i32
      %dma_wait3A_127 = tpu.memref_slice %arg2[%dma_wait3A_125, %dma_wait3A_126] : memref<100000x8xf32, #tpu.memory_space<hbm>> -> memref<100000x8xf32, #tpu.memory_space<hbm>>
      tpu.wait_indirect_dma semaphore(%arg12 : memref<!tpu.dma_semaphore, #tpu.memory_space<semaphore_mem>>) src(%dma_wait3A_127 : memref<100000x8xf32, #tpu.memory_space<hbm>>) dst(%dma_wait3A_121 : memref<100x8xf32, #tpu.memory_space<vmem>>)
      %dma_wait3A_128 = arith.constant 1 : i32
      %dma_wait3A_129 = arith.constant 1 : i32
      %dma_wait3A_130 = arith.constant 0 : i32
      %dma_wait3A_131 = arith.constant 0 : i32
      %dma_wait3A_132 = tpu.memref_slice %arg9[%dma_wait3A_129, %dma_wait3A_130, %dma_wait3A_131] : memref<8x100x8xf32, #tpu.memory_space<vmem>> -> memref<1x100x8xf32, #tpu.memory_space<vmem>>
      %dma_wait3A_133 = tpu.memref_squeeze %dma_wait3A_132 : memref<1x100x8xf32, #tpu.memory_space<vmem>> -> memref<100x8xf32, #tpu.memory_space<vmem>>
      %dma_wait3A_134 = arith.constant 0 : i32
      %dma_wait3A_135 = tpu.memref_slice %arg7[%dma_wait3A_128, %dma_wait3A_134] : memref<8x100xi32, #tpu.memory_space<vmem>> -> memref<1x100xi32, #tpu.memory_space<vmem>>
      %dma_wait3A_136 = tpu.memref_squeeze %dma_wait3A_135 : memref<1x100xi32, #tpu.memory_space<vmem>> -> memref<100xi32, #tpu.memory_space<vmem>>
      %dma_wait3A_137 = arith.constant 0 : i32
      %dma_wait3A_138 = arith.constant 0 : i32
      %dma_wait3A_139 = tpu.memref_slice %arg2[%dma_wait3A_137, %dma_wait3A_138] : memref<100000x8xf32, #tpu.memory_space<hbm>> -> memref<100000x8xf32, #tpu.memory_space<hbm>>
      tpu.wait_indirect_dma semaphore(%arg12 : memref<!tpu.dma_semaphore, #tpu.memory_space<semaphore_mem>>) src(%dma_wait3A_139 : memref<100000x8xf32, #tpu.memory_space<hbm>>) dst(%dma_wait3A_133 : memref<100x8xf32, #tpu.memory_space<vmem>>)
      %dma_wait3A_140 = arith.constant 2 : i32
      %dma_wait3A_141 = arith.constant 2 : i32
      %dma_wait3A_142 = arith.constant 0 : i32
      %dma_wait3A_143 = arith.constant 0 : i32
      %dma_wait3A_144 = tpu.memref_slice %arg9[%dma_wait3A_141, %dma_wait3A_142, %dma_wait3A_143] : memref<8x100x8xf32, #tpu.memory_space<vmem>> -> memref<1x100x8xf32, #tpu.memory_space<vmem>>
      %dma_wait3A_145 = tpu.memref_squeeze %dma_wait3A_144 : memref<1x100x8xf32, #tpu.memory_space<vmem>> -> memref<100x8xf32, #tpu.memory_space<vmem>>
      %dma_wait3A_146 = arith.constant 0 : i32
      %dma_wait3A_147 = tpu.memref_slice %arg7[%dma_wait3A_140, %dma_wait3A_146] : memref<8x100xi32, #tpu.memory_space<vmem>> -> memref<1x100xi32, #tpu.memory_space<vmem>>
      %dma_wait3A_148 = tpu.memref_squeeze %dma_wait3A_147 : memref<1x100xi32, #tpu.memory_space<vmem>> -> memref<100xi32, #tpu.memory_space<vmem>>
      %dma_wait3A_149 = arith.constant 0 : i32
      %dma_wait3A_150 = arith.constant 0 : i32
      %dma_wait3A_151 = tpu.memref_slice %arg2[%dma_wait3A_149, %dma_wait3A_150] : memref<100000x8xf32, #tpu.memory_space<hbm>> -> memref<100000x8xf32, #tpu.memory_space<hbm>>
      tpu.wait_indirect_dma semaphore(%arg12 : memref<!tpu.dma_semaphore, #tpu.memory_space<semaphore_mem>>) src(%dma_wait3A_151 : memref<100000x8xf32, #tpu.memory_space<hbm>>) dst(%dma_wait3A_145 : memref<100x8xf32, #tpu.memory_space<vmem>>)
      %dma_wait3A_152 = arith.constant 3 : i32
      %dma_wait3A_153 = arith.constant 3 : i32
      %dma_wait3A_154 = arith.constant 0 : i32
      %dma_wait3A_155 = arith.constant 0 : i32
      %dma_wait3A_156 = tpu.memref_slice %arg9[%dma_wait3A_153, %dma_wait3A_154, %dma_wait3A_155] : memref<8x100x8xf32, #tpu.memory_space<vmem>> -> memref<1x100x8xf32, #tpu.memory_space<vmem>>
      %dma_wait3A_157 = tpu.memref_squeeze %dma_wait3A_156 : memref<1x100x8xf32, #tpu.memory_space<vmem>> -> memref<100x8xf32, #tpu.memory_space<vmem>>
      %dma_wait3A_158 = arith.constant 0 : i32
      %dma_wait3A_159 = tpu.memref_slice %arg7[%dma_wait3A_152, %dma_wait3A_158] : memref<8x100xi32, #tpu.memory_space<vmem>> -> memref<1x100xi32, #tpu.memory_space<vmem>>
      %dma_wait3A_160 = tpu.memref_squeeze %dma_wait3A_159 : memref<1x100xi32, #tpu.memory_space<vmem>> -> memref<100xi32, #tpu.memory_space<vmem>>
      %dma_wait3A_161 = arith.constant 0 : i32
      %dma_wait3A_162 = arith.constant 0 : i32
      %dma_wait3A_163 = tpu.memref_slice %arg2[%dma_wait3A_161, %dma_wait3A_162] : memref<100000x8xf32, #tpu.memory_space<hbm>> -> memref<100000x8xf32, #tpu.memory_space<hbm>>
      tpu.wait_indirect_dma semaphore(%arg12 : memref<!tpu.dma_semaphore, #tpu.memory_space<semaphore_mem>>) src(%dma_wait3A_163 : memref<100000x8xf32, #tpu.memory_space<hbm>>) dst(%dma_wait3A_157 : memref<100x8xf32, #tpu.memory_space<vmem>>)
      %dma_wait3A_164 = arith.constant 4 : i32
      %dma_wait3A_165 = arith.constant 4 : i32
      %dma_wait3A_166 = arith.constant 0 : i32
      %dma_wait3A_167 = arith.constant 0 : i32
      %dma_wait3A_168 = tpu.memref_slice %arg9[%dma_wait3A_165, %dma_wait3A_166, %dma_wait3A_167] : memref<8x100x8xf32, #tpu.memory_space<vmem>> -> memref<1x100x8xf32, #tpu.memory_space<vmem>>
      %dma_wait3A_169 = tpu.memref_squeeze %dma_wait3A_168 : memref<1x100x8xf32, #tpu.memory_space<vmem>> -> memref<100x8xf32, #tpu.memory_space<vmem>>
      %dma_wait3A_170 = arith.constant 0 : i32
      %dma_wait3A_171 = tpu.memref_slice %arg7[%dma_wait3A_164, %dma_wait3A_170] : memref<8x100xi32, #tpu.memory_space<vmem>> -> memref<1x100xi32, #tpu.memory_space<vmem>>
      %dma_wait3A_172 = tpu.memref_squeeze %dma_wait3A_171 : memref<1x100xi32, #tpu.memory_space<vmem>> -> memref<100xi32, #tpu.memory_space<vmem>>
      %dma_wait3A_173 = arith.constant 0 : i32
      %dma_wait3A_174 = arith.constant 0 : i32
      %dma_wait3A_175 = tpu.memref_slice %arg2[%dma_wait3A_173, %dma_wait3A_174] : memref<100000x8xf32, #tpu.memory_space<hbm>> -> memref<100000x8xf32, #tpu.memory_space<hbm>>
      tpu.wait_indirect_dma semaphore(%arg12 : memref<!tpu.dma_semaphore, #tpu.memory_space<semaphore_mem>>) src(%dma_wait3A_175 : memref<100000x8xf32, #tpu.memory_space<hbm>>) dst(%dma_wait3A_169 : memref<100x8xf32, #tpu.memory_space<vmem>>)
      %dma_wait3A_176 = arith.constant 5 : i32
      %dma_wait3A_177 = arith.constant 5 : i32
      %dma_wait3A_178 = arith.constant 0 : i32
      %dma_wait3A_179 = arith.constant 0 : i32
      %dma_wait3A_180 = tpu.memref_slice %arg9[%dma_wait3A_177, %dma_wait3A_178, %dma_wait3A_179] : memref<8x100x8xf32, #tpu.memory_space<vmem>> -> memref<1x100x8xf32, #tpu.memory_space<vmem>>
      %dma_wait3A_181 = tpu.memref_squeeze %dma_wait3A_180 : memref<1x100x8xf32, #tpu.memory_space<vmem>> -> memref<100x8xf32, #tpu.memory_space<vmem>>
      %dma_wait3A_182 = arith.constant 0 : i32
      %dma_wait3A_183 = tpu.memref_slice %arg7[%dma_wait3A_176, %dma_wait3A_182] : memref<8x100xi32, #tpu.memory_space<vmem>> -> memref<1x100xi32, #tpu.memory_space<vmem>>
      %dma_wait3A_184 = tpu.memref_squeeze %dma_wait3A_183 : memref<1x100xi32, #tpu.memory_space<vmem>> -> memref<100xi32, #tpu.memory_space<vmem>>
      %dma_wait3A_185 = arith.constant 0 : i32
      %dma_wait3A_186 = arith.constant 0 : i32
      %dma_wait3A_187 = tpu.memref_slice %arg2[%dma_wait3A_185, %dma_wait3A_186] : memref<100000x8xf32, #tpu.memory_space<hbm>> -> memref<100000x8xf32, #tpu.memory_space<hbm>>
      tpu.wait_indirect_dma semaphore(%arg12 : memref<!tpu.dma_semaphore, #tpu.memory_space<semaphore_mem>>) src(%dma_wait3A_187 : memref<100000x8xf32, #tpu.memory_space<hbm>>) dst(%dma_wait3A_181 : memref<100x8xf32, #tpu.memory_space<vmem>>)
      %dma_wait3A_188 = arith.constant 6 : i32
      %dma_wait3A_189 = arith.constant 6 : i32
      %dma_wait3A_190 = arith.constant 0 : i32
      %dma_wait3A_191 = arith.constant 0 : i32
      %dma_wait3A_192 = tpu.memref_slice %arg9[%dma_wait3A_189, %dma_wait3A_190, %dma_wait3A_191] : memref<8x100x8xf32, #tpu.memory_space<vmem>> -> memref<1x100x8xf32, #tpu.memory_space<vmem>>
      %dma_wait3A_193 = tpu.memref_squeeze %dma_wait3A_192 : memref<1x100x8xf32, #tpu.memory_space<vmem>> -> memref<100x8xf32, #tpu.memory_space<vmem>>
      %dma_wait3A_194 = arith.constant 0 : i32
      %dma_wait3A_195 = tpu.memref_slice %arg7[%dma_wait3A_188, %dma_wait3A_194] : memref<8x100xi32, #tpu.memory_space<vmem>> -> memref<1x100xi32, #tpu.memory_space<vmem>>
      %dma_wait3A_196 = tpu.memref_squeeze %dma_wait3A_195 : memref<1x100xi32, #tpu.memory_space<vmem>> -> memref<100xi32, #tpu.memory_space<vmem>>
      %dma_wait3A_197 = arith.constant 0 : i32
      %dma_wait3A_198 = arith.constant 0 : i32
      %dma_wait3A_199 = tpu.memref_slice %arg2[%dma_wait3A_197, %dma_wait3A_198] : memref<100000x8xf32, #tpu.memory_space<hbm>> -> memref<100000x8xf32, #tpu.memory_space<hbm>>
      tpu.wait_indirect_dma semaphore(%arg12 : memref<!tpu.dma_semaphore, #tpu.memory_space<semaphore_mem>>) src(%dma_wait3A_199 : memref<100000x8xf32, #tpu.memory_space<hbm>>) dst(%dma_wait3A_193 : memref<100x8xf32, #tpu.memory_space<vmem>>)
      %dma_wait3A_200 = arith.constant 7 : i32
      %dma_wait3A_201 = arith.constant 7 : i32
      %dma_wait3A_202 = arith.constant 0 : i32
      %dma_wait3A_203 = arith.constant 0 : i32
      %dma_wait3A_204 = tpu.memref_slice %arg9[%dma_wait3A_201, %dma_wait3A_202, %dma_wait3A_203] : memref<8x100x8xf32, #tpu.memory_space<vmem>> -> memref<1x100x8xf32, #tpu.memory_space<vmem>>
      %dma_wait3A_205 = tpu.memref_squeeze %dma_wait3A_204 : memref<1x100x8xf32, #tpu.memory_space<vmem>> -> memref<100x8xf32, #tpu.memory_space<vmem>>
      %dma_wait3A_206 = arith.constant 0 : i32
      %dma_wait3A_207 = tpu.memref_slice %arg7[%dma_wait3A_200, %dma_wait3A_206] : memref<8x100xi32, #tpu.memory_space<vmem>> -> memref<1x100xi32, #tpu.memory_space<vmem>>
      %dma_wait3A_208 = tpu.memref_squeeze %dma_wait3A_207 : memref<1x100xi32, #tpu.memory_space<vmem>> -> memref<100xi32, #tpu.memory_space<vmem>>
      %dma_wait3A_209 = arith.constant 0 : i32
      %dma_wait3A_210 = arith.constant 0 : i32
      %dma_wait3A_211 = tpu.memref_slice %arg2[%dma_wait3A_209, %dma_wait3A_210] : memref<100000x8xf32, #tpu.memory_space<hbm>> -> memref<100000x8xf32, #tpu.memory_space<hbm>>
      tpu.wait_indirect_dma semaphore(%arg12 : memref<!tpu.dma_semaphore, #tpu.memory_space<semaphore_mem>>) src(%dma_wait3A_211 : memref<100000x8xf32, #tpu.memory_space<hbm>>) dst(%dma_wait3A_205 : memref<100x8xf32, #tpu.memory_space<vmem>>)
      %dma_start3A_212 = arith.constant 0 : i32
      %dma_start3A_213 = arith.constant 0 : i32
      %dma_start3A_214 = arith.constant 0 : i32
      %dma_start3A_215 = arith.constant 0 : i32
      %dma_start3A_216 = tpu.memref_slice %arg9[%dma_start3A_212, %dma_start3A_214, %dma_start3A_215] : memref<8x100x8xf32, #tpu.memory_space<vmem>> -> memref<1x100x8xf32, #tpu.memory_space<vmem>>
      %dma_start3A_217 = tpu.memref_squeeze %dma_start3A_216 : memref<1x100x8xf32, #tpu.memory_space<vmem>> -> memref<100x8xf32, #tpu.memory_space<vmem>>
      %dma_start3A_218 = arith.constant 0 : i32
      %dma_start3A_219 = tpu.memref_slice %arg8[%dma_start3A_213, %dma_start3A_218] : memref<8x100xi32, #tpu.memory_space<vmem>> -> memref<1x100xi32, #tpu.memory_space<vmem>>
      %dma_start3A_220 = tpu.memref_squeeze %dma_start3A_219 : memref<1x100xi32, #tpu.memory_space<vmem>> -> memref<100xi32, #tpu.memory_space<vmem>>
      %dma_start3A_221 = arith.constant 0 : i32
      %dma_start3A_222 = arith.constant 0 : i32
      %dma_start3A_223 = tpu.memref_slice %arg10[%dma_start3A_221, %dma_start3A_222] : memref<100096x8xf32, #tpu.memory_space<vmem_shared>> -> memref<100096x8xf32, #tpu.memory_space<vmem_shared>>
      tpu.enqueue_indirect_dma source(%dma_start3A_217 : memref<100x8xf32, #tpu.memory_space<vmem>>) target(%dma_start3A_223 : memref<100096x8xf32, #tpu.memory_space<vmem_shared>>) offsets(%dma_start3A_220 : memref<100xi32, #tpu.memory_space<vmem>>) semaphore(%arg13 : memref<!tpu.dma_semaphore, #tpu.memory_space<semaphore_mem>>) {add = true}
      %dma_start3A_224 = arith.constant 1 : i32
      %dma_start3A_225 = arith.constant 1 : i32
      %dma_start3A_226 = arith.constant 0 : i32
      %dma_start3A_227 = arith.constant 0 : i32
      %dma_start3A_228 = tpu.memref_slice %arg9[%dma_start3A_224, %dma_start3A_226, %dma_start3A_227] : memref<8x100x8xf32, #tpu.memory_space<vmem>> -> memref<1x100x8xf32, #tpu.memory_space<vmem>>
      %dma_start3A_229 = tpu.memref_squeeze %dma_start3A_228 : memref<1x100x8xf32, #tpu.memory_space<vmem>> -> memref<100x8xf32, #tpu.memory_space<vmem>>
      %dma_start3A_230 = arith.constant 0 : i32
      %dma_start3A_231 = tpu.memref_slice %arg8[%dma_start3A_225, %dma_start3A_230] : memref<8x100xi32, #tpu.memory_space<vmem>> -> memref<1x100xi32, #tpu.memory_space<vmem>>
      %dma_start3A_232 = tpu.memref_squeeze %dma_start3A_231 : memref<1x100xi32, #tpu.memory_space<vmem>> -> memref<100xi32, #tpu.memory_space<vmem>>
      %dma_start3A_233 = arith.constant 0 : i32
      %dma_start3A_234 = arith.constant 0 : i32
      %dma_start3A_235 = tpu.memref_slice %arg10[%dma_start3A_233, %dma_start3A_234] : memref<100096x8xf32, #tpu.memory_space<vmem_shared>> -> memref<100096x8xf32, #tpu.memory_space<vmem_shared>>
      tpu.enqueue_indirect_dma source(%dma_start3A_229 : memref<100x8xf32, #tpu.memory_space<vmem>>) target(%dma_start3A_235 : memref<100096x8xf32, #tpu.memory_space<vmem_shared>>) offsets(%dma_start3A_232 : memref<100xi32, #tpu.memory_space<vmem>>) semaphore(%arg13 : memref<!tpu.dma_semaphore, #tpu.memory_space<semaphore_mem>>) {add = true}
      %dma_start3A_236 = arith.constant 2 : i32
      %dma_start3A_237 = arith.constant 2 : i32
      %dma_start3A_238 = arith.constant 0 : i32
      %dma_start3A_239 = arith.constant 0 : i32
      %dma_start3A_240 = tpu.memref_slice %arg9[%dma_start3A_236, %dma_start3A_238, %dma_start3A_239] : memref<8x100x8xf32, #tpu.memory_space<vmem>> -> memref<1x100x8xf32, #tpu.memory_space<vmem>>
      %dma_start3A_241 = tpu.memref_squeeze %dma_start3A_240 : memref<1x100x8xf32, #tpu.memory_space<vmem>> -> memref<100x8xf32, #tpu.memory_space<vmem>>
      %dma_start3A_242 = arith.constant 0 : i32
      %dma_start3A_243 = tpu.memref_slice %arg8[%dma_start3A_237, %dma_start3A_242] : memref<8x100xi32, #tpu.memory_space<vmem>> -> memref<1x100xi32, #tpu.memory_space<vmem>>
      %dma_start3A_244 = tpu.memref_squeeze %dma_start3A_243 : memref<1x100xi32, #tpu.memory_space<vmem>> -> memref<100xi32, #tpu.memory_space<vmem>>
      %dma_start3A_245 = arith.constant 0 : i32
      %dma_start3A_246 = arith.constant 0 : i32
      %dma_start3A_247 = tpu.memref_slice %arg10[%dma_start3A_245, %dma_start3A_246] : memref<100096x8xf32, #tpu.memory_space<vmem_shared>> -> memref<100096x8xf32, #tpu.memory_space<vmem_shared>>
      tpu.enqueue_indirect_dma source(%dma_start3A_241 : memref<100x8xf32, #tpu.memory_space<vmem>>) target(%dma_start3A_247 : memref<100096x8xf32, #tpu.memory_space<vmem_shared>>) offsets(%dma_start3A_244 : memref<100xi32, #tpu.memory_space<vmem>>) semaphore(%arg13 : memref<!tpu.dma_semaphore, #tpu.memory_space<semaphore_mem>>) {add = true}
      %dma_start3A_248 = arith.constant 3 : i32
      %dma_start3A_249 = arith.constant 3 : i32
      %dma_start3A_250 = arith.constant 0 : i32
      %dma_start3A_251 = arith.constant 0 : i32
      %dma_start3A_252 = tpu.memref_slice %arg9[%dma_start3A_248, %dma_start3A_250, %dma_start3A_251] : memref<8x100x8xf32, #tpu.memory_space<vmem>> -> memref<1x100x8xf32, #tpu.memory_space<vmem>>
      %dma_start3A_253 = tpu.memref_squeeze %dma_start3A_252 : memref<1x100x8xf32, #tpu.memory_space<vmem>> -> memref<100x8xf32, #tpu.memory_space<vmem>>
      %dma_start3A_254 = arith.constant 0 : i32
      %dma_start3A_255 = tpu.memref_slice %arg8[%dma_start3A_249, %dma_start3A_254] : memref<8x100xi32, #tpu.memory_space<vmem>> -> memref<1x100xi32, #tpu.memory_space<vmem>>
      %dma_start3A_256 = tpu.memref_squeeze %dma_start3A_255 : memref<1x100xi32, #tpu.memory_space<vmem>> -> memref<100xi32, #tpu.memory_space<vmem>>
      %dma_start3A_257 = arith.constant 0 : i32
      %dma_start3A_258 = arith.constant 0 : i32
      %dma_start3A_259 = tpu.memref_slice %arg10[%dma_start3A_257, %dma_start3A_258] : memref<100096x8xf32, #tpu.memory_space<vmem_shared>> -> memref<100096x8xf32, #tpu.memory_space<vmem_shared>>
      tpu.enqueue_indirect_dma source(%dma_start3A_253 : memref<100x8xf32, #tpu.memory_space<vmem>>) target(%dma_start3A_259 : memref<100096x8xf32, #tpu.memory_space<vmem_shared>>) offsets(%dma_start3A_256 : memref<100xi32, #tpu.memory_space<vmem>>) semaphore(%arg13 : memref<!tpu.dma_semaphore, #tpu.memory_space<semaphore_mem>>) {add = true}
      %dma_start3A_260 = arith.constant 4 : i32
      %dma_start3A_261 = arith.constant 4 : i32
      %dma_start3A_262 = arith.constant 0 : i32
      %dma_start3A_263 = arith.constant 0 : i32
      %dma_start3A_264 = tpu.memref_slice %arg9[%dma_start3A_260, %dma_start3A_262, %dma_start3A_263] : memref<8x100x8xf32, #tpu.memory_space<vmem>> -> memref<1x100x8xf32, #tpu.memory_space<vmem>>
      %dma_start3A_265 = tpu.memref_squeeze %dma_start3A_264 : memref<1x100x8xf32, #tpu.memory_space<vmem>> -> memref<100x8xf32, #tpu.memory_space<vmem>>
      %dma_start3A_266 = arith.constant 0 : i32
      %dma_start3A_267 = tpu.memref_slice %arg8[%dma_start3A_261, %dma_start3A_266] : memref<8x100xi32, #tpu.memory_space<vmem>> -> memref<1x100xi32, #tpu.memory_space<vmem>>
      %dma_start3A_268 = tpu.memref_squeeze %dma_start3A_267 : memref<1x100xi32, #tpu.memory_space<vmem>> -> memref<100xi32, #tpu.memory_space<vmem>>
      %dma_start3A_269 = arith.constant 0 : i32
      %dma_start3A_270 = arith.constant 0 : i32
      %dma_start3A_271 = tpu.memref_slice %arg10[%dma_start3A_269, %dma_start3A_270] : memref<100096x8xf32, #tpu.memory_space<vmem_shared>> -> memref<100096x8xf32, #tpu.memory_space<vmem_shared>>
      tpu.enqueue_indirect_dma source(%dma_start3A_265 : memref<100x8xf32, #tpu.memory_space<vmem>>) target(%dma_start3A_271 : memref<100096x8xf32, #tpu.memory_space<vmem_shared>>) offsets(%dma_start3A_268 : memref<100xi32, #tpu.memory_space<vmem>>) semaphore(%arg13 : memref<!tpu.dma_semaphore, #tpu.memory_space<semaphore_mem>>) {add = true}
      %dma_start3A_272 = arith.constant 5 : i32
      %dma_start3A_273 = arith.constant 5 : i32
      %dma_start3A_274 = arith.constant 0 : i32
      %dma_start3A_275 = arith.constant 0 : i32
      %dma_start3A_276 = tpu.memref_slice %arg9[%dma_start3A_272, %dma_start3A_274, %dma_start3A_275] : memref<8x100x8xf32, #tpu.memory_space<vmem>> -> memref<1x100x8xf32, #tpu.memory_space<vmem>>
      %dma_start3A_277 = tpu.memref_squeeze %dma_start3A_276 : memref<1x100x8xf32, #tpu.memory_space<vmem>> -> memref<100x8xf32, #tpu.memory_space<vmem>>
      %dma_start3A_278 = arith.constant 0 : i32
      %dma_start3A_279 = tpu.memref_slice %arg8[%dma_start3A_273, %dma_start3A_278] : memref<8x100xi32, #tpu.memory_space<vmem>> -> memref<1x100xi32, #tpu.memory_space<vmem>>
      %dma_start3A_280 = tpu.memref_squeeze %dma_start3A_279 : memref<1x100xi32, #tpu.memory_space<vmem>> -> memref<100xi32, #tpu.memory_space<vmem>>
      %dma_start3A_281 = arith.constant 0 : i32
      %dma_start3A_282 = arith.constant 0 : i32
      %dma_start3A_283 = tpu.memref_slice %arg10[%dma_start3A_281, %dma_start3A_282] : memref<100096x8xf32, #tpu.memory_space<vmem_shared>> -> memref<100096x8xf32, #tpu.memory_space<vmem_shared>>
      tpu.enqueue_indirect_dma source(%dma_start3A_277 : memref<100x8xf32, #tpu.memory_space<vmem>>) target(%dma_start3A_283 : memref<100096x8xf32, #tpu.memory_space<vmem_shared>>) offsets(%dma_start3A_280 : memref<100xi32, #tpu.memory_space<vmem>>) semaphore(%arg13 : memref<!tpu.dma_semaphore, #tpu.memory_space<semaphore_mem>>) {add = true}
      %dma_start3A_284 = arith.constant 6 : i32
      %dma_start3A_285 = arith.constant 6 : i32
      %dma_start3A_286 = arith.constant 0 : i32
      %dma_start3A_287 = arith.constant 0 : i32
      %dma_start3A_288 = tpu.memref_slice %arg9[%dma_start3A_284, %dma_start3A_286, %dma_start3A_287] : memref<8x100x8xf32, #tpu.memory_space<vmem>> -> memref<1x100x8xf32, #tpu.memory_space<vmem>>
      %dma_start3A_289 = tpu.memref_squeeze %dma_start3A_288 : memref<1x100x8xf32, #tpu.memory_space<vmem>> -> memref<100x8xf32, #tpu.memory_space<vmem>>
      %dma_start3A_290 = arith.constant 0 : i32
      %dma_start3A_291 = tpu.memref_slice %arg8[%dma_start3A_285, %dma_start3A_290] : memref<8x100xi32, #tpu.memory_space<vmem>> -> memref<1x100xi32, #tpu.memory_space<vmem>>
      %dma_start3A_292 = tpu.memref_squeeze %dma_start3A_291 : memref<1x100xi32, #tpu.memory_space<vmem>> -> memref<100xi32, #tpu.memory_space<vmem>>
      %dma_start3A_293 = arith.constant 0 : i32
      %dma_start3A_294 = arith.constant 0 : i32
      %dma_start3A_295 = tpu.memref_slice %arg10[%dma_start3A_293, %dma_start3A_294] : memref<100096x8xf32, #tpu.memory_space<vmem_shared>> -> memref<100096x8xf32, #tpu.memory_space<vmem_shared>>
      tpu.enqueue_indirect_dma source(%dma_start3A_289 : memref<100x8xf32, #tpu.memory_space<vmem>>) target(%dma_start3A_295 : memref<100096x8xf32, #tpu.memory_space<vmem_shared>>) offsets(%dma_start3A_292 : memref<100xi32, #tpu.memory_space<vmem>>) semaphore(%arg13 : memref<!tpu.dma_semaphore, #tpu.memory_space<semaphore_mem>>) {add = true}
      %dma_start3A_296 = arith.constant 7 : i32
      %dma_start3A_297 = arith.constant 7 : i32
      %dma_start3A_298 = arith.constant 0 : i32
      %dma_start3A_299 = arith.constant 0 : i32
      %dma_start3A_300 = tpu.memref_slice %arg9[%dma_start3A_296, %dma_start3A_298, %dma_start3A_299] : memref<8x100x8xf32, #tpu.memory_space<vmem>> -> memref<1x100x8xf32, #tpu.memory_space<vmem>>
      %dma_start3A_301 = tpu.memref_squeeze %dma_start3A_300 : memref<1x100x8xf32, #tpu.memory_space<vmem>> -> memref<100x8xf32, #tpu.memory_space<vmem>>
      %dma_start3A_302 = arith.constant 0 : i32
      %dma_start3A_303 = tpu.memref_slice %arg8[%dma_start3A_297, %dma_start3A_302] : memref<8x100xi32, #tpu.memory_space<vmem>> -> memref<1x100xi32, #tpu.memory_space<vmem>>
      %dma_start3A_304 = tpu.memref_squeeze %dma_start3A_303 : memref<1x100xi32, #tpu.memory_space<vmem>> -> memref<100xi32, #tpu.memory_space<vmem>>
      %dma_start3A_305 = arith.constant 0 : i32
      %dma_start3A_306 = arith.constant 0 : i32
      %dma_start3A_307 = tpu.memref_slice %arg10[%dma_start3A_305, %dma_start3A_306] : memref<100096x8xf32, #tpu.memory_space<vmem_shared>> -> memref<100096x8xf32, #tpu.memory_space<vmem_shared>>
      tpu.enqueue_indirect_dma source(%dma_start3A_301 : memref<100x8xf32, #tpu.memory_space<vmem>>) target(%dma_start3A_307 : memref<100096x8xf32, #tpu.memory_space<vmem_shared>>) offsets(%dma_start3A_304 : memref<100xi32, #tpu.memory_space<vmem>>) semaphore(%arg13 : memref<!tpu.dma_semaphore, #tpu.memory_space<semaphore_mem>>) {add = true}
      %dma_wait3A_308 = arith.constant 0 : i32
      %dma_wait3A_309 = arith.constant 0 : i32
      %dma_wait3A_310 = arith.constant 0 : i32
      %dma_wait3A_311 = arith.constant 0 : i32
      %dma_wait3A_312 = tpu.memref_slice %arg9[%dma_wait3A_308, %dma_wait3A_310, %dma_wait3A_311] : memref<8x100x8xf32, #tpu.memory_space<vmem>> -> memref<1x100x8xf32, #tpu.memory_space<vmem>>
      %dma_wait3A_313 = tpu.memref_squeeze %dma_wait3A_312 : memref<1x100x8xf32, #tpu.memory_space<vmem>> -> memref<100x8xf32, #tpu.memory_space<vmem>>
      %dma_wait3A_314 = arith.constant 0 : i32
      %dma_wait3A_315 = tpu.memref_slice %arg8[%dma_wait3A_309, %dma_wait3A_314] : memref<8x100xi32, #tpu.memory_space<vmem>> -> memref<1x100xi32, #tpu.memory_space<vmem>>
      %dma_wait3A_316 = tpu.memref_squeeze %dma_wait3A_315 : memref<1x100xi32, #tpu.memory_space<vmem>> -> memref<100xi32, #tpu.memory_space<vmem>>
      %dma_wait3A_317 = arith.constant 0 : i32
      %dma_wait3A_318 = arith.constant 0 : i32
      %dma_wait3A_319 = tpu.memref_slice %arg10[%dma_wait3A_317, %dma_wait3A_318] : memref<100096x8xf32, #tpu.memory_space<vmem_shared>> -> memref<100096x8xf32, #tpu.memory_space<vmem_shared>>
      tpu.wait_indirect_dma semaphore(%arg13 : memref<!tpu.dma_semaphore, #tpu.memory_space<semaphore_mem>>) src(%dma_wait3A_313 : memref<100x8xf32, #tpu.memory_space<vmem>>) dst(%dma_wait3A_319 : memref<100096x8xf32, #tpu.memory_space<vmem_shared>>)
      %dma_wait3A_320 = arith.constant 1 : i32
      %dma_wait3A_321 = arith.constant 1 : i32
      %dma_wait3A_322 = arith.constant 0 : i32
      %dma_wait3A_323 = arith.constant 0 : i32
      %dma_wait3A_324 = tpu.memref_slice %arg9[%dma_wait3A_320, %dma_wait3A_322, %dma_wait3A_323] : memref<8x100x8xf32, #tpu.memory_space<vmem>> -> memref<1x100x8xf32, #tpu.memory_space<vmem>>
      %dma_wait3A_325 = tpu.memref_squeeze %dma_wait3A_324 : memref<1x100x8xf32, #tpu.memory_space<vmem>> -> memref<100x8xf32, #tpu.memory_space<vmem>>
      %dma_wait3A_326 = arith.constant 0 : i32
      %dma_wait3A_327 = tpu.memref_slice %arg8[%dma_wait3A_321, %dma_wait3A_326] : memref<8x100xi32, #tpu.memory_space<vmem>> -> memref<1x100xi32, #tpu.memory_space<vmem>>
      %dma_wait3A_328 = tpu.memref_squeeze %dma_wait3A_327 : memref<1x100xi32, #tpu.memory_space<vmem>> -> memref<100xi32, #tpu.memory_space<vmem>>
      %dma_wait3A_329 = arith.constant 0 : i32
      %dma_wait3A_330 = arith.constant 0 : i32
      %dma_wait3A_331 = tpu.memref_slice %arg10[%dma_wait3A_329, %dma_wait3A_330] : memref<100096x8xf32, #tpu.memory_space<vmem_shared>> -> memref<100096x8xf32, #tpu.memory_space<vmem_shared>>
      tpu.wait_indirect_dma semaphore(%arg13 : memref<!tpu.dma_semaphore, #tpu.memory_space<semaphore_mem>>) src(%dma_wait3A_325 : memref<100x8xf32, #tpu.memory_space<vmem>>) dst(%dma_wait3A_331 : memref<100096x8xf32, #tpu.memory_space<vmem_shared>>)
      %dma_wait3A_332 = arith.constant 2 : i32
      %dma_wait3A_333 = arith.constant 2 : i32
      %dma_wait3A_334 = arith.constant 0 : i32
      %dma_wait3A_335 = arith.constant 0 : i32
      %dma_wait3A_336 = tpu.memref_slice %arg9[%dma_wait3A_332, %dma_wait3A_334, %dma_wait3A_335] : memref<8x100x8xf32, #tpu.memory_space<vmem>> -> memref<1x100x8xf32, #tpu.memory_space<vmem>>
      %dma_wait3A_337 = tpu.memref_squeeze %dma_wait3A_336 : memref<1x100x8xf32, #tpu.memory_space<vmem>> -> memref<100x8xf32, #tpu.memory_space<vmem>>
      %dma_wait3A_338 = arith.constant 0 : i32
      %dma_wait3A_339 = tpu.memref_slice %arg8[%dma_wait3A_333, %dma_wait3A_338] : memref<8x100xi32, #tpu.memory_space<vmem>> -> memref<1x100xi32, #tpu.memory_space<vmem>>
      %dma_wait3A_340 = tpu.memref_squeeze %dma_wait3A_339 : memref<1x100xi32, #tpu.memory_space<vmem>> -> memref<100xi32, #tpu.memory_space<vmem>>
      %dma_wait3A_341 = arith.constant 0 : i32
      %dma_wait3A_342 = arith.constant 0 : i32
      %dma_wait3A_343 = tpu.memref_slice %arg10[%dma_wait3A_341, %dma_wait3A_342] : memref<100096x8xf32, #tpu.memory_space<vmem_shared>> -> memref<100096x8xf32, #tpu.memory_space<vmem_shared>>
      tpu.wait_indirect_dma semaphore(%arg13 : memref<!tpu.dma_semaphore, #tpu.memory_space<semaphore_mem>>) src(%dma_wait3A_337 : memref<100x8xf32, #tpu.memory_space<vmem>>) dst(%dma_wait3A_343 : memref<100096x8xf32, #tpu.memory_space<vmem_shared>>)
      %dma_wait3A_344 = arith.constant 3 : i32
      %dma_wait3A_345 = arith.constant 3 : i32
      %dma_wait3A_346 = arith.constant 0 : i32
      %dma_wait3A_347 = arith.constant 0 : i32
      %dma_wait3A_348 = tpu.memref_slice %arg9[%dma_wait3A_344, %dma_wait3A_346, %dma_wait3A_347] : memref<8x100x8xf32, #tpu.memory_space<vmem>> -> memref<1x100x8xf32, #tpu.memory_space<vmem>>
      %dma_wait3A_349 = tpu.memref_squeeze %dma_wait3A_348 : memref<1x100x8xf32, #tpu.memory_space<vmem>> -> memref<100x8xf32, #tpu.memory_space<vmem>>
      %dma_wait3A_350 = arith.constant 0 : i32
      %dma_wait3A_351 = tpu.memref_slice %arg8[%dma_wait3A_345, %dma_wait3A_350] : memref<8x100xi32, #tpu.memory_space<vmem>> -> memref<1x100xi32, #tpu.memory_space<vmem>>
      %dma_wait3A_352 = tpu.memref_squeeze %dma_wait3A_351 : memref<1x100xi32, #tpu.memory_space<vmem>> -> memref<100xi32, #tpu.memory_space<vmem>>
      %dma_wait3A_353 = arith.constant 0 : i32
      %dma_wait3A_354 = arith.constant 0 : i32
      %dma_wait3A_355 = tpu.memref_slice %arg10[%dma_wait3A_353, %dma_wait3A_354] : memref<100096x8xf32, #tpu.memory_space<vmem_shared>> -> memref<100096x8xf32, #tpu.memory_space<vmem_shared>>
      tpu.wait_indirect_dma semaphore(%arg13 : memref<!tpu.dma_semaphore, #tpu.memory_space<semaphore_mem>>) src(%dma_wait3A_349 : memref<100x8xf32, #tpu.memory_space<vmem>>) dst(%dma_wait3A_355 : memref<100096x8xf32, #tpu.memory_space<vmem_shared>>)
      %dma_wait3A_356 = arith.constant 4 : i32
      %dma_wait3A_357 = arith.constant 4 : i32
      %dma_wait3A_358 = arith.constant 0 : i32
      %dma_wait3A_359 = arith.constant 0 : i32
      %dma_wait3A_360 = tpu.memref_slice %arg9[%dma_wait3A_356, %dma_wait3A_358, %dma_wait3A_359] : memref<8x100x8xf32, #tpu.memory_space<vmem>> -> memref<1x100x8xf32, #tpu.memory_space<vmem>>
      %dma_wait3A_361 = tpu.memref_squeeze %dma_wait3A_360 : memref<1x100x8xf32, #tpu.memory_space<vmem>> -> memref<100x8xf32, #tpu.memory_space<vmem>>
      %dma_wait3A_362 = arith.constant 0 : i32
      %dma_wait3A_363 = tpu.memref_slice %arg8[%dma_wait3A_357, %dma_wait3A_362] : memref<8x100xi32, #tpu.memory_space<vmem>> -> memref<1x100xi32, #tpu.memory_space<vmem>>
      %dma_wait3A_364 = tpu.memref_squeeze %dma_wait3A_363 : memref<1x100xi32, #tpu.memory_space<vmem>> -> memref<100xi32, #tpu.memory_space<vmem>>
      %dma_wait3A_365 = arith.constant 0 : i32
      %dma_wait3A_366 = arith.constant 0 : i32
      %dma_wait3A_367 = tpu.memref_slice %arg10[%dma_wait3A_365, %dma_wait3A_366] : memref<100096x8xf32, #tpu.memory_space<vmem_shared>> -> memref<100096x8xf32, #tpu.memory_space<vmem_shared>>
      tpu.wait_indirect_dma semaphore(%arg13 : memref<!tpu.dma_semaphore, #tpu.memory_space<semaphore_mem>>) src(%dma_wait3A_361 : memref<100x8xf32, #tpu.memory_space<vmem>>) dst(%dma_wait3A_367 : memref<100096x8xf32, #tpu.memory_space<vmem_shared>>)
      %dma_wait3A_368 = arith.constant 5 : i32
      %dma_wait3A_369 = arith.constant 5 : i32
      %dma_wait3A_370 = arith.constant 0 : i32
      %dma_wait3A_371 = arith.constant 0 : i32
      %dma_wait3A_372 = tpu.memref_slice %arg9[%dma_wait3A_368, %dma_wait3A_370, %dma_wait3A_371] : memref<8x100x8xf32, #tpu.memory_space<vmem>> -> memref<1x100x8xf32, #tpu.memory_space<vmem>>
      %dma_wait3A_373 = tpu.memref_squeeze %dma_wait3A_372 : memref<1x100x8xf32, #tpu.memory_space<vmem>> -> memref<100x8xf32, #tpu.memory_space<vmem>>
      %dma_wait3A_374 = arith.constant 0 : i32
      %dma_wait3A_375 = tpu.memref_slice %arg8[%dma_wait3A_369, %dma_wait3A_374] : memref<8x100xi32, #tpu.memory_space<vmem>> -> memref<1x100xi32, #tpu.memory_space<vmem>>
      %dma_wait3A_376 = tpu.memref_squeeze %dma_wait3A_375 : memref<1x100xi32, #tpu.memory_space<vmem>> -> memref<100xi32, #tpu.memory_space<vmem>>
      %dma_wait3A_377 = arith.constant 0 : i32
      %dma_wait3A_378 = arith.constant 0 : i32
      %dma_wait3A_379 = tpu.memref_slice %arg10[%dma_wait3A_377, %dma_wait3A_378] : memref<100096x8xf32, #tpu.memory_space<vmem_shared>> -> memref<100096x8xf32, #tpu.memory_space<vmem_shared>>
      tpu.wait_indirect_dma semaphore(%arg13 : memref<!tpu.dma_semaphore, #tpu.memory_space<semaphore_mem>>) src(%dma_wait3A_373 : memref<100x8xf32, #tpu.memory_space<vmem>>) dst(%dma_wait3A_379 : memref<100096x8xf32, #tpu.memory_space<vmem_shared>>)
      %dma_wait3A_380 = arith.constant 6 : i32
      %dma_wait3A_381 = arith.constant 6 : i32
      %dma_wait3A_382 = arith.constant 0 : i32
      %dma_wait3A_383 = arith.constant 0 : i32
      %dma_wait3A_384 = tpu.memref_slice %arg9[%dma_wait3A_380, %dma_wait3A_382, %dma_wait3A_383] : memref<8x100x8xf32, #tpu.memory_space<vmem>> -> memref<1x100x8xf32, #tpu.memory_space<vmem>>
      %dma_wait3A_385 = tpu.memref_squeeze %dma_wait3A_384 : memref<1x100x8xf32, #tpu.memory_space<vmem>> -> memref<100x8xf32, #tpu.memory_space<vmem>>
      %dma_wait3A_386 = arith.constant 0 : i32
      %dma_wait3A_387 = tpu.memref_slice %arg8[%dma_wait3A_381, %dma_wait3A_386] : memref<8x100xi32, #tpu.memory_space<vmem>> -> memref<1x100xi32, #tpu.memory_space<vmem>>
      %dma_wait3A_388 = tpu.memref_squeeze %dma_wait3A_387 : memref<1x100xi32, #tpu.memory_space<vmem>> -> memref<100xi32, #tpu.memory_space<vmem>>
      %dma_wait3A_389 = arith.constant 0 : i32
      %dma_wait3A_390 = arith.constant 0 : i32
      %dma_wait3A_391 = tpu.memref_slice %arg10[%dma_wait3A_389, %dma_wait3A_390] : memref<100096x8xf32, #tpu.memory_space<vmem_shared>> -> memref<100096x8xf32, #tpu.memory_space<vmem_shared>>
      tpu.wait_indirect_dma semaphore(%arg13 : memref<!tpu.dma_semaphore, #tpu.memory_space<semaphore_mem>>) src(%dma_wait3A_385 : memref<100x8xf32, #tpu.memory_space<vmem>>) dst(%dma_wait3A_391 : memref<100096x8xf32, #tpu.memory_space<vmem_shared>>)
      %dma_wait3A_392 = arith.constant 7 : i32
      %dma_wait3A_393 = arith.constant 7 : i32
      %dma_wait3A_394 = arith.constant 0 : i32
      %dma_wait3A_395 = arith.constant 0 : i32
      %dma_wait3A_396 = tpu.memref_slice %arg9[%dma_wait3A_392, %dma_wait3A_394, %dma_wait3A_395] : memref<8x100x8xf32, #tpu.memory_space<vmem>> -> memref<1x100x8xf32, #tpu.memory_space<vmem>>
      %dma_wait3A_397 = tpu.memref_squeeze %dma_wait3A_396 : memref<1x100x8xf32, #tpu.memory_space<vmem>> -> memref<100x8xf32, #tpu.memory_space<vmem>>
      %dma_wait3A_398 = arith.constant 0 : i32
      %dma_wait3A_399 = tpu.memref_slice %arg8[%dma_wait3A_393, %dma_wait3A_398] : memref<8x100xi32, #tpu.memory_space<vmem>> -> memref<1x100xi32, #tpu.memory_space<vmem>>
      %dma_wait3A_400 = tpu.memref_squeeze %dma_wait3A_399 : memref<1x100xi32, #tpu.memory_space<vmem>> -> memref<100xi32, #tpu.memory_space<vmem>>
      %dma_wait3A_401 = arith.constant 0 : i32
      %dma_wait3A_402 = arith.constant 0 : i32
      %dma_wait3A_403 = tpu.memref_slice %arg10[%dma_wait3A_401, %dma_wait3A_402] : memref<100096x8xf32, #tpu.memory_space<vmem_shared>> -> memref<100096x8xf32, #tpu.memory_space<vmem_shared>>
      tpu.wait_indirect_dma semaphore(%arg13 : memref<!tpu.dma_semaphore, #tpu.memory_space<semaphore_mem>>) src(%dma_wait3A_397 : memref<100x8xf32, #tpu.memory_space<vmem>>) dst(%dma_wait3A_403 : memref<100096x8xf32, #tpu.memory_space<vmem_shared>>)
    }
    %scan3A_6 = arith.constant 250 : i32
    %barrier3A_7 = arith.constant 0 : index
    tpu.barrier barrier_id(%barrier3A_7)
    %mul3A_8 = arith.constant 6256 : i32
    %mul3A_9 = arith.muli %arg1, %mul3A_8 : i32
    %mul3A_10 = arith.constant 6256 : i32
    %mul3A_11 = arith.muli %arg1, %mul3A_10 : i32
    "tpu.region"() ({
      %run_scoped3A = tpu.sem_alloc : memref<!tpu.dma_semaphore, #tpu.memory_space<semaphore_mem>>
      %dma_start3A = arith.constant 0 : i32
      %dma_start3A_12 = tpu.memref_slice %arg6[%arg0, %mul3A_11, %dma_start3A] : memref<2x100096x8xf32, #tpu.memory_space<hbm>> -> memref<1x6256x8xf32, #tpu.memory_space<hbm>>
      %dma_start3A_13 = tpu.memref_squeeze %dma_start3A_12 : memref<1x6256x8xf32, #tpu.memory_space<hbm>> -> memref<6256x8xf32, #tpu.memory_space<hbm>>
      %dma_start3A_14 = arith.constant 0 : i32
      %dma_start3A_15 = tpu.memref_slice %arg10[%mul3A_9, %dma_start3A_14] : memref<100096x8xf32, #tpu.memory_space<vmem_shared>> -> memref<6256x8xf32, #tpu.memory_space<vmem_shared>>
      tpu.enqueue_dma source(%dma_start3A_15 : memref<6256x8xf32, #tpu.memory_space<vmem_shared>>) target(%dma_start3A_13 : memref<6256x8xf32, #tpu.memory_space<hbm>>) target_semaphore(%run_scoped3A : memref<!tpu.dma_semaphore, #tpu.memory_space<semaphore_mem>>)
      %dma_wait3A = arith.constant 0 : i32
      %dma_wait3A_16 = tpu.memref_slice %arg6[%arg0, %mul3A_11, %dma_wait3A] : memref<2x100096x8xf32, #tpu.memory_space<hbm>> -> memref<1x6256x8xf32, #tpu.memory_space<hbm>>
      %dma_wait3A_17 = tpu.memref_squeeze %dma_wait3A_16 : memref<1x6256x8xf32, #tpu.memory_space<hbm>> -> memref<6256x8xf32, #tpu.memory_space<hbm>>
      %dma_wait3A_18 = arith.constant 0 : i32
      %dma_wait3A_19 = tpu.memref_slice %arg10[%mul3A_9, %dma_wait3A_18] : memref<100096x8xf32, #tpu.memory_space<vmem_shared>> -> memref<6256x8xf32, #tpu.memory_space<vmem_shared>>
      tpu.wait_dma2 semaphore(%run_scoped3A : memref<!tpu.dma_semaphore, #tpu.memory_space<semaphore_mem>>) src(%dma_wait3A_19 : memref<6256x8xf32, #tpu.memory_space<vmem_shared>>) dst(%dma_wait3A_17 : memref<6256x8xf32, #tpu.memory_space<hbm>>)
      tpu.yield
    }) : () -> ()
    return
  }
}

#map = affine_map<(d0, d1) -> (0, 0)>
#map1 = affine_map<(d0, d1) -> (0)>
module attributes {stable_mosaic.version = 14 : i64} {
  func.func @degk(%arg0: i32, %arg1: i32, %arg2: memref<64000x100xi32, #tpu.memory_space<hbm>>, %arg3: memref<6256xf32, #tpu.memory_space<hbm>>, %arg4: memref<200192xf32, #tpu.memory_space<hbm>>, %arg5: memref<8x100xi32, #tpu.memory_space<vmem>>, %arg6: memref<112xf32, #tpu.memory_space<vmem>>, %arg7: memref<100096xf32, #tpu.memory_space<vmem_shared>>, %arg8: memref<!tpu.dma_semaphore, #tpu.memory_space<semaphore_mem>>, %arg9: memref<!tpu.dma_semaphore, #tpu.memory_space<semaphore_mem>>) attributes {dimension_semantics = [#tpu.dimension_semantics<core_parallel>, #tpu.dimension_semantics<subcore_parallel>], iteration_bounds = array<i64: 2, 16>, scalar_prefetch = 0 : i64, scratch_operands = 5 : i64, tpu.core_type = #tpu.core_type<sc_vector_subcore>, window_params = [{transform_indices = #map}, {transform_indices = #map1}, {transform_indices = #map1}]} {
    %mul3A = arith.constant 16 : i32
    %mul3A_0 = arith.muli %arg0, %mul3A : i32
    %add3A = arith.addi %mul3A_0, %arg1 : i32
    %mul3A_1 = arith.constant 6256 : i32
    %mul3A_2 = arith.muli %arg1, %mul3A_1 : i32
    "tpu.region"() ({
      %run_scoped3A = tpu.sem_alloc : memref<!tpu.dma_semaphore, #tpu.memory_space<semaphore_mem>>
      %dma_start3A = tpu.memref_slice %arg7[%mul3A_2] : memref<100096xf32, #tpu.memory_space<vmem_shared>> -> memref<6256xf32, #tpu.memory_space<vmem_shared>>
      tpu.enqueue_dma source(%arg3 : memref<6256xf32, #tpu.memory_space<hbm>>) target(%dma_start3A : memref<6256xf32, #tpu.memory_space<vmem_shared>>) target_semaphore(%run_scoped3A : memref<!tpu.dma_semaphore, #tpu.memory_space<semaphore_mem>>)
      %dma_wait3A = tpu.memref_slice %arg7[%mul3A_2] : memref<100096xf32, #tpu.memory_space<vmem_shared>> -> memref<6256xf32, #tpu.memory_space<vmem_shared>>
      tpu.wait_dma2 semaphore(%run_scoped3A : memref<!tpu.dma_semaphore, #tpu.memory_space<semaphore_mem>>) src(%arg3 : memref<6256xf32, #tpu.memory_space<hbm>>) dst(%dma_wait3A : memref<6256xf32, #tpu.memory_space<vmem_shared>>)
      tpu.yield
    }) : () -> ()
    %broadcast_in_dim3A = arith.constant 1.000000e+00 : f32
    %broadcast_in_dim3A_3 = vector.broadcast %broadcast_in_dim3A : f32 to vector<16xf32>
    %swap3A = arith.constant 0 : index
    %swap3A_4 = tpu.vector_load %arg6[%swap3A] {strides = array<i32>} : memref<112xf32, #tpu.memory_space<vmem>>, vector<16xf32>,
    %swap3A_5 = vector.shape_cast %swap3A_4 : vector<16xf32> to vector<16xf32>
    %swap3A_6 = vector.shape_cast %broadcast_in_dim3A_3 : vector<16xf32> to vector<16xf32>
    tpu.vector_store %arg6[%swap3A], %swap3A_6 {strides = array<i32>} : memref<112xf32, #tpu.memory_space<vmem>>, vector<16xf32>,
    %broadcast_in_dim3A_7 = arith.constant 1.000000e+00 : f32
    %broadcast_in_dim3A_8 = vector.broadcast %broadcast_in_dim3A_7 : f32 to vector<16xf32>
    %swap3A_9 = arith.constant 16 : index
    %swap3A_10 = tpu.vector_load %arg6[%swap3A_9] {strides = array<i32>} : memref<112xf32, #tpu.memory_space<vmem>>, vector<16xf32>,
    %swap3A_11 = vector.shape_cast %swap3A_10 : vector<16xf32> to vector<16xf32>
    %swap3A_12 = vector.shape_cast %broadcast_in_dim3A_8 : vector<16xf32> to vector<16xf32>
    tpu.vector_store %arg6[%swap3A_9], %swap3A_12 {strides = array<i32>} : memref<112xf32, #tpu.memory_space<vmem>>, vector<16xf32>,
    %broadcast_in_dim3A_13 = arith.constant 1.000000e+00 : f32
    %broadcast_in_dim3A_14 = vector.broadcast %broadcast_in_dim3A_13 : f32 to vector<16xf32>
    %swap3A_15 = arith.constant 32 : index
    %swap3A_16 = tpu.vector_load %arg6[%swap3A_15] {strides = array<i32>} : memref<112xf32, #tpu.memory_space<vmem>>, vector<16xf32>,
    %swap3A_17 = vector.shape_cast %swap3A_16 : vector<16xf32> to vector<16xf32>
    %swap3A_18 = vector.shape_cast %broadcast_in_dim3A_14 : vector<16xf32> to vector<16xf32>
    tpu.vector_store %arg6[%swap3A_15], %swap3A_18 {strides = array<i32>} : memref<112xf32, #tpu.memory_space<vmem>>, vector<16xf32>,
    %broadcast_in_dim3A_19 = arith.constant 1.000000e+00 : f32
    %broadcast_in_dim3A_20 = vector.broadcast %broadcast_in_dim3A_19 : f32 to vector<16xf32>
    %swap3A_21 = arith.constant 48 : index
    %swap3A_22 = tpu.vector_load %arg6[%swap3A_21] {strides = array<i32>} : memref<112xf32, #tpu.memory_space<vmem>>, vector<16xf32>,
    %swap3A_23 = vector.shape_cast %swap3A_22 : vector<16xf32> to vector<16xf32>
    %swap3A_24 = vector.shape_cast %broadcast_in_dim3A_20 : vector<16xf32> to vector<16xf32>
    tpu.vector_store %arg6[%swap3A_21], %swap3A_24 {strides = array<i32>} : memref<112xf32, #tpu.memory_space<vmem>>, vector<16xf32>,
    %broadcast_in_dim3A_25 = arith.constant 1.000000e+00 : f32
    %broadcast_in_dim3A_26 = vector.broadcast %broadcast_in_dim3A_25 : f32 to vector<16xf32>
    %swap3A_27 = arith.constant 64 : index
    %swap3A_28 = tpu.vector_load %arg6[%swap3A_27] {strides = array<i32>} : memref<112xf32, #tpu.memory_space<vmem>>, vector<16xf32>,
    %swap3A_29 = vector.shape_cast %swap3A_28 : vector<16xf32> to vector<16xf32>
    %swap3A_30 = vector.shape_cast %broadcast_in_dim3A_26 : vector<16xf32> to vector<16xf32>
    tpu.vector_store %arg6[%swap3A_27], %swap3A_30 {strides = array<i32>} : memref<112xf32, #tpu.memory_space<vmem>>, vector<16xf32>,
    %broadcast_in_dim3A_31 = arith.constant 1.000000e+00 : f32
    %broadcast_in_dim3A_32 = vector.broadcast %broadcast_in_dim3A_31 : f32 to vector<16xf32>
    %swap3A_33 = arith.constant 80 : index
    %swap3A_34 = tpu.vector_load %arg6[%swap3A_33] {strides = array<i32>} : memref<112xf32, #tpu.memory_space<vmem>>, vector<16xf32>,
    %swap3A_35 = vector.shape_cast %swap3A_34 : vector<16xf32> to vector<16xf32>
    %swap3A_36 = vector.shape_cast %broadcast_in_dim3A_32 : vector<16xf32> to vector<16xf32>
    tpu.vector_store %arg6[%swap3A_33], %swap3A_36 {strides = array<i32>} : memref<112xf32, #tpu.memory_space<vmem>>, vector<16xf32>,
    %broadcast_in_dim3A_37 = arith.constant 1.000000e+00 : f32
    %broadcast_in_dim3A_38 = vector.broadcast %broadcast_in_dim3A_37 : f32 to vector<16xf32>
    %swap3A_39 = arith.constant 96 : index
    %swap3A_40 = tpu.vector_load %arg6[%swap3A_39] {strides = array<i32>} : memref<112xf32, #tpu.memory_space<vmem>>, vector<16xf32>,
    %swap3A_41 = vector.shape_cast %swap3A_40 : vector<16xf32> to vector<16xf32>
    %swap3A_42 = vector.shape_cast %broadcast_in_dim3A_38 : vector<16xf32> to vector<16xf32>
    tpu.vector_store %arg6[%swap3A_39], %swap3A_42 {strides = array<i32>} : memref<112xf32, #tpu.memory_space<vmem>>, vector<16xf32>,
    %barrier3A = arith.constant 0 : index
    tpu.barrier barrier_id(%barrier3A)
    %scan3A = arith.constant 0 : i32
    %scan3A_43 = arith.constant 250 : i32
    %scan3A_44 = arith.addi %scan3A, %scan3A_43 : i32
    %scan3A_45 = arith.constant 1 : i32
    scf.for %scan3A_55 = %scan3A to %scan3A_44 step %scan3A_45  : i32 {
      %mul3A_56 = arith.constant 1 : i32
      %mul3A_57 = arith.muli %scan3A_55, %mul3A_56 : i32
      %add3A_58 = arith.constant 0 : i32
      %add3A_59 = arith.addi %add3A_58, %mul3A_57 : i32
      %mul3A_60 = arith.constant 2000 : i32
      %mul3A_61 = arith.muli %add3A, %mul3A_60 : i32
      %mul3A_62 = arith.constant 8 : i32
      %mul3A_63 = arith.muli %add3A_59, %mul3A_62 : i32
      %add3A_64 = arith.addi %mul3A_61, %mul3A_63 : i32
      "tpu.region"() ({
        %run_scoped3A = tpu.sem_alloc : memref<!tpu.dma_semaphore, #tpu.memory_space<semaphore_mem>>
        %dma_start3A_191 = arith.constant 0 : i32
        %dma_start3A_192 = tpu.memref_slice %arg2[%add3A_64, %dma_start3A_191] : memref<64000x100xi32, #tpu.memory_space<hbm>> -> memref<8x100xi32, #tpu.memory_space<hbm>>
        %dma_start3A_193 = arith.constant 0 : i32
        %dma_start3A_194 = tpu.memref_slice %arg2[%add3A_64, %dma_start3A_193] : memref<64000x100xi32, #tpu.memory_space<hbm>> -> memref<8x100xi32, #tpu.memory_space<hbm>>
        tpu.enqueue_dma source(%dma_start3A_194 : memref<8x100xi32, #tpu.memory_space<hbm>>) target(%arg5 : memref<8x100xi32, #tpu.memory_space<vmem>>) target_semaphore(%run_scoped3A : memref<!tpu.dma_semaphore, #tpu.memory_space<semaphore_mem>>)
        %dma_wait3A_195 = arith.constant 0 : i32
        %dma_wait3A_196 = tpu.memref_slice %arg2[%add3A_64, %dma_wait3A_195] : memref<64000x100xi32, #tpu.memory_space<hbm>> -> memref<8x100xi32, #tpu.memory_space<hbm>>
        %dma_wait3A_197 = arith.constant 0 : i32
        %dma_wait3A_198 = tpu.memref_slice %arg2[%add3A_64, %dma_wait3A_197] : memref<64000x100xi32, #tpu.memory_space<hbm>> -> memref<8x100xi32, #tpu.memory_space<hbm>>
        tpu.wait_dma2 semaphore(%run_scoped3A : memref<!tpu.dma_semaphore, #tpu.memory_space<semaphore_mem>>) src(%dma_wait3A_198 : memref<8x100xi32, #tpu.memory_space<hbm>>) dst(%arg5 : memref<8x100xi32, #tpu.memory_space<vmem>>)
        tpu.yield
      }) : () -> ()
      %dma_start3A = arith.constant 0 : i32
      %dma_start3A_65 = arith.constant 0 : i32
      %dma_start3A_66 = tpu.memref_slice %arg6[%dma_start3A_65] : memref<112xf32, #tpu.memory_space<vmem>> -> memref<100xf32, #tpu.memory_space<vmem>>
      %dma_start3A_67 = arith.constant 0 : i32
      %dma_start3A_68 = tpu.memref_slice %arg5[%dma_start3A, %dma_start3A_67] : memref<8x100xi32, #tpu.memory_space<vmem>> -> memref<1x100xi32, #tpu.memory_space<vmem>>
      %dma_start3A_69 = tpu.memref_squeeze %dma_start3A_68 : memref<1x100xi32, #tpu.memory_space<vmem>> -> memref<100xi32, #tpu.memory_space<vmem>>
      %dma_start3A_70 = arith.constant 0 : i32
      %dma_start3A_71 = tpu.memref_slice %arg7[%dma_start3A_70] : memref<100096xf32, #tpu.memory_space<vmem_shared>> -> memref<100096xf32, #tpu.memory_space<vmem_shared>>
      tpu.enqueue_indirect_dma source(%dma_start3A_66 : memref<100xf32, #tpu.memory_space<vmem>>) target(%dma_start3A_71 : memref<100096xf32, #tpu.memory_space<vmem_shared>>) offsets(%dma_start3A_69 : memref<100xi32, #tpu.memory_space<vmem>>) semaphore(%arg9 : memref<!tpu.dma_semaphore, #tpu.memory_space<semaphore_mem>>) {add = true}
      %dma_start3A_72 = arith.constant 1 : i32
      %dma_start3A_73 = arith.constant 0 : i32
      %dma_start3A_74 = tpu.memref_slice %arg6[%dma_start3A_73] : memref<112xf32, #tpu.memory_space<vmem>> -> memref<100xf32, #tpu.memory_space<vmem>>
      %dma_start3A_75 = arith.constant 0 : i32
      %dma_start3A_76 = tpu.memref_slice %arg5[%dma_start3A_72, %dma_start3A_75] : memref<8x100xi32, #tpu.memory_space<vmem>> -> memref<1x100xi32, #tpu.memory_space<vmem>>
      %dma_start3A_77 = tpu.memref_squeeze %dma_start3A_76 : memref<1x100xi32, #tpu.memory_space<vmem>> -> memref<100xi32, #tpu.memory_space<vmem>>
      %dma_start3A_78 = arith.constant 0 : i32
      %dma_start3A_79 = tpu.memref_slice %arg7[%dma_start3A_78] : memref<100096xf32, #tpu.memory_space<vmem_shared>> -> memref<100096xf32, #tpu.memory_space<vmem_shared>>
      tpu.enqueue_indirect_dma source(%dma_start3A_74 : memref<100xf32, #tpu.memory_space<vmem>>) target(%dma_start3A_79 : memref<100096xf32, #tpu.memory_space<vmem_shared>>) offsets(%dma_start3A_77 : memref<100xi32, #tpu.memory_space<vmem>>) semaphore(%arg9 : memref<!tpu.dma_semaphore, #tpu.memory_space<semaphore_mem>>) {add = true}
      %dma_start3A_80 = arith.constant 2 : i32
      %dma_start3A_81 = arith.constant 0 : i32
      %dma_start3A_82 = tpu.memref_slice %arg6[%dma_start3A_81] : memref<112xf32, #tpu.memory_space<vmem>> -> memref<100xf32, #tpu.memory_space<vmem>>
      %dma_start3A_83 = arith.constant 0 : i32
      %dma_start3A_84 = tpu.memref_slice %arg5[%dma_start3A_80, %dma_start3A_83] : memref<8x100xi32, #tpu.memory_space<vmem>> -> memref<1x100xi32, #tpu.memory_space<vmem>>
      %dma_start3A_85 = tpu.memref_squeeze %dma_start3A_84 : memref<1x100xi32, #tpu.memory_space<vmem>> -> memref<100xi32, #tpu.memory_space<vmem>>
      %dma_start3A_86 = arith.constant 0 : i32
      %dma_start3A_87 = tpu.memref_slice %arg7[%dma_start3A_86] : memref<100096xf32, #tpu.memory_space<vmem_shared>> -> memref<100096xf32, #tpu.memory_space<vmem_shared>>
      tpu.enqueue_indirect_dma source(%dma_start3A_82 : memref<100xf32, #tpu.memory_space<vmem>>) target(%dma_start3A_87 : memref<100096xf32, #tpu.memory_space<vmem_shared>>) offsets(%dma_start3A_85 : memref<100xi32, #tpu.memory_space<vmem>>) semaphore(%arg9 : memref<!tpu.dma_semaphore, #tpu.memory_space<semaphore_mem>>) {add = true}
      %dma_start3A_88 = arith.constant 3 : i32
      %dma_start3A_89 = arith.constant 0 : i32
      %dma_start3A_90 = tpu.memref_slice %arg6[%dma_start3A_89] : memref<112xf32, #tpu.memory_space<vmem>> -> memref<100xf32, #tpu.memory_space<vmem>>
      %dma_start3A_91 = arith.constant 0 : i32
      %dma_start3A_92 = tpu.memref_slice %arg5[%dma_start3A_88, %dma_start3A_91] : memref<8x100xi32, #tpu.memory_space<vmem>> -> memref<1x100xi32, #tpu.memory_space<vmem>>
      %dma_start3A_93 = tpu.memref_squeeze %dma_start3A_92 : memref<1x100xi32, #tpu.memory_space<vmem>> -> memref<100xi32, #tpu.memory_space<vmem>>
      %dma_start3A_94 = arith.constant 0 : i32
      %dma_start3A_95 = tpu.memref_slice %arg7[%dma_start3A_94] : memref<100096xf32, #tpu.memory_space<vmem_shared>> -> memref<100096xf32, #tpu.memory_space<vmem_shared>>
      tpu.enqueue_indirect_dma source(%dma_start3A_90 : memref<100xf32, #tpu.memory_space<vmem>>) target(%dma_start3A_95 : memref<100096xf32, #tpu.memory_space<vmem_shared>>) offsets(%dma_start3A_93 : memref<100xi32, #tpu.memory_space<vmem>>) semaphore(%arg9 : memref<!tpu.dma_semaphore, #tpu.memory_space<semaphore_mem>>) {add = true}
      %dma_start3A_96 = arith.constant 4 : i32
      %dma_start3A_97 = arith.constant 0 : i32
      %dma_start3A_98 = tpu.memref_slice %arg6[%dma_start3A_97] : memref<112xf32, #tpu.memory_space<vmem>> -> memref<100xf32, #tpu.memory_space<vmem>>
      %dma_start3A_99 = arith.constant 0 : i32
      %dma_start3A_100 = tpu.memref_slice %arg5[%dma_start3A_96, %dma_start3A_99] : memref<8x100xi32, #tpu.memory_space<vmem>> -> memref<1x100xi32, #tpu.memory_space<vmem>>
      %dma_start3A_101 = tpu.memref_squeeze %dma_start3A_100 : memref<1x100xi32, #tpu.memory_space<vmem>> -> memref<100xi32, #tpu.memory_space<vmem>>
      %dma_start3A_102 = arith.constant 0 : i32
      %dma_start3A_103 = tpu.memref_slice %arg7[%dma_start3A_102] : memref<100096xf32, #tpu.memory_space<vmem_shared>> -> memref<100096xf32, #tpu.memory_space<vmem_shared>>
      tpu.enqueue_indirect_dma source(%dma_start3A_98 : memref<100xf32, #tpu.memory_space<vmem>>) target(%dma_start3A_103 : memref<100096xf32, #tpu.memory_space<vmem_shared>>) offsets(%dma_start3A_101 : memref<100xi32, #tpu.memory_space<vmem>>) semaphore(%arg9 : memref<!tpu.dma_semaphore, #tpu.memory_space<semaphore_mem>>) {add = true}
      %dma_start3A_104 = arith.constant 5 : i32
      %dma_start3A_105 = arith.constant 0 : i32
      %dma_start3A_106 = tpu.memref_slice %arg6[%dma_start3A_105] : memref<112xf32, #tpu.memory_space<vmem>> -> memref<100xf32, #tpu.memory_space<vmem>>
      %dma_start3A_107 = arith.constant 0 : i32
      %dma_start3A_108 = tpu.memref_slice %arg5[%dma_start3A_104, %dma_start3A_107] : memref<8x100xi32, #tpu.memory_space<vmem>> -> memref<1x100xi32, #tpu.memory_space<vmem>>
      %dma_start3A_109 = tpu.memref_squeeze %dma_start3A_108 : memref<1x100xi32, #tpu.memory_space<vmem>> -> memref<100xi32, #tpu.memory_space<vmem>>
      %dma_start3A_110 = arith.constant 0 : i32
      %dma_start3A_111 = tpu.memref_slice %arg7[%dma_start3A_110] : memref<100096xf32, #tpu.memory_space<vmem_shared>> -> memref<100096xf32, #tpu.memory_space<vmem_shared>>
      tpu.enqueue_indirect_dma source(%dma_start3A_106 : memref<100xf32, #tpu.memory_space<vmem>>) target(%dma_start3A_111 : memref<100096xf32, #tpu.memory_space<vmem_shared>>) offsets(%dma_start3A_109 : memref<100xi32, #tpu.memory_space<vmem>>) semaphore(%arg9 : memref<!tpu.dma_semaphore, #tpu.memory_space<semaphore_mem>>) {add = true}
      %dma_start3A_112 = arith.constant 6 : i32
      %dma_start3A_113 = arith.constant 0 : i32
      %dma_start3A_114 = tpu.memref_slice %arg6[%dma_start3A_113] : memref<112xf32, #tpu.memory_space<vmem>> -> memref<100xf32, #tpu.memory_space<vmem>>
      %dma_start3A_115 = arith.constant 0 : i32
      %dma_start3A_116 = tpu.memref_slice %arg5[%dma_start3A_112, %dma_start3A_115] : memref<8x100xi32, #tpu.memory_space<vmem>> -> memref<1x100xi32, #tpu.memory_space<vmem>>
      %dma_start3A_117 = tpu.memref_squeeze %dma_start3A_116 : memref<1x100xi32, #tpu.memory_space<vmem>> -> memref<100xi32, #tpu.memory_space<vmem>>
      %dma_start3A_118 = arith.constant 0 : i32
      %dma_start3A_119 = tpu.memref_slice %arg7[%dma_start3A_118] : memref<100096xf32, #tpu.memory_space<vmem_shared>> -> memref<100096xf32, #tpu.memory_space<vmem_shared>>
      tpu.enqueue_indirect_dma source(%dma_start3A_114 : memref<100xf32, #tpu.memory_space<vmem>>) target(%dma_start3A_119 : memref<100096xf32, #tpu.memory_space<vmem_shared>>) offsets(%dma_start3A_117 : memref<100xi32, #tpu.memory_space<vmem>>) semaphore(%arg9 : memref<!tpu.dma_semaphore, #tpu.memory_space<semaphore_mem>>) {add = true}
      %dma_start3A_120 = arith.constant 7 : i32
      %dma_start3A_121 = arith.constant 0 : i32
      %dma_start3A_122 = tpu.memref_slice %arg6[%dma_start3A_121] : memref<112xf32, #tpu.memory_space<vmem>> -> memref<100xf32, #tpu.memory_space<vmem>>
      %dma_start3A_123 = arith.constant 0 : i32
      %dma_start3A_124 = tpu.memref_slice %arg5[%dma_start3A_120, %dma_start3A_123] : memref<8x100xi32, #tpu.memory_space<vmem>> -> memref<1x100xi32, #tpu.memory_space<vmem>>
      %dma_start3A_125 = tpu.memref_squeeze %dma_start3A_124 : memref<1x100xi32, #tpu.memory_space<vmem>> -> memref<100xi32, #tpu.memory_space<vmem>>
      %dma_start3A_126 = arith.constant 0 : i32
      %dma_start3A_127 = tpu.memref_slice %arg7[%dma_start3A_126] : memref<100096xf32, #tpu.memory_space<vmem_shared>> -> memref<100096xf32, #tpu.memory_space<vmem_shared>>
      tpu.enqueue_indirect_dma source(%dma_start3A_122 : memref<100xf32, #tpu.memory_space<vmem>>) target(%dma_start3A_127 : memref<100096xf32, #tpu.memory_space<vmem_shared>>) offsets(%dma_start3A_125 : memref<100xi32, #tpu.memory_space<vmem>>) semaphore(%arg9 : memref<!tpu.dma_semaphore, #tpu.memory_space<semaphore_mem>>) {add = true}
      %dma_wait3A = arith.constant 0 : i32
      %dma_wait3A_128 = arith.constant 0 : i32
      %dma_wait3A_129 = tpu.memref_slice %arg6[%dma_wait3A_128] : memref<112xf32, #tpu.memory_space<vmem>> -> memref<100xf32, #tpu.memory_space<vmem>>
      %dma_wait3A_130 = arith.constant 0 : i32
      %dma_wait3A_131 = tpu.memref_slice %arg5[%dma_wait3A, %dma_wait3A_130] : memref<8x100xi32, #tpu.memory_space<vmem>> -> memref<1x100xi32, #tpu.memory_space<vmem>>
      %dma_wait3A_132 = tpu.memref_squeeze %dma_wait3A_131 : memref<1x100xi32, #tpu.memory_space<vmem>> -> memref<100xi32, #tpu.memory_space<vmem>>
      %dma_wait3A_133 = arith.constant 0 : i32
      %dma_wait3A_134 = tpu.memref_slice %arg7[%dma_wait3A_133] : memref<100096xf32, #tpu.memory_space<vmem_shared>> -> memref<100096xf32, #tpu.memory_space<vmem_shared>>
      tpu.wait_indirect_dma semaphore(%arg9 : memref<!tpu.dma_semaphore, #tpu.memory_space<semaphore_mem>>) src(%dma_wait3A_129 : memref<100xf32, #tpu.memory_space<vmem>>) dst(%dma_wait3A_134 : memref<100096xf32, #tpu.memory_space<vmem_shared>>)
      %dma_wait3A_135 = arith.constant 1 : i32
      %dma_wait3A_136 = arith.constant 0 : i32
      %dma_wait3A_137 = tpu.memref_slice %arg6[%dma_wait3A_136] : memref<112xf32, #tpu.memory_space<vmem>> -> memref<100xf32, #tpu.memory_space<vmem>>
      %dma_wait3A_138 = arith.constant 0 : i32
      %dma_wait3A_139 = tpu.memref_slice %arg5[%dma_wait3A_135, %dma_wait3A_138] : memref<8x100xi32, #tpu.memory_space<vmem>> -> memref<1x100xi32, #tpu.memory_space<vmem>>
      %dma_wait3A_140 = tpu.memref_squeeze %dma_wait3A_139 : memref<1x100xi32, #tpu.memory_space<vmem>> -> memref<100xi32, #tpu.memory_space<vmem>>
      %dma_wait3A_141 = arith.constant 0 : i32
      %dma_wait3A_142 = tpu.memref_slice %arg7[%dma_wait3A_141] : memref<100096xf32, #tpu.memory_space<vmem_shared>> -> memref<100096xf32, #tpu.memory_space<vmem_shared>>
      tpu.wait_indirect_dma semaphore(%arg9 : memref<!tpu.dma_semaphore, #tpu.memory_space<semaphore_mem>>) src(%dma_wait3A_137 : memref<100xf32, #tpu.memory_space<vmem>>) dst(%dma_wait3A_142 : memref<100096xf32, #tpu.memory_space<vmem_shared>>)
      %dma_wait3A_143 = arith.constant 2 : i32
      %dma_wait3A_144 = arith.constant 0 : i32
      %dma_wait3A_145 = tpu.memref_slice %arg6[%dma_wait3A_144] : memref<112xf32, #tpu.memory_space<vmem>> -> memref<100xf32, #tpu.memory_space<vmem>>
      %dma_wait3A_146 = arith.constant 0 : i32
      %dma_wait3A_147 = tpu.memref_slice %arg5[%dma_wait3A_143, %dma_wait3A_146] : memref<8x100xi32, #tpu.memory_space<vmem>> -> memref<1x100xi32, #tpu.memory_space<vmem>>
      %dma_wait3A_148 = tpu.memref_squeeze %dma_wait3A_147 : memref<1x100xi32, #tpu.memory_space<vmem>> -> memref<100xi32, #tpu.memory_space<vmem>>
      %dma_wait3A_149 = arith.constant 0 : i32
      %dma_wait3A_150 = tpu.memref_slice %arg7[%dma_wait3A_149] : memref<100096xf32, #tpu.memory_space<vmem_shared>> -> memref<100096xf32, #tpu.memory_space<vmem_shared>>
      tpu.wait_indirect_dma semaphore(%arg9 : memref<!tpu.dma_semaphore, #tpu.memory_space<semaphore_mem>>) src(%dma_wait3A_145 : memref<100xf32, #tpu.memory_space<vmem>>) dst(%dma_wait3A_150 : memref<100096xf32, #tpu.memory_space<vmem_shared>>)
      %dma_wait3A_151 = arith.constant 3 : i32
      %dma_wait3A_152 = arith.constant 0 : i32
      %dma_wait3A_153 = tpu.memref_slice %arg6[%dma_wait3A_152] : memref<112xf32, #tpu.memory_space<vmem>> -> memref<100xf32, #tpu.memory_space<vmem>>
      %dma_wait3A_154 = arith.constant 0 : i32
      %dma_wait3A_155 = tpu.memref_slice %arg5[%dma_wait3A_151, %dma_wait3A_154] : memref<8x100xi32, #tpu.memory_space<vmem>> -> memref<1x100xi32, #tpu.memory_space<vmem>>
      %dma_wait3A_156 = tpu.memref_squeeze %dma_wait3A_155 : memref<1x100xi32, #tpu.memory_space<vmem>> -> memref<100xi32, #tpu.memory_space<vmem>>
      %dma_wait3A_157 = arith.constant 0 : i32
      %dma_wait3A_158 = tpu.memref_slice %arg7[%dma_wait3A_157] : memref<100096xf32, #tpu.memory_space<vmem_shared>> -> memref<100096xf32, #tpu.memory_space<vmem_shared>>
      tpu.wait_indirect_dma semaphore(%arg9 : memref<!tpu.dma_semaphore, #tpu.memory_space<semaphore_mem>>) src(%dma_wait3A_153 : memref<100xf32, #tpu.memory_space<vmem>>) dst(%dma_wait3A_158 : memref<100096xf32, #tpu.memory_space<vmem_shared>>)
      %dma_wait3A_159 = arith.constant 4 : i32
      %dma_wait3A_160 = arith.constant 0 : i32
      %dma_wait3A_161 = tpu.memref_slice %arg6[%dma_wait3A_160] : memref<112xf32, #tpu.memory_space<vmem>> -> memref<100xf32, #tpu.memory_space<vmem>>
      %dma_wait3A_162 = arith.constant 0 : i32
      %dma_wait3A_163 = tpu.memref_slice %arg5[%dma_wait3A_159, %dma_wait3A_162] : memref<8x100xi32, #tpu.memory_space<vmem>> -> memref<1x100xi32, #tpu.memory_space<vmem>>
      %dma_wait3A_164 = tpu.memref_squeeze %dma_wait3A_163 : memref<1x100xi32, #tpu.memory_space<vmem>> -> memref<100xi32, #tpu.memory_space<vmem>>
      %dma_wait3A_165 = arith.constant 0 : i32
      %dma_wait3A_166 = tpu.memref_slice %arg7[%dma_wait3A_165] : memref<100096xf32, #tpu.memory_space<vmem_shared>> -> memref<100096xf32, #tpu.memory_space<vmem_shared>>
      tpu.wait_indirect_dma semaphore(%arg9 : memref<!tpu.dma_semaphore, #tpu.memory_space<semaphore_mem>>) src(%dma_wait3A_161 : memref<100xf32, #tpu.memory_space<vmem>>) dst(%dma_wait3A_166 : memref<100096xf32, #tpu.memory_space<vmem_shared>>)
      %dma_wait3A_167 = arith.constant 5 : i32
      %dma_wait3A_168 = arith.constant 0 : i32
      %dma_wait3A_169 = tpu.memref_slice %arg6[%dma_wait3A_168] : memref<112xf32, #tpu.memory_space<vmem>> -> memref<100xf32, #tpu.memory_space<vmem>>
      %dma_wait3A_170 = arith.constant 0 : i32
      %dma_wait3A_171 = tpu.memref_slice %arg5[%dma_wait3A_167, %dma_wait3A_170] : memref<8x100xi32, #tpu.memory_space<vmem>> -> memref<1x100xi32, #tpu.memory_space<vmem>>
      %dma_wait3A_172 = tpu.memref_squeeze %dma_wait3A_171 : memref<1x100xi32, #tpu.memory_space<vmem>> -> memref<100xi32, #tpu.memory_space<vmem>>
      %dma_wait3A_173 = arith.constant 0 : i32
      %dma_wait3A_174 = tpu.memref_slice %arg7[%dma_wait3A_173] : memref<100096xf32, #tpu.memory_space<vmem_shared>> -> memref<100096xf32, #tpu.memory_space<vmem_shared>>
      tpu.wait_indirect_dma semaphore(%arg9 : memref<!tpu.dma_semaphore, #tpu.memory_space<semaphore_mem>>) src(%dma_wait3A_169 : memref<100xf32, #tpu.memory_space<vmem>>) dst(%dma_wait3A_174 : memref<100096xf32, #tpu.memory_space<vmem_shared>>)
      %dma_wait3A_175 = arith.constant 6 : i32
      %dma_wait3A_176 = arith.constant 0 : i32
      %dma_wait3A_177 = tpu.memref_slice %arg6[%dma_wait3A_176] : memref<112xf32, #tpu.memory_space<vmem>> -> memref<100xf32, #tpu.memory_space<vmem>>
      %dma_wait3A_178 = arith.constant 0 : i32
      %dma_wait3A_179 = tpu.memref_slice %arg5[%dma_wait3A_175, %dma_wait3A_178] : memref<8x100xi32, #tpu.memory_space<vmem>> -> memref<1x100xi32, #tpu.memory_space<vmem>>
      %dma_wait3A_180 = tpu.memref_squeeze %dma_wait3A_179 : memref<1x100xi32, #tpu.memory_space<vmem>> -> memref<100xi32, #tpu.memory_space<vmem>>
      %dma_wait3A_181 = arith.constant 0 : i32
      %dma_wait3A_182 = tpu.memref_slice %arg7[%dma_wait3A_181] : memref<100096xf32, #tpu.memory_space<vmem_shared>> -> memref<100096xf32, #tpu.memory_space<vmem_shared>>
      tpu.wait_indirect_dma semaphore(%arg9 : memref<!tpu.dma_semaphore, #tpu.memory_space<semaphore_mem>>) src(%dma_wait3A_177 : memref<100xf32, #tpu.memory_space<vmem>>) dst(%dma_wait3A_182 : memref<100096xf32, #tpu.memory_space<vmem_shared>>)
      %dma_wait3A_183 = arith.constant 7 : i32
      %dma_wait3A_184 = arith.constant 0 : i32
      %dma_wait3A_185 = tpu.memref_slice %arg6[%dma_wait3A_184] : memref<112xf32, #tpu.memory_space<vmem>> -> memref<100xf32, #tpu.memory_space<vmem>>
      %dma_wait3A_186 = arith.constant 0 : i32
      %dma_wait3A_187 = tpu.memref_slice %arg5[%dma_wait3A_183, %dma_wait3A_186] : memref<8x100xi32, #tpu.memory_space<vmem>> -> memref<1x100xi32, #tpu.memory_space<vmem>>
      %dma_wait3A_188 = tpu.memref_squeeze %dma_wait3A_187 : memref<1x100xi32, #tpu.memory_space<vmem>> -> memref<100xi32, #tpu.memory_space<vmem>>
      %dma_wait3A_189 = arith.constant 0 : i32
      %dma_wait3A_190 = tpu.memref_slice %arg7[%dma_wait3A_189] : memref<100096xf32, #tpu.memory_space<vmem_shared>> -> memref<100096xf32, #tpu.memory_space<vmem_shared>>
      tpu.wait_indirect_dma semaphore(%arg9 : memref<!tpu.dma_semaphore, #tpu.memory_space<semaphore_mem>>) src(%dma_wait3A_185 : memref<100xf32, #tpu.memory_space<vmem>>) dst(%dma_wait3A_190 : memref<100096xf32, #tpu.memory_space<vmem_shared>>)
    }
    %scan3A_46 = arith.constant 250 : i32
    %barrier3A_47 = arith.constant 0 : index
    tpu.barrier barrier_id(%barrier3A_47)
    %mul3A_48 = arith.constant 6256 : i32
    %mul3A_49 = arith.muli %arg1, %mul3A_48 : i32
    %mul3A_50 = arith.constant 100096 : i32
    %mul3A_51 = arith.muli %arg0, %mul3A_50 : i32
    %mul3A_52 = arith.constant 6256 : i32
    %mul3A_53 = arith.muli %arg1, %mul3A_52 : i32
    %add3A_54 = arith.addi %mul3A_51, %mul3A_53 : i32
    "tpu.region"() ({
      %run_scoped3A = tpu.sem_alloc : memref<!tpu.dma_semaphore, #tpu.memory_space<semaphore_mem>>
      %dma_start3A = tpu.memref_slice %arg4[%add3A_54] : memref<200192xf32, #tpu.memory_space<hbm>> -> memref<6256xf32, #tpu.memory_space<hbm>>
      %dma_start3A_55 = tpu.memref_slice %arg7[%mul3A_49] : memref<100096xf32, #tpu.memory_space<vmem_shared>> -> memref<6256xf32, #tpu.memory_space<vmem_shared>>
      tpu.enqueue_dma source(%dma_start3A_55 : memref<6256xf32, #tpu.memory_space<vmem_shared>>) target(%dma_start3A : memref<6256xf32, #tpu.memory_space<hbm>>) target_semaphore(%run_scoped3A : memref<!tpu.dma_semaphore, #tpu.memory_space<semaphore_mem>>)
      %dma_wait3A = tpu.memref_slice %arg4[%add3A_54] : memref<200192xf32, #tpu.memory_space<hbm>> -> memref<6256xf32, #tpu.memory_space<hbm>>
      %dma_wait3A_56 = tpu.memref_slice %arg7[%mul3A_49] : memref<100096xf32, #tpu.memory_space<vmem_shared>> -> memref<6256xf32, #tpu.memory_space<vmem_shared>>
      tpu.wait_dma2 semaphore(%run_scoped3A : memref<!tpu.dma_semaphore, #tpu.memory_space<semaphore_mem>>) src(%dma_wait3A_56 : memref<6256xf32, #tpu.memory_space<vmem_shared>>) dst(%dma_wait3A : memref<6256xf32, #tpu.memory_space<hbm>>)
      tpu.yield
    }) : () -> ()
    return
  }
}

#map = affine_map<(d0, d1) -> (0, 0)>
#map1 = affine_map<(d0, d1) -> (0, 0, 0)>
module attributes {stable_mosaic.version = 14 : i64} {
  func.func @aggk(%arg0: i32, %arg1: i32, %arg2: memref<100000x16xf32, #tpu.memory_space<hbm>>, %arg3: memref<64000x100xi32, #tpu.memory_space<hbm>>, %arg4: memref<64000x100xi32, #tpu.memory_space<hbm>>, %arg5: memref<6256x16xf32, #tpu.memory_space<hbm>>, %arg6: memref<2x100096x16xf32, #tpu.memory_space<hbm>>, %arg7: memref<8x100xi32, #tpu.memory_space<vmem>>, %arg8: memref<8x100xi32, #tpu.memory_space<vmem>>, %arg9: memref<8x100x16xf32, #tpu.memory_space<vmem>>, %arg10: memref<100096x16xf32, #tpu.memory_space<vmem_shared>>, %arg11: memref<!tpu.dma_semaphore, #tpu.memory_space<semaphore_mem>>, %arg12: memref<!tpu.dma_semaphore, #tpu.memory_space<semaphore_mem>>, %arg13: memref<!tpu.dma_semaphore, #tpu.memory_space<semaphore_mem>>) attributes {dimension_semantics = [#tpu.dimension_semantics<core_parallel>, #tpu.dimension_semantics<subcore_parallel>], iteration_bounds = array<i64: 2, 16>, scalar_prefetch = 0 : i64, scratch_operands = 7 : i64, tpu.core_type = #tpu.core_type<sc_vector_subcore>, window_params = [{transform_indices = #map}, {transform_indices = #map}, {transform_indices = #map}, {transform_indices = #map}, {transform_indices = #map1}]} {
    %mul3A = arith.constant 16 : i32
    %mul3A_0 = arith.muli %arg0, %mul3A : i32
    %add3A = arith.addi %mul3A_0, %arg1 : i32
    %mul3A_1 = arith.constant 6256 : i32
    %mul3A_2 = arith.muli %arg1, %mul3A_1 : i32
    "tpu.region"() ({
      %run_scoped3A = tpu.sem_alloc : memref<!tpu.dma_semaphore, #tpu.memory_space<semaphore_mem>>
      %dma_start3A = arith.constant 0 : i32
      %dma_start3A_12 = tpu.memref_slice %arg10[%mul3A_2, %dma_start3A] : memref<100096x16xf32, #tpu.memory_space<vmem_shared>> -> memref<6256x16xf32, #tpu.memory_space<vmem_shared>>
      tpu.enqueue_dma source(%arg5 : memref<6256x16xf32, #tpu.memory_space<hbm>>) target(%dma_start3A_12 : memref<6256x16xf32, #tpu.memory_space<vmem_shared>>) target_semaphore(%run_scoped3A : memref<!tpu.dma_semaphore, #tpu.memory_space<semaphore_mem>>)
      %dma_wait3A = arith.constant 0 : i32
      %dma_wait3A_13 = tpu.memref_slice %arg10[%mul3A_2, %dma_wait3A] : memref<100096x16xf32, #tpu.memory_space<vmem_shared>> -> memref<6256x16xf32, #tpu.memory_space<vmem_shared>>
      tpu.wait_dma2 semaphore(%run_scoped3A : memref<!tpu.dma_semaphore, #tpu.memory_space<semaphore_mem>>) src(%arg5 : memref<6256x16xf32, #tpu.memory_space<hbm>>) dst(%dma_wait3A_13 : memref<6256x16xf32, #tpu.memory_space<vmem_shared>>)
      tpu.yield
    }) : () -> ()
    %barrier3A = arith.constant 0 : index
    tpu.barrier barrier_id(%barrier3A)
    %scan3A = arith.constant 0 : i32
    %scan3A_3 = arith.constant 250 : i32
    %scan3A_4 = arith.addi %scan3A, %scan3A_3 : i32
    %scan3A_5 = arith.constant 1 : i32
    scf.for %scan3A_12 = %scan3A to %scan3A_4 step %scan3A_5  : i32 {
      %mul3A_13 = arith.constant 1 : i32
      %mul3A_14 = arith.muli %scan3A_12, %mul3A_13 : i32
      %add3A_15 = arith.constant 0 : i32
      %add3A_16 = arith.addi %add3A_15, %mul3A_14 : i32
      %mul3A_17 = arith.constant 2000 : i32
      %mul3A_18 = arith.muli %add3A, %mul3A_17 : i32
      %mul3A_19 = arith.constant 8 : i32
      %mul3A_20 = arith.muli %add3A_16, %mul3A_19 : i32
      %add3A_21 = arith.addi %mul3A_18, %mul3A_20 : i32
      "tpu.region"() ({
        %run_scoped3A = tpu.sem_alloc : memref<!tpu.dma_semaphore, #tpu.memory_space<semaphore_mem>>
        %dma_start3A_404 = arith.constant 0 : i32
        %dma_start3A_405 = tpu.memref_slice %arg3[%add3A_21, %dma_start3A_404] : memref<64000x100xi32, #tpu.memory_space<hbm>> -> memref<8x100xi32, #tpu.memory_space<hbm>>
        %dma_start3A_406 = arith.constant 0 : i32
        %dma_start3A_407 = tpu.memref_slice %arg3[%add3A_21, %dma_start3A_406] : memref<64000x100xi32, #tpu.memory_space<hbm>> -> memref<8x100xi32, #tpu.memory_space<hbm>>
        tpu.enqueue_dma source(%dma_start3A_407 : memref<8x100xi32, #tpu.memory_space<hbm>>) target(%arg7 : memref<8x100xi32, #tpu.memory_space<vmem>>) target_semaphore(%run_scoped3A : memref<!tpu.dma_semaphore, #tpu.memory_space<semaphore_mem>>)
        %dma_wait3A_408 = arith.constant 0 : i32
        %dma_wait3A_409 = tpu.memref_slice %arg3[%add3A_21, %dma_wait3A_408] : memref<64000x100xi32, #tpu.memory_space<hbm>> -> memref<8x100xi32, #tpu.memory_space<hbm>>
        %dma_wait3A_410 = arith.constant 0 : i32
        %dma_wait3A_411 = tpu.memref_slice %arg3[%add3A_21, %dma_wait3A_410] : memref<64000x100xi32, #tpu.memory_space<hbm>> -> memref<8x100xi32, #tpu.memory_space<hbm>>
        tpu.wait_dma2 semaphore(%run_scoped3A : memref<!tpu.dma_semaphore, #tpu.memory_space<semaphore_mem>>) src(%dma_wait3A_411 : memref<8x100xi32, #tpu.memory_space<hbm>>) dst(%arg7 : memref<8x100xi32, #tpu.memory_space<vmem>>)
        tpu.yield
      }) : () -> ()
      "tpu.region"() ({
        %run_scoped3A = tpu.sem_alloc : memref<!tpu.dma_semaphore, #tpu.memory_space<semaphore_mem>>
        %dma_start3A_404 = arith.constant 0 : i32
        %dma_start3A_405 = tpu.memref_slice %arg4[%add3A_21, %dma_start3A_404] : memref<64000x100xi32, #tpu.memory_space<hbm>> -> memref<8x100xi32, #tpu.memory_space<hbm>>
        %dma_start3A_406 = arith.constant 0 : i32
        %dma_start3A_407 = tpu.memref_slice %arg4[%add3A_21, %dma_start3A_406] : memref<64000x100xi32, #tpu.memory_space<hbm>> -> memref<8x100xi32, #tpu.memory_space<hbm>>
        tpu.enqueue_dma source(%dma_start3A_407 : memref<8x100xi32, #tpu.memory_space<hbm>>) target(%arg8 : memref<8x100xi32, #tpu.memory_space<vmem>>) target_semaphore(%run_scoped3A : memref<!tpu.dma_semaphore, #tpu.memory_space<semaphore_mem>>)
        %dma_wait3A_408 = arith.constant 0 : i32
        %dma_wait3A_409 = tpu.memref_slice %arg4[%add3A_21, %dma_wait3A_408] : memref<64000x100xi32, #tpu.memory_space<hbm>> -> memref<8x100xi32, #tpu.memory_space<hbm>>
        %dma_wait3A_410 = arith.constant 0 : i32
        %dma_wait3A_411 = tpu.memref_slice %arg4[%add3A_21, %dma_wait3A_410] : memref<64000x100xi32, #tpu.memory_space<hbm>> -> memref<8x100xi32, #tpu.memory_space<hbm>>
        tpu.wait_dma2 semaphore(%run_scoped3A : memref<!tpu.dma_semaphore, #tpu.memory_space<semaphore_mem>>) src(%dma_wait3A_411 : memref<8x100xi32, #tpu.memory_space<hbm>>) dst(%arg8 : memref<8x100xi32, #tpu.memory_space<vmem>>)
        tpu.yield
      }) : () -> ()
      %dma_start3A = arith.constant 0 : i32
      %dma_start3A_22 = arith.constant 0 : i32
      %dma_start3A_23 = arith.constant 0 : i32
      %dma_start3A_24 = arith.constant 0 : i32
      %dma_start3A_25 = tpu.memref_slice %arg9[%dma_start3A_22, %dma_start3A_23, %dma_start3A_24] : memref<8x100x16xf32, #tpu.memory_space<vmem>> -> memref<1x100x16xf32, #tpu.memory_space<vmem>>
      %dma_start3A_26 = tpu.memref_squeeze %dma_start3A_25 : memref<1x100x16xf32, #tpu.memory_space<vmem>> -> memref<100x16xf32, #tpu.memory_space<vmem>>
      %dma_start3A_27 = arith.constant 0 : i32
      %dma_start3A_28 = tpu.memref_slice %arg7[%dma_start3A, %dma_start3A_27] : memref<8x100xi32, #tpu.memory_space<vmem>> -> memref<1x100xi32, #tpu.memory_space<vmem>>
      %dma_start3A_29 = tpu.memref_squeeze %dma_start3A_28 : memref<1x100xi32, #tpu.memory_space<vmem>> -> memref<100xi32, #tpu.memory_space<vmem>>
      %dma_start3A_30 = arith.constant 0 : i32
      %dma_start3A_31 = arith.constant 0 : i32
      %dma_start3A_32 = tpu.memref_slice %arg2[%dma_start3A_30, %dma_start3A_31] : memref<100000x16xf32, #tpu.memory_space<hbm>> -> memref<100000x16xf32, #tpu.memory_space<hbm>>
      tpu.enqueue_indirect_dma source(%dma_start3A_32 : memref<100000x16xf32, #tpu.memory_space<hbm>>) target(%dma_start3A_26 : memref<100x16xf32, #tpu.memory_space<vmem>>) offsets(%dma_start3A_29 : memref<100xi32, #tpu.memory_space<vmem>>) semaphore(%arg12 : memref<!tpu.dma_semaphore, #tpu.memory_space<semaphore_mem>>)
      %dma_start3A_33 = arith.constant 1 : i32
      %dma_start3A_34 = arith.constant 1 : i32
      %dma_start3A_35 = arith.constant 0 : i32
      %dma_start3A_36 = arith.constant 0 : i32
      %dma_start3A_37 = tpu.memref_slice %arg9[%dma_start3A_34, %dma_start3A_35, %dma_start3A_36] : memref<8x100x16xf32, #tpu.memory_space<vmem>> -> memref<1x100x16xf32, #tpu.memory_space<vmem>>
      %dma_start3A_38 = tpu.memref_squeeze %dma_start3A_37 : memref<1x100x16xf32, #tpu.memory_space<vmem>> -> memref<100x16xf32, #tpu.memory_space<vmem>>
      %dma_start3A_39 = arith.constant 0 : i32
      %dma_start3A_40 = tpu.memref_slice %arg7[%dma_start3A_33, %dma_start3A_39] : memref<8x100xi32, #tpu.memory_space<vmem>> -> memref<1x100xi32, #tpu.memory_space<vmem>>
      %dma_start3A_41 = tpu.memref_squeeze %dma_start3A_40 : memref<1x100xi32, #tpu.memory_space<vmem>> -> memref<100xi32, #tpu.memory_space<vmem>>
      %dma_start3A_42 = arith.constant 0 : i32
      %dma_start3A_43 = arith.constant 0 : i32
      %dma_start3A_44 = tpu.memref_slice %arg2[%dma_start3A_42, %dma_start3A_43] : memref<100000x16xf32, #tpu.memory_space<hbm>> -> memref<100000x16xf32, #tpu.memory_space<hbm>>
      tpu.enqueue_indirect_dma source(%dma_start3A_44 : memref<100000x16xf32, #tpu.memory_space<hbm>>) target(%dma_start3A_38 : memref<100x16xf32, #tpu.memory_space<vmem>>) offsets(%dma_start3A_41 : memref<100xi32, #tpu.memory_space<vmem>>) semaphore(%arg12 : memref<!tpu.dma_semaphore, #tpu.memory_space<semaphore_mem>>)
      %dma_start3A_45 = arith.constant 2 : i32
      %dma_start3A_46 = arith.constant 2 : i32
      %dma_start3A_47 = arith.constant 0 : i32
      %dma_start3A_48 = arith.constant 0 : i32
      %dma_start3A_49 = tpu.memref_slice %arg9[%dma_start3A_46, %dma_start3A_47, %dma_start3A_48] : memref<8x100x16xf32, #tpu.memory_space<vmem>> -> memref<1x100x16xf32, #tpu.memory_space<vmem>>
      %dma_start3A_50 = tpu.memref_squeeze %dma_start3A_49 : memref<1x100x16xf32, #tpu.memory_space<vmem>> -> memref<100x16xf32, #tpu.memory_space<vmem>>
      %dma_start3A_51 = arith.constant 0 : i32
      %dma_start3A_52 = tpu.memref_slice %arg7[%dma_start3A_45, %dma_start3A_51] : memref<8x100xi32, #tpu.memory_space<vmem>> -> memref<1x100xi32, #tpu.memory_space<vmem>>
      %dma_start3A_53 = tpu.memref_squeeze %dma_start3A_52 : memref<1x100xi32, #tpu.memory_space<vmem>> -> memref<100xi32, #tpu.memory_space<vmem>>
      %dma_start3A_54 = arith.constant 0 : i32
      %dma_start3A_55 = arith.constant 0 : i32
      %dma_start3A_56 = tpu.memref_slice %arg2[%dma_start3A_54, %dma_start3A_55] : memref<100000x16xf32, #tpu.memory_space<hbm>> -> memref<100000x16xf32, #tpu.memory_space<hbm>>
      tpu.enqueue_indirect_dma source(%dma_start3A_56 : memref<100000x16xf32, #tpu.memory_space<hbm>>) target(%dma_start3A_50 : memref<100x16xf32, #tpu.memory_space<vmem>>) offsets(%dma_start3A_53 : memref<100xi32, #tpu.memory_space<vmem>>) semaphore(%arg12 : memref<!tpu.dma_semaphore, #tpu.memory_space<semaphore_mem>>)
      %dma_start3A_57 = arith.constant 3 : i32
      %dma_start3A_58 = arith.constant 3 : i32
      %dma_start3A_59 = arith.constant 0 : i32
      %dma_start3A_60 = arith.constant 0 : i32
      %dma_start3A_61 = tpu.memref_slice %arg9[%dma_start3A_58, %dma_start3A_59, %dma_start3A_60] : memref<8x100x16xf32, #tpu.memory_space<vmem>> -> memref<1x100x16xf32, #tpu.memory_space<vmem>>
      %dma_start3A_62 = tpu.memref_squeeze %dma_start3A_61 : memref<1x100x16xf32, #tpu.memory_space<vmem>> -> memref<100x16xf32, #tpu.memory_space<vmem>>
      %dma_start3A_63 = arith.constant 0 : i32
      %dma_start3A_64 = tpu.memref_slice %arg7[%dma_start3A_57, %dma_start3A_63] : memref<8x100xi32, #tpu.memory_space<vmem>> -> memref<1x100xi32, #tpu.memory_space<vmem>>
      %dma_start3A_65 = tpu.memref_squeeze %dma_start3A_64 : memref<1x100xi32, #tpu.memory_space<vmem>> -> memref<100xi32, #tpu.memory_space<vmem>>
      %dma_start3A_66 = arith.constant 0 : i32
      %dma_start3A_67 = arith.constant 0 : i32
      %dma_start3A_68 = tpu.memref_slice %arg2[%dma_start3A_66, %dma_start3A_67] : memref<100000x16xf32, #tpu.memory_space<hbm>> -> memref<100000x16xf32, #tpu.memory_space<hbm>>
      tpu.enqueue_indirect_dma source(%dma_start3A_68 : memref<100000x16xf32, #tpu.memory_space<hbm>>) target(%dma_start3A_62 : memref<100x16xf32, #tpu.memory_space<vmem>>) offsets(%dma_start3A_65 : memref<100xi32, #tpu.memory_space<vmem>>) semaphore(%arg12 : memref<!tpu.dma_semaphore, #tpu.memory_space<semaphore_mem>>)
      %dma_start3A_69 = arith.constant 4 : i32
      %dma_start3A_70 = arith.constant 4 : i32
      %dma_start3A_71 = arith.constant 0 : i32
      %dma_start3A_72 = arith.constant 0 : i32
      %dma_start3A_73 = tpu.memref_slice %arg9[%dma_start3A_70, %dma_start3A_71, %dma_start3A_72] : memref<8x100x16xf32, #tpu.memory_space<vmem>> -> memref<1x100x16xf32, #tpu.memory_space<vmem>>
      %dma_start3A_74 = tpu.memref_squeeze %dma_start3A_73 : memref<1x100x16xf32, #tpu.memory_space<vmem>> -> memref<100x16xf32, #tpu.memory_space<vmem>>
      %dma_start3A_75 = arith.constant 0 : i32
      %dma_start3A_76 = tpu.memref_slice %arg7[%dma_start3A_69, %dma_start3A_75] : memref<8x100xi32, #tpu.memory_space<vmem>> -> memref<1x100xi32, #tpu.memory_space<vmem>>
      %dma_start3A_77 = tpu.memref_squeeze %dma_start3A_76 : memref<1x100xi32, #tpu.memory_space<vmem>> -> memref<100xi32, #tpu.memory_space<vmem>>
      %dma_start3A_78 = arith.constant 0 : i32
      %dma_start3A_79 = arith.constant 0 : i32
      %dma_start3A_80 = tpu.memref_slice %arg2[%dma_start3A_78, %dma_start3A_79] : memref<100000x16xf32, #tpu.memory_space<hbm>> -> memref<100000x16xf32, #tpu.memory_space<hbm>>
      tpu.enqueue_indirect_dma source(%dma_start3A_80 : memref<100000x16xf32, #tpu.memory_space<hbm>>) target(%dma_start3A_74 : memref<100x16xf32, #tpu.memory_space<vmem>>) offsets(%dma_start3A_77 : memref<100xi32, #tpu.memory_space<vmem>>) semaphore(%arg12 : memref<!tpu.dma_semaphore, #tpu.memory_space<semaphore_mem>>)
      %dma_start3A_81 = arith.constant 5 : i32
      %dma_start3A_82 = arith.constant 5 : i32
      %dma_start3A_83 = arith.constant 0 : i32
      %dma_start3A_84 = arith.constant 0 : i32
      %dma_start3A_85 = tpu.memref_slice %arg9[%dma_start3A_82, %dma_start3A_83, %dma_start3A_84] : memref<8x100x16xf32, #tpu.memory_space<vmem>> -> memref<1x100x16xf32, #tpu.memory_space<vmem>>
      %dma_start3A_86 = tpu.memref_squeeze %dma_start3A_85 : memref<1x100x16xf32, #tpu.memory_space<vmem>> -> memref<100x16xf32, #tpu.memory_space<vmem>>
      %dma_start3A_87 = arith.constant 0 : i32
      %dma_start3A_88 = tpu.memref_slice %arg7[%dma_start3A_81, %dma_start3A_87] : memref<8x100xi32, #tpu.memory_space<vmem>> -> memref<1x100xi32, #tpu.memory_space<vmem>>
      %dma_start3A_89 = tpu.memref_squeeze %dma_start3A_88 : memref<1x100xi32, #tpu.memory_space<vmem>> -> memref<100xi32, #tpu.memory_space<vmem>>
      %dma_start3A_90 = arith.constant 0 : i32
      %dma_start3A_91 = arith.constant 0 : i32
      %dma_start3A_92 = tpu.memref_slice %arg2[%dma_start3A_90, %dma_start3A_91] : memref<100000x16xf32, #tpu.memory_space<hbm>> -> memref<100000x16xf32, #tpu.memory_space<hbm>>
      tpu.enqueue_indirect_dma source(%dma_start3A_92 : memref<100000x16xf32, #tpu.memory_space<hbm>>) target(%dma_start3A_86 : memref<100x16xf32, #tpu.memory_space<vmem>>) offsets(%dma_start3A_89 : memref<100xi32, #tpu.memory_space<vmem>>) semaphore(%arg12 : memref<!tpu.dma_semaphore, #tpu.memory_space<semaphore_mem>>)
      %dma_start3A_93 = arith.constant 6 : i32
      %dma_start3A_94 = arith.constant 6 : i32
      %dma_start3A_95 = arith.constant 0 : i32
      %dma_start3A_96 = arith.constant 0 : i32
      %dma_start3A_97 = tpu.memref_slice %arg9[%dma_start3A_94, %dma_start3A_95, %dma_start3A_96] : memref<8x100x16xf32, #tpu.memory_space<vmem>> -> memref<1x100x16xf32, #tpu.memory_space<vmem>>
      %dma_start3A_98 = tpu.memref_squeeze %dma_start3A_97 : memref<1x100x16xf32, #tpu.memory_space<vmem>> -> memref<100x16xf32, #tpu.memory_space<vmem>>
      %dma_start3A_99 = arith.constant 0 : i32
      %dma_start3A_100 = tpu.memref_slice %arg7[%dma_start3A_93, %dma_start3A_99] : memref<8x100xi32, #tpu.memory_space<vmem>> -> memref<1x100xi32, #tpu.memory_space<vmem>>
      %dma_start3A_101 = tpu.memref_squeeze %dma_start3A_100 : memref<1x100xi32, #tpu.memory_space<vmem>> -> memref<100xi32, #tpu.memory_space<vmem>>
      %dma_start3A_102 = arith.constant 0 : i32
      %dma_start3A_103 = arith.constant 0 : i32
      %dma_start3A_104 = tpu.memref_slice %arg2[%dma_start3A_102, %dma_start3A_103] : memref<100000x16xf32, #tpu.memory_space<hbm>> -> memref<100000x16xf32, #tpu.memory_space<hbm>>
      tpu.enqueue_indirect_dma source(%dma_start3A_104 : memref<100000x16xf32, #tpu.memory_space<hbm>>) target(%dma_start3A_98 : memref<100x16xf32, #tpu.memory_space<vmem>>) offsets(%dma_start3A_101 : memref<100xi32, #tpu.memory_space<vmem>>) semaphore(%arg12 : memref<!tpu.dma_semaphore, #tpu.memory_space<semaphore_mem>>)
      %dma_start3A_105 = arith.constant 7 : i32
      %dma_start3A_106 = arith.constant 7 : i32
      %dma_start3A_107 = arith.constant 0 : i32
      %dma_start3A_108 = arith.constant 0 : i32
      %dma_start3A_109 = tpu.memref_slice %arg9[%dma_start3A_106, %dma_start3A_107, %dma_start3A_108] : memref<8x100x16xf32, #tpu.memory_space<vmem>> -> memref<1x100x16xf32, #tpu.memory_space<vmem>>
      %dma_start3A_110 = tpu.memref_squeeze %dma_start3A_109 : memref<1x100x16xf32, #tpu.memory_space<vmem>> -> memref<100x16xf32, #tpu.memory_space<vmem>>
      %dma_start3A_111 = arith.constant 0 : i32
      %dma_start3A_112 = tpu.memref_slice %arg7[%dma_start3A_105, %dma_start3A_111] : memref<8x100xi32, #tpu.memory_space<vmem>> -> memref<1x100xi32, #tpu.memory_space<vmem>>
      %dma_start3A_113 = tpu.memref_squeeze %dma_start3A_112 : memref<1x100xi32, #tpu.memory_space<vmem>> -> memref<100xi32, #tpu.memory_space<vmem>>
      %dma_start3A_114 = arith.constant 0 : i32
      %dma_start3A_115 = arith.constant 0 : i32
      %dma_start3A_116 = tpu.memref_slice %arg2[%dma_start3A_114, %dma_start3A_115] : memref<100000x16xf32, #tpu.memory_space<hbm>> -> memref<100000x16xf32, #tpu.memory_space<hbm>>
      tpu.enqueue_indirect_dma source(%dma_start3A_116 : memref<100000x16xf32, #tpu.memory_space<hbm>>) target(%dma_start3A_110 : memref<100x16xf32, #tpu.memory_space<vmem>>) offsets(%dma_start3A_113 : memref<100xi32, #tpu.memory_space<vmem>>) semaphore(%arg12 : memref<!tpu.dma_semaphore, #tpu.memory_space<semaphore_mem>>)
      %dma_wait3A = arith.constant 0 : i32
      %dma_wait3A_117 = arith.constant 0 : i32
      %dma_wait3A_118 = arith.constant 0 : i32
      %dma_wait3A_119 = arith.constant 0 : i32
      %dma_wait3A_120 = tpu.memref_slice %arg9[%dma_wait3A_117, %dma_wait3A_118, %dma_wait3A_119] : memref<8x100x16xf32, #tpu.memory_space<vmem>> -> memref<1x100x16xf32, #tpu.memory_space<vmem>>
      %dma_wait3A_121 = tpu.memref_squeeze %dma_wait3A_120 : memref<1x100x16xf32, #tpu.memory_space<vmem>> -> memref<100x16xf32, #tpu.memory_space<vmem>>
      %dma_wait3A_122 = arith.constant 0 : i32
      %dma_wait3A_123 = tpu.memref_slice %arg7[%dma_wait3A, %dma_wait3A_122] : memref<8x100xi32, #tpu.memory_space<vmem>> -> memref<1x100xi32, #tpu.memory_space<vmem>>
      %dma_wait3A_124 = tpu.memref_squeeze %dma_wait3A_123 : memref<1x100xi32, #tpu.memory_space<vmem>> -> memref<100xi32, #tpu.memory_space<vmem>>
      %dma_wait3A_125 = arith.constant 0 : i32
      %dma_wait3A_126 = arith.constant 0 : i32
      %dma_wait3A_127 = tpu.memref_slice %arg2[%dma_wait3A_125, %dma_wait3A_126] : memref<100000x16xf32, #tpu.memory_space<hbm>> -> memref<100000x16xf32, #tpu.memory_space<hbm>>
      tpu.wait_indirect_dma semaphore(%arg12 : memref<!tpu.dma_semaphore, #tpu.memory_space<semaphore_mem>>) src(%dma_wait3A_127 : memref<100000x16xf32, #tpu.memory_space<hbm>>) dst(%dma_wait3A_121 : memref<100x16xf32, #tpu.memory_space<vmem>>)
      %dma_wait3A_128 = arith.constant 1 : i32
      %dma_wait3A_129 = arith.constant 1 : i32
      %dma_wait3A_130 = arith.constant 0 : i32
      %dma_wait3A_131 = arith.constant 0 : i32
      %dma_wait3A_132 = tpu.memref_slice %arg9[%dma_wait3A_129, %dma_wait3A_130, %dma_wait3A_131] : memref<8x100x16xf32, #tpu.memory_space<vmem>> -> memref<1x100x16xf32, #tpu.memory_space<vmem>>
      %dma_wait3A_133 = tpu.memref_squeeze %dma_wait3A_132 : memref<1x100x16xf32, #tpu.memory_space<vmem>> -> memref<100x16xf32, #tpu.memory_space<vmem>>
      %dma_wait3A_134 = arith.constant 0 : i32
      %dma_wait3A_135 = tpu.memref_slice %arg7[%dma_wait3A_128, %dma_wait3A_134] : memref<8x100xi32, #tpu.memory_space<vmem>> -> memref<1x100xi32, #tpu.memory_space<vmem>>
      %dma_wait3A_136 = tpu.memref_squeeze %dma_wait3A_135 : memref<1x100xi32, #tpu.memory_space<vmem>> -> memref<100xi32, #tpu.memory_space<vmem>>
      %dma_wait3A_137 = arith.constant 0 : i32
      %dma_wait3A_138 = arith.constant 0 : i32
      %dma_wait3A_139 = tpu.memref_slice %arg2[%dma_wait3A_137, %dma_wait3A_138] : memref<100000x16xf32, #tpu.memory_space<hbm>> -> memref<100000x16xf32, #tpu.memory_space<hbm>>
      tpu.wait_indirect_dma semaphore(%arg12 : memref<!tpu.dma_semaphore, #tpu.memory_space<semaphore_mem>>) src(%dma_wait3A_139 : memref<100000x16xf32, #tpu.memory_space<hbm>>) dst(%dma_wait3A_133 : memref<100x16xf32, #tpu.memory_space<vmem>>)
      %dma_wait3A_140 = arith.constant 2 : i32
      %dma_wait3A_141 = arith.constant 2 : i32
      %dma_wait3A_142 = arith.constant 0 : i32
      %dma_wait3A_143 = arith.constant 0 : i32
      %dma_wait3A_144 = tpu.memref_slice %arg9[%dma_wait3A_141, %dma_wait3A_142, %dma_wait3A_143] : memref<8x100x16xf32, #tpu.memory_space<vmem>> -> memref<1x100x16xf32, #tpu.memory_space<vmem>>
      %dma_wait3A_145 = tpu.memref_squeeze %dma_wait3A_144 : memref<1x100x16xf32, #tpu.memory_space<vmem>> -> memref<100x16xf32, #tpu.memory_space<vmem>>
      %dma_wait3A_146 = arith.constant 0 : i32
      %dma_wait3A_147 = tpu.memref_slice %arg7[%dma_wait3A_140, %dma_wait3A_146] : memref<8x100xi32, #tpu.memory_space<vmem>> -> memref<1x100xi32, #tpu.memory_space<vmem>>
      %dma_wait3A_148 = tpu.memref_squeeze %dma_wait3A_147 : memref<1x100xi32, #tpu.memory_space<vmem>> -> memref<100xi32, #tpu.memory_space<vmem>>
      %dma_wait3A_149 = arith.constant 0 : i32
      %dma_wait3A_150 = arith.constant 0 : i32
      %dma_wait3A_151 = tpu.memref_slice %arg2[%dma_wait3A_149, %dma_wait3A_150] : memref<100000x16xf32, #tpu.memory_space<hbm>> -> memref<100000x16xf32, #tpu.memory_space<hbm>>
      tpu.wait_indirect_dma semaphore(%arg12 : memref<!tpu.dma_semaphore, #tpu.memory_space<semaphore_mem>>) src(%dma_wait3A_151 : memref<100000x16xf32, #tpu.memory_space<hbm>>) dst(%dma_wait3A_145 : memref<100x16xf32, #tpu.memory_space<vmem>>)
      %dma_wait3A_152 = arith.constant 3 : i32
      %dma_wait3A_153 = arith.constant 3 : i32
      %dma_wait3A_154 = arith.constant 0 : i32
      %dma_wait3A_155 = arith.constant 0 : i32
      %dma_wait3A_156 = tpu.memref_slice %arg9[%dma_wait3A_153, %dma_wait3A_154, %dma_wait3A_155] : memref<8x100x16xf32, #tpu.memory_space<vmem>> -> memref<1x100x16xf32, #tpu.memory_space<vmem>>
      %dma_wait3A_157 = tpu.memref_squeeze %dma_wait3A_156 : memref<1x100x16xf32, #tpu.memory_space<vmem>> -> memref<100x16xf32, #tpu.memory_space<vmem>>
      %dma_wait3A_158 = arith.constant 0 : i32
      %dma_wait3A_159 = tpu.memref_slice %arg7[%dma_wait3A_152, %dma_wait3A_158] : memref<8x100xi32, #tpu.memory_space<vmem>> -> memref<1x100xi32, #tpu.memory_space<vmem>>
      %dma_wait3A_160 = tpu.memref_squeeze %dma_wait3A_159 : memref<1x100xi32, #tpu.memory_space<vmem>> -> memref<100xi32, #tpu.memory_space<vmem>>
      %dma_wait3A_161 = arith.constant 0 : i32
      %dma_wait3A_162 = arith.constant 0 : i32
      %dma_wait3A_163 = tpu.memref_slice %arg2[%dma_wait3A_161, %dma_wait3A_162] : memref<100000x16xf32, #tpu.memory_space<hbm>> -> memref<100000x16xf32, #tpu.memory_space<hbm>>
      tpu.wait_indirect_dma semaphore(%arg12 : memref<!tpu.dma_semaphore, #tpu.memory_space<semaphore_mem>>) src(%dma_wait3A_163 : memref<100000x16xf32, #tpu.memory_space<hbm>>) dst(%dma_wait3A_157 : memref<100x16xf32, #tpu.memory_space<vmem>>)
      %dma_wait3A_164 = arith.constant 4 : i32
      %dma_wait3A_165 = arith.constant 4 : i32
      %dma_wait3A_166 = arith.constant 0 : i32
      %dma_wait3A_167 = arith.constant 0 : i32
      %dma_wait3A_168 = tpu.memref_slice %arg9[%dma_wait3A_165, %dma_wait3A_166, %dma_wait3A_167] : memref<8x100x16xf32, #tpu.memory_space<vmem>> -> memref<1x100x16xf32, #tpu.memory_space<vmem>>
      %dma_wait3A_169 = tpu.memref_squeeze %dma_wait3A_168 : memref<1x100x16xf32, #tpu.memory_space<vmem>> -> memref<100x16xf32, #tpu.memory_space<vmem>>
      %dma_wait3A_170 = arith.constant 0 : i32
      %dma_wait3A_171 = tpu.memref_slice %arg7[%dma_wait3A_164, %dma_wait3A_170] : memref<8x100xi32, #tpu.memory_space<vmem>> -> memref<1x100xi32, #tpu.memory_space<vmem>>
      %dma_wait3A_172 = tpu.memref_squeeze %dma_wait3A_171 : memref<1x100xi32, #tpu.memory_space<vmem>> -> memref<100xi32, #tpu.memory_space<vmem>>
      %dma_wait3A_173 = arith.constant 0 : i32
      %dma_wait3A_174 = arith.constant 0 : i32
      %dma_wait3A_175 = tpu.memref_slice %arg2[%dma_wait3A_173, %dma_wait3A_174] : memref<100000x16xf32, #tpu.memory_space<hbm>> -> memref<100000x16xf32, #tpu.memory_space<hbm>>
      tpu.wait_indirect_dma semaphore(%arg12 : memref<!tpu.dma_semaphore, #tpu.memory_space<semaphore_mem>>) src(%dma_wait3A_175 : memref<100000x16xf32, #tpu.memory_space<hbm>>) dst(%dma_wait3A_169 : memref<100x16xf32, #tpu.memory_space<vmem>>)
      %dma_wait3A_176 = arith.constant 5 : i32
      %dma_wait3A_177 = arith.constant 5 : i32
      %dma_wait3A_178 = arith.constant 0 : i32
      %dma_wait3A_179 = arith.constant 0 : i32
      %dma_wait3A_180 = tpu.memref_slice %arg9[%dma_wait3A_177, %dma_wait3A_178, %dma_wait3A_179] : memref<8x100x16xf32, #tpu.memory_space<vmem>> -> memref<1x100x16xf32, #tpu.memory_space<vmem>>
      %dma_wait3A_181 = tpu.memref_squeeze %dma_wait3A_180 : memref<1x100x16xf32, #tpu.memory_space<vmem>> -> memref<100x16xf32, #tpu.memory_space<vmem>>
      %dma_wait3A_182 = arith.constant 0 : i32
      %dma_wait3A_183 = tpu.memref_slice %arg7[%dma_wait3A_176, %dma_wait3A_182] : memref<8x100xi32, #tpu.memory_space<vmem>> -> memref<1x100xi32, #tpu.memory_space<vmem>>
      %dma_wait3A_184 = tpu.memref_squeeze %dma_wait3A_183 : memref<1x100xi32, #tpu.memory_space<vmem>> -> memref<100xi32, #tpu.memory_space<vmem>>
      %dma_wait3A_185 = arith.constant 0 : i32
      %dma_wait3A_186 = arith.constant 0 : i32
      %dma_wait3A_187 = tpu.memref_slice %arg2[%dma_wait3A_185, %dma_wait3A_186] : memref<100000x16xf32, #tpu.memory_space<hbm>> -> memref<100000x16xf32, #tpu.memory_space<hbm>>
      tpu.wait_indirect_dma semaphore(%arg12 : memref<!tpu.dma_semaphore, #tpu.memory_space<semaphore_mem>>) src(%dma_wait3A_187 : memref<100000x16xf32, #tpu.memory_space<hbm>>) dst(%dma_wait3A_181 : memref<100x16xf32, #tpu.memory_space<vmem>>)
      %dma_wait3A_188 = arith.constant 6 : i32
      %dma_wait3A_189 = arith.constant 6 : i32
      %dma_wait3A_190 = arith.constant 0 : i32
      %dma_wait3A_191 = arith.constant 0 : i32
      %dma_wait3A_192 = tpu.memref_slice %arg9[%dma_wait3A_189, %dma_wait3A_190, %dma_wait3A_191] : memref<8x100x16xf32, #tpu.memory_space<vmem>> -> memref<1x100x16xf32, #tpu.memory_space<vmem>>
      %dma_wait3A_193 = tpu.memref_squeeze %dma_wait3A_192 : memref<1x100x16xf32, #tpu.memory_space<vmem>> -> memref<100x16xf32, #tpu.memory_space<vmem>>
      %dma_wait3A_194 = arith.constant 0 : i32
      %dma_wait3A_195 = tpu.memref_slice %arg7[%dma_wait3A_188, %dma_wait3A_194] : memref<8x100xi32, #tpu.memory_space<vmem>> -> memref<1x100xi32, #tpu.memory_space<vmem>>
      %dma_wait3A_196 = tpu.memref_squeeze %dma_wait3A_195 : memref<1x100xi32, #tpu.memory_space<vmem>> -> memref<100xi32, #tpu.memory_space<vmem>>
      %dma_wait3A_197 = arith.constant 0 : i32
      %dma_wait3A_198 = arith.constant 0 : i32
      %dma_wait3A_199 = tpu.memref_slice %arg2[%dma_wait3A_197, %dma_wait3A_198] : memref<100000x16xf32, #tpu.memory_space<hbm>> -> memref<100000x16xf32, #tpu.memory_space<hbm>>
      tpu.wait_indirect_dma semaphore(%arg12 : memref<!tpu.dma_semaphore, #tpu.memory_space<semaphore_mem>>) src(%dma_wait3A_199 : memref<100000x16xf32, #tpu.memory_space<hbm>>) dst(%dma_wait3A_193 : memref<100x16xf32, #tpu.memory_space<vmem>>)
      %dma_wait3A_200 = arith.constant 7 : i32
      %dma_wait3A_201 = arith.constant 7 : i32
      %dma_wait3A_202 = arith.constant 0 : i32
      %dma_wait3A_203 = arith.constant 0 : i32
      %dma_wait3A_204 = tpu.memref_slice %arg9[%dma_wait3A_201, %dma_wait3A_202, %dma_wait3A_203] : memref<8x100x16xf32, #tpu.memory_space<vmem>> -> memref<1x100x16xf32, #tpu.memory_space<vmem>>
      %dma_wait3A_205 = tpu.memref_squeeze %dma_wait3A_204 : memref<1x100x16xf32, #tpu.memory_space<vmem>> -> memref<100x16xf32, #tpu.memory_space<vmem>>
      %dma_wait3A_206 = arith.constant 0 : i32
      %dma_wait3A_207 = tpu.memref_slice %arg7[%dma_wait3A_200, %dma_wait3A_206] : memref<8x100xi32, #tpu.memory_space<vmem>> -> memref<1x100xi32, #tpu.memory_space<vmem>>
      %dma_wait3A_208 = tpu.memref_squeeze %dma_wait3A_207 : memref<1x100xi32, #tpu.memory_space<vmem>> -> memref<100xi32, #tpu.memory_space<vmem>>
      %dma_wait3A_209 = arith.constant 0 : i32
      %dma_wait3A_210 = arith.constant 0 : i32
      %dma_wait3A_211 = tpu.memref_slice %arg2[%dma_wait3A_209, %dma_wait3A_210] : memref<100000x16xf32, #tpu.memory_space<hbm>> -> memref<100000x16xf32, #tpu.memory_space<hbm>>
      tpu.wait_indirect_dma semaphore(%arg12 : memref<!tpu.dma_semaphore, #tpu.memory_space<semaphore_mem>>) src(%dma_wait3A_211 : memref<100000x16xf32, #tpu.memory_space<hbm>>) dst(%dma_wait3A_205 : memref<100x16xf32, #tpu.memory_space<vmem>>)
      %dma_start3A_212 = arith.constant 0 : i32
      %dma_start3A_213 = arith.constant 0 : i32
      %dma_start3A_214 = arith.constant 0 : i32
      %dma_start3A_215 = arith.constant 0 : i32
      %dma_start3A_216 = tpu.memref_slice %arg9[%dma_start3A_212, %dma_start3A_214, %dma_start3A_215] : memref<8x100x16xf32, #tpu.memory_space<vmem>> -> memref<1x100x16xf32, #tpu.memory_space<vmem>>
      %dma_start3A_217 = tpu.memref_squeeze %dma_start3A_216 : memref<1x100x16xf32, #tpu.memory_space<vmem>> -> memref<100x16xf32, #tpu.memory_space<vmem>>
      %dma_start3A_218 = arith.constant 0 : i32
      %dma_start3A_219 = tpu.memref_slice %arg8[%dma_start3A_213, %dma_start3A_218] : memref<8x100xi32, #tpu.memory_space<vmem>> -> memref<1x100xi32, #tpu.memory_space<vmem>>
      %dma_start3A_220 = tpu.memref_squeeze %dma_start3A_219 : memref<1x100xi32, #tpu.memory_space<vmem>> -> memref<100xi32, #tpu.memory_space<vmem>>
      %dma_start3A_221 = arith.constant 0 : i32
      %dma_start3A_222 = arith.constant 0 : i32
      %dma_start3A_223 = tpu.memref_slice %arg10[%dma_start3A_221, %dma_start3A_222] : memref<100096x16xf32, #tpu.memory_space<vmem_shared>> -> memref<100096x16xf32, #tpu.memory_space<vmem_shared>>
      tpu.enqueue_indirect_dma source(%dma_start3A_217 : memref<100x16xf32, #tpu.memory_space<vmem>>) target(%dma_start3A_223 : memref<100096x16xf32, #tpu.memory_space<vmem_shared>>) offsets(%dma_start3A_220 : memref<100xi32, #tpu.memory_space<vmem>>) semaphore(%arg13 : memref<!tpu.dma_semaphore, #tpu.memory_space<semaphore_mem>>) {add = true}
      %dma_start3A_224 = arith.constant 1 : i32
      %dma_start3A_225 = arith.constant 1 : i32
      %dma_start3A_226 = arith.constant 0 : i32
      %dma_start3A_227 = arith.constant 0 : i32
      %dma_start3A_228 = tpu.memref_slice %arg9[%dma_start3A_224, %dma_start3A_226, %dma_start3A_227] : memref<8x100x16xf32, #tpu.memory_space<vmem>> -> memref<1x100x16xf32, #tpu.memory_space<vmem>>
      %dma_start3A_229 = tpu.memref_squeeze %dma_start3A_228 : memref<1x100x16xf32, #tpu.memory_space<vmem>> -> memref<100x16xf32, #tpu.memory_space<vmem>>
      %dma_start3A_230 = arith.constant 0 : i32
      %dma_start3A_231 = tpu.memref_slice %arg8[%dma_start3A_225, %dma_start3A_230] : memref<8x100xi32, #tpu.memory_space<vmem>> -> memref<1x100xi32, #tpu.memory_space<vmem>>
      %dma_start3A_232 = tpu.memref_squeeze %dma_start3A_231 : memref<1x100xi32, #tpu.memory_space<vmem>> -> memref<100xi32, #tpu.memory_space<vmem>>
      %dma_start3A_233 = arith.constant 0 : i32
      %dma_start3A_234 = arith.constant 0 : i32
      %dma_start3A_235 = tpu.memref_slice %arg10[%dma_start3A_233, %dma_start3A_234] : memref<100096x16xf32, #tpu.memory_space<vmem_shared>> -> memref<100096x16xf32, #tpu.memory_space<vmem_shared>>
      tpu.enqueue_indirect_dma source(%dma_start3A_229 : memref<100x16xf32, #tpu.memory_space<vmem>>) target(%dma_start3A_235 : memref<100096x16xf32, #tpu.memory_space<vmem_shared>>) offsets(%dma_start3A_232 : memref<100xi32, #tpu.memory_space<vmem>>) semaphore(%arg13 : memref<!tpu.dma_semaphore, #tpu.memory_space<semaphore_mem>>) {add = true}
      %dma_start3A_236 = arith.constant 2 : i32
      %dma_start3A_237 = arith.constant 2 : i32
      %dma_start3A_238 = arith.constant 0 : i32
      %dma_start3A_239 = arith.constant 0 : i32
      %dma_start3A_240 = tpu.memref_slice %arg9[%dma_start3A_236, %dma_start3A_238, %dma_start3A_239] : memref<8x100x16xf32, #tpu.memory_space<vmem>> -> memref<1x100x16xf32, #tpu.memory_space<vmem>>
      %dma_start3A_241 = tpu.memref_squeeze %dma_start3A_240 : memref<1x100x16xf32, #tpu.memory_space<vmem>> -> memref<100x16xf32, #tpu.memory_space<vmem>>
      %dma_start3A_242 = arith.constant 0 : i32
      %dma_start3A_243 = tpu.memref_slice %arg8[%dma_start3A_237, %dma_start3A_242] : memref<8x100xi32, #tpu.memory_space<vmem>> -> memref<1x100xi32, #tpu.memory_space<vmem>>
      %dma_start3A_244 = tpu.memref_squeeze %dma_start3A_243 : memref<1x100xi32, #tpu.memory_space<vmem>> -> memref<100xi32, #tpu.memory_space<vmem>>
      %dma_start3A_245 = arith.constant 0 : i32
      %dma_start3A_246 = arith.constant 0 : i32
      %dma_start3A_247 = tpu.memref_slice %arg10[%dma_start3A_245, %dma_start3A_246] : memref<100096x16xf32, #tpu.memory_space<vmem_shared>> -> memref<100096x16xf32, #tpu.memory_space<vmem_shared>>
      tpu.enqueue_indirect_dma source(%dma_start3A_241 : memref<100x16xf32, #tpu.memory_space<vmem>>) target(%dma_start3A_247 : memref<100096x16xf32, #tpu.memory_space<vmem_shared>>) offsets(%dma_start3A_244 : memref<100xi32, #tpu.memory_space<vmem>>) semaphore(%arg13 : memref<!tpu.dma_semaphore, #tpu.memory_space<semaphore_mem>>) {add = true}
      %dma_start3A_248 = arith.constant 3 : i32
      %dma_start3A_249 = arith.constant 3 : i32
      %dma_start3A_250 = arith.constant 0 : i32
      %dma_start3A_251 = arith.constant 0 : i32
      %dma_start3A_252 = tpu.memref_slice %arg9[%dma_start3A_248, %dma_start3A_250, %dma_start3A_251] : memref<8x100x16xf32, #tpu.memory_space<vmem>> -> memref<1x100x16xf32, #tpu.memory_space<vmem>>
      %dma_start3A_253 = tpu.memref_squeeze %dma_start3A_252 : memref<1x100x16xf32, #tpu.memory_space<vmem>> -> memref<100x16xf32, #tpu.memory_space<vmem>>
      %dma_start3A_254 = arith.constant 0 : i32
      %dma_start3A_255 = tpu.memref_slice %arg8[%dma_start3A_249, %dma_start3A_254] : memref<8x100xi32, #tpu.memory_space<vmem>> -> memref<1x100xi32, #tpu.memory_space<vmem>>
      %dma_start3A_256 = tpu.memref_squeeze %dma_start3A_255 : memref<1x100xi32, #tpu.memory_space<vmem>> -> memref<100xi32, #tpu.memory_space<vmem>>
      %dma_start3A_257 = arith.constant 0 : i32
      %dma_start3A_258 = arith.constant 0 : i32
      %dma_start3A_259 = tpu.memref_slice %arg10[%dma_start3A_257, %dma_start3A_258] : memref<100096x16xf32, #tpu.memory_space<vmem_shared>> -> memref<100096x16xf32, #tpu.memory_space<vmem_shared>>
      tpu.enqueue_indirect_dma source(%dma_start3A_253 : memref<100x16xf32, #tpu.memory_space<vmem>>) target(%dma_start3A_259 : memref<100096x16xf32, #tpu.memory_space<vmem_shared>>) offsets(%dma_start3A_256 : memref<100xi32, #tpu.memory_space<vmem>>) semaphore(%arg13 : memref<!tpu.dma_semaphore, #tpu.memory_space<semaphore_mem>>) {add = true}
      %dma_start3A_260 = arith.constant 4 : i32
      %dma_start3A_261 = arith.constant 4 : i32
      %dma_start3A_262 = arith.constant 0 : i32
      %dma_start3A_263 = arith.constant 0 : i32
      %dma_start3A_264 = tpu.memref_slice %arg9[%dma_start3A_260, %dma_start3A_262, %dma_start3A_263] : memref<8x100x16xf32, #tpu.memory_space<vmem>> -> memref<1x100x16xf32, #tpu.memory_space<vmem>>
      %dma_start3A_265 = tpu.memref_squeeze %dma_start3A_264 : memref<1x100x16xf32, #tpu.memory_space<vmem>> -> memref<100x16xf32, #tpu.memory_space<vmem>>
      %dma_start3A_266 = arith.constant 0 : i32
      %dma_start3A_267 = tpu.memref_slice %arg8[%dma_start3A_261, %dma_start3A_266] : memref<8x100xi32, #tpu.memory_space<vmem>> -> memref<1x100xi32, #tpu.memory_space<vmem>>
      %dma_start3A_268 = tpu.memref_squeeze %dma_start3A_267 : memref<1x100xi32, #tpu.memory_space<vmem>> -> memref<100xi32, #tpu.memory_space<vmem>>
      %dma_start3A_269 = arith.constant 0 : i32
      %dma_start3A_270 = arith.constant 0 : i32
      %dma_start3A_271 = tpu.memref_slice %arg10[%dma_start3A_269, %dma_start3A_270] : memref<100096x16xf32, #tpu.memory_space<vmem_shared>> -> memref<100096x16xf32, #tpu.memory_space<vmem_shared>>
      tpu.enqueue_indirect_dma source(%dma_start3A_265 : memref<100x16xf32, #tpu.memory_space<vmem>>) target(%dma_start3A_271 : memref<100096x16xf32, #tpu.memory_space<vmem_shared>>) offsets(%dma_start3A_268 : memref<100xi32, #tpu.memory_space<vmem>>) semaphore(%arg13 : memref<!tpu.dma_semaphore, #tpu.memory_space<semaphore_mem>>) {add = true}
      %dma_start3A_272 = arith.constant 5 : i32
      %dma_start3A_273 = arith.constant 5 : i32
      %dma_start3A_274 = arith.constant 0 : i32
      %dma_start3A_275 = arith.constant 0 : i32
      %dma_start3A_276 = tpu.memref_slice %arg9[%dma_start3A_272, %dma_start3A_274, %dma_start3A_275] : memref<8x100x16xf32, #tpu.memory_space<vmem>> -> memref<1x100x16xf32, #tpu.memory_space<vmem>>
      %dma_start3A_277 = tpu.memref_squeeze %dma_start3A_276 : memref<1x100x16xf32, #tpu.memory_space<vmem>> -> memref<100x16xf32, #tpu.memory_space<vmem>>
      %dma_start3A_278 = arith.constant 0 : i32
      %dma_start3A_279 = tpu.memref_slice %arg8[%dma_start3A_273, %dma_start3A_278] : memref<8x100xi32, #tpu.memory_space<vmem>> -> memref<1x100xi32, #tpu.memory_space<vmem>>
      %dma_start3A_280 = tpu.memref_squeeze %dma_start3A_279 : memref<1x100xi32, #tpu.memory_space<vmem>> -> memref<100xi32, #tpu.memory_space<vmem>>
      %dma_start3A_281 = arith.constant 0 : i32
      %dma_start3A_282 = arith.constant 0 : i32
      %dma_start3A_283 = tpu.memref_slice %arg10[%dma_start3A_281, %dma_start3A_282] : memref<100096x16xf32, #tpu.memory_space<vmem_shared>> -> memref<100096x16xf32, #tpu.memory_space<vmem_shared>>
      tpu.enqueue_indirect_dma source(%dma_start3A_277 : memref<100x16xf32, #tpu.memory_space<vmem>>) target(%dma_start3A_283 : memref<100096x16xf32, #tpu.memory_space<vmem_shared>>) offsets(%dma_start3A_280 : memref<100xi32, #tpu.memory_space<vmem>>) semaphore(%arg13 : memref<!tpu.dma_semaphore, #tpu.memory_space<semaphore_mem>>) {add = true}
      %dma_start3A_284 = arith.constant 6 : i32
      %dma_start3A_285 = arith.constant 6 : i32
      %dma_start3A_286 = arith.constant 0 : i32
      %dma_start3A_287 = arith.constant 0 : i32
      %dma_start3A_288 = tpu.memref_slice %arg9[%dma_start3A_284, %dma_start3A_286, %dma_start3A_287] : memref<8x100x16xf32, #tpu.memory_space<vmem>> -> memref<1x100x16xf32, #tpu.memory_space<vmem>>
      %dma_start3A_289 = tpu.memref_squeeze %dma_start3A_288 : memref<1x100x16xf32, #tpu.memory_space<vmem>> -> memref<100x16xf32, #tpu.memory_space<vmem>>
      %dma_start3A_290 = arith.constant 0 : i32
      %dma_start3A_291 = tpu.memref_slice %arg8[%dma_start3A_285, %dma_start3A_290] : memref<8x100xi32, #tpu.memory_space<vmem>> -> memref<1x100xi32, #tpu.memory_space<vmem>>
      %dma_start3A_292 = tpu.memref_squeeze %dma_start3A_291 : memref<1x100xi32, #tpu.memory_space<vmem>> -> memref<100xi32, #tpu.memory_space<vmem>>
      %dma_start3A_293 = arith.constant 0 : i32
      %dma_start3A_294 = arith.constant 0 : i32
      %dma_start3A_295 = tpu.memref_slice %arg10[%dma_start3A_293, %dma_start3A_294] : memref<100096x16xf32, #tpu.memory_space<vmem_shared>> -> memref<100096x16xf32, #tpu.memory_space<vmem_shared>>
      tpu.enqueue_indirect_dma source(%dma_start3A_289 : memref<100x16xf32, #tpu.memory_space<vmem>>) target(%dma_start3A_295 : memref<100096x16xf32, #tpu.memory_space<vmem_shared>>) offsets(%dma_start3A_292 : memref<100xi32, #tpu.memory_space<vmem>>) semaphore(%arg13 : memref<!tpu.dma_semaphore, #tpu.memory_space<semaphore_mem>>) {add = true}
      %dma_start3A_296 = arith.constant 7 : i32
      %dma_start3A_297 = arith.constant 7 : i32
      %dma_start3A_298 = arith.constant 0 : i32
      %dma_start3A_299 = arith.constant 0 : i32
      %dma_start3A_300 = tpu.memref_slice %arg9[%dma_start3A_296, %dma_start3A_298, %dma_start3A_299] : memref<8x100x16xf32, #tpu.memory_space<vmem>> -> memref<1x100x16xf32, #tpu.memory_space<vmem>>
      %dma_start3A_301 = tpu.memref_squeeze %dma_start3A_300 : memref<1x100x16xf32, #tpu.memory_space<vmem>> -> memref<100x16xf32, #tpu.memory_space<vmem>>
      %dma_start3A_302 = arith.constant 0 : i32
      %dma_start3A_303 = tpu.memref_slice %arg8[%dma_start3A_297, %dma_start3A_302] : memref<8x100xi32, #tpu.memory_space<vmem>> -> memref<1x100xi32, #tpu.memory_space<vmem>>
      %dma_start3A_304 = tpu.memref_squeeze %dma_start3A_303 : memref<1x100xi32, #tpu.memory_space<vmem>> -> memref<100xi32, #tpu.memory_space<vmem>>
      %dma_start3A_305 = arith.constant 0 : i32
      %dma_start3A_306 = arith.constant 0 : i32
      %dma_start3A_307 = tpu.memref_slice %arg10[%dma_start3A_305, %dma_start3A_306] : memref<100096x16xf32, #tpu.memory_space<vmem_shared>> -> memref<100096x16xf32, #tpu.memory_space<vmem_shared>>
      tpu.enqueue_indirect_dma source(%dma_start3A_301 : memref<100x16xf32, #tpu.memory_space<vmem>>) target(%dma_start3A_307 : memref<100096x16xf32, #tpu.memory_space<vmem_shared>>) offsets(%dma_start3A_304 : memref<100xi32, #tpu.memory_space<vmem>>) semaphore(%arg13 : memref<!tpu.dma_semaphore, #tpu.memory_space<semaphore_mem>>) {add = true}
      %dma_wait3A_308 = arith.constant 0 : i32
      %dma_wait3A_309 = arith.constant 0 : i32
      %dma_wait3A_310 = arith.constant 0 : i32
      %dma_wait3A_311 = arith.constant 0 : i32
      %dma_wait3A_312 = tpu.memref_slice %arg9[%dma_wait3A_308, %dma_wait3A_310, %dma_wait3A_311] : memref<8x100x16xf32, #tpu.memory_space<vmem>> -> memref<1x100x16xf32, #tpu.memory_space<vmem>>
      %dma_wait3A_313 = tpu.memref_squeeze %dma_wait3A_312 : memref<1x100x16xf32, #tpu.memory_space<vmem>> -> memref<100x16xf32, #tpu.memory_space<vmem>>
      %dma_wait3A_314 = arith.constant 0 : i32
      %dma_wait3A_315 = tpu.memref_slice %arg8[%dma_wait3A_309, %dma_wait3A_314] : memref<8x100xi32, #tpu.memory_space<vmem>> -> memref<1x100xi32, #tpu.memory_space<vmem>>
      %dma_wait3A_316 = tpu.memref_squeeze %dma_wait3A_315 : memref<1x100xi32, #tpu.memory_space<vmem>> -> memref<100xi32, #tpu.memory_space<vmem>>
      %dma_wait3A_317 = arith.constant 0 : i32
      %dma_wait3A_318 = arith.constant 0 : i32
      %dma_wait3A_319 = tpu.memref_slice %arg10[%dma_wait3A_317, %dma_wait3A_318] : memref<100096x16xf32, #tpu.memory_space<vmem_shared>> -> memref<100096x16xf32, #tpu.memory_space<vmem_shared>>
      tpu.wait_indirect_dma semaphore(%arg13 : memref<!tpu.dma_semaphore, #tpu.memory_space<semaphore_mem>>) src(%dma_wait3A_313 : memref<100x16xf32, #tpu.memory_space<vmem>>) dst(%dma_wait3A_319 : memref<100096x16xf32, #tpu.memory_space<vmem_shared>>)
      %dma_wait3A_320 = arith.constant 1 : i32
      %dma_wait3A_321 = arith.constant 1 : i32
      %dma_wait3A_322 = arith.constant 0 : i32
      %dma_wait3A_323 = arith.constant 0 : i32
      %dma_wait3A_324 = tpu.memref_slice %arg9[%dma_wait3A_320, %dma_wait3A_322, %dma_wait3A_323] : memref<8x100x16xf32, #tpu.memory_space<vmem>> -> memref<1x100x16xf32, #tpu.memory_space<vmem>>
      %dma_wait3A_325 = tpu.memref_squeeze %dma_wait3A_324 : memref<1x100x16xf32, #tpu.memory_space<vmem>> -> memref<100x16xf32, #tpu.memory_space<vmem>>
      %dma_wait3A_326 = arith.constant 0 : i32
      %dma_wait3A_327 = tpu.memref_slice %arg8[%dma_wait3A_321, %dma_wait3A_326] : memref<8x100xi32, #tpu.memory_space<vmem>> -> memref<1x100xi32, #tpu.memory_space<vmem>>
      %dma_wait3A_328 = tpu.memref_squeeze %dma_wait3A_327 : memref<1x100xi32, #tpu.memory_space<vmem>> -> memref<100xi32, #tpu.memory_space<vmem>>
      %dma_wait3A_329 = arith.constant 0 : i32
      %dma_wait3A_330 = arith.constant 0 : i32
      %dma_wait3A_331 = tpu.memref_slice %arg10[%dma_wait3A_329, %dma_wait3A_330] : memref<100096x16xf32, #tpu.memory_space<vmem_shared>> -> memref<100096x16xf32, #tpu.memory_space<vmem_shared>>
      tpu.wait_indirect_dma semaphore(%arg13 : memref<!tpu.dma_semaphore, #tpu.memory_space<semaphore_mem>>) src(%dma_wait3A_325 : memref<100x16xf32, #tpu.memory_space<vmem>>) dst(%dma_wait3A_331 : memref<100096x16xf32, #tpu.memory_space<vmem_shared>>)
      %dma_wait3A_332 = arith.constant 2 : i32
      %dma_wait3A_333 = arith.constant 2 : i32
      %dma_wait3A_334 = arith.constant 0 : i32
      %dma_wait3A_335 = arith.constant 0 : i32
      %dma_wait3A_336 = tpu.memref_slice %arg9[%dma_wait3A_332, %dma_wait3A_334, %dma_wait3A_335] : memref<8x100x16xf32, #tpu.memory_space<vmem>> -> memref<1x100x16xf32, #tpu.memory_space<vmem>>
      %dma_wait3A_337 = tpu.memref_squeeze %dma_wait3A_336 : memref<1x100x16xf32, #tpu.memory_space<vmem>> -> memref<100x16xf32, #tpu.memory_space<vmem>>
      %dma_wait3A_338 = arith.constant 0 : i32
      %dma_wait3A_339 = tpu.memref_slice %arg8[%dma_wait3A_333, %dma_wait3A_338] : memref<8x100xi32, #tpu.memory_space<vmem>> -> memref<1x100xi32, #tpu.memory_space<vmem>>
      %dma_wait3A_340 = tpu.memref_squeeze %dma_wait3A_339 : memref<1x100xi32, #tpu.memory_space<vmem>> -> memref<100xi32, #tpu.memory_space<vmem>>
      %dma_wait3A_341 = arith.constant 0 : i32
      %dma_wait3A_342 = arith.constant 0 : i32
      %dma_wait3A_343 = tpu.memref_slice %arg10[%dma_wait3A_341, %dma_wait3A_342] : memref<100096x16xf32, #tpu.memory_space<vmem_shared>> -> memref<100096x16xf32, #tpu.memory_space<vmem_shared>>
      tpu.wait_indirect_dma semaphore(%arg13 : memref<!tpu.dma_semaphore, #tpu.memory_space<semaphore_mem>>) src(%dma_wait3A_337 : memref<100x16xf32, #tpu.memory_space<vmem>>) dst(%dma_wait3A_343 : memref<100096x16xf32, #tpu.memory_space<vmem_shared>>)
      %dma_wait3A_344 = arith.constant 3 : i32
      %dma_wait3A_345 = arith.constant 3 : i32
      %dma_wait3A_346 = arith.constant 0 : i32
      %dma_wait3A_347 = arith.constant 0 : i32
      %dma_wait3A_348 = tpu.memref_slice %arg9[%dma_wait3A_344, %dma_wait3A_346, %dma_wait3A_347] : memref<8x100x16xf32, #tpu.memory_space<vmem>> -> memref<1x100x16xf32, #tpu.memory_space<vmem>>
      %dma_wait3A_349 = tpu.memref_squeeze %dma_wait3A_348 : memref<1x100x16xf32, #tpu.memory_space<vmem>> -> memref<100x16xf32, #tpu.memory_space<vmem>>
      %dma_wait3A_350 = arith.constant 0 : i32
      %dma_wait3A_351 = tpu.memref_slice %arg8[%dma_wait3A_345, %dma_wait3A_350] : memref<8x100xi32, #tpu.memory_space<vmem>> -> memref<1x100xi32, #tpu.memory_space<vmem>>
      %dma_wait3A_352 = tpu.memref_squeeze %dma_wait3A_351 : memref<1x100xi32, #tpu.memory_space<vmem>> -> memref<100xi32, #tpu.memory_space<vmem>>
      %dma_wait3A_353 = arith.constant 0 : i32
      %dma_wait3A_354 = arith.constant 0 : i32
      %dma_wait3A_355 = tpu.memref_slice %arg10[%dma_wait3A_353, %dma_wait3A_354] : memref<100096x16xf32, #tpu.memory_space<vmem_shared>> -> memref<100096x16xf32, #tpu.memory_space<vmem_shared>>
      tpu.wait_indirect_dma semaphore(%arg13 : memref<!tpu.dma_semaphore, #tpu.memory_space<semaphore_mem>>) src(%dma_wait3A_349 : memref<100x16xf32, #tpu.memory_space<vmem>>) dst(%dma_wait3A_355 : memref<100096x16xf32, #tpu.memory_space<vmem_shared>>)
      %dma_wait3A_356 = arith.constant 4 : i32
      %dma_wait3A_357 = arith.constant 4 : i32
      %dma_wait3A_358 = arith.constant 0 : i32
      %dma_wait3A_359 = arith.constant 0 : i32
      %dma_wait3A_360 = tpu.memref_slice %arg9[%dma_wait3A_356, %dma_wait3A_358, %dma_wait3A_359] : memref<8x100x16xf32, #tpu.memory_space<vmem>> -> memref<1x100x16xf32, #tpu.memory_space<vmem>>
      %dma_wait3A_361 = tpu.memref_squeeze %dma_wait3A_360 : memref<1x100x16xf32, #tpu.memory_space<vmem>> -> memref<100x16xf32, #tpu.memory_space<vmem>>
      %dma_wait3A_362 = arith.constant 0 : i32
      %dma_wait3A_363 = tpu.memref_slice %arg8[%dma_wait3A_357, %dma_wait3A_362] : memref<8x100xi32, #tpu.memory_space<vmem>> -> memref<1x100xi32, #tpu.memory_space<vmem>>
      %dma_wait3A_364 = tpu.memref_squeeze %dma_wait3A_363 : memref<1x100xi32, #tpu.memory_space<vmem>> -> memref<100xi32, #tpu.memory_space<vmem>>
      %dma_wait3A_365 = arith.constant 0 : i32
      %dma_wait3A_366 = arith.constant 0 : i32
      %dma_wait3A_367 = tpu.memref_slice %arg10[%dma_wait3A_365, %dma_wait3A_366] : memref<100096x16xf32, #tpu.memory_space<vmem_shared>> -> memref<100096x16xf32, #tpu.memory_space<vmem_shared>>
      tpu.wait_indirect_dma semaphore(%arg13 : memref<!tpu.dma_semaphore, #tpu.memory_space<semaphore_mem>>) src(%dma_wait3A_361 : memref<100x16xf32, #tpu.memory_space<vmem>>) dst(%dma_wait3A_367 : memref<100096x16xf32, #tpu.memory_space<vmem_shared>>)
      %dma_wait3A_368 = arith.constant 5 : i32
      %dma_wait3A_369 = arith.constant 5 : i32
      %dma_wait3A_370 = arith.constant 0 : i32
      %dma_wait3A_371 = arith.constant 0 : i32
      %dma_wait3A_372 = tpu.memref_slice %arg9[%dma_wait3A_368, %dma_wait3A_370, %dma_wait3A_371] : memref<8x100x16xf32, #tpu.memory_space<vmem>> -> memref<1x100x16xf32, #tpu.memory_space<vmem>>
      %dma_wait3A_373 = tpu.memref_squeeze %dma_wait3A_372 : memref<1x100x16xf32, #tpu.memory_space<vmem>> -> memref<100x16xf32, #tpu.memory_space<vmem>>
      %dma_wait3A_374 = arith.constant 0 : i32
      %dma_wait3A_375 = tpu.memref_slice %arg8[%dma_wait3A_369, %dma_wait3A_374] : memref<8x100xi32, #tpu.memory_space<vmem>> -> memref<1x100xi32, #tpu.memory_space<vmem>>
      %dma_wait3A_376 = tpu.memref_squeeze %dma_wait3A_375 : memref<1x100xi32, #tpu.memory_space<vmem>> -> memref<100xi32, #tpu.memory_space<vmem>>
      %dma_wait3A_377 = arith.constant 0 : i32
      %dma_wait3A_378 = arith.constant 0 : i32
      %dma_wait3A_379 = tpu.memref_slice %arg10[%dma_wait3A_377, %dma_wait3A_378] : memref<100096x16xf32, #tpu.memory_space<vmem_shared>> -> memref<100096x16xf32, #tpu.memory_space<vmem_shared>>
      tpu.wait_indirect_dma semaphore(%arg13 : memref<!tpu.dma_semaphore, #tpu.memory_space<semaphore_mem>>) src(%dma_wait3A_373 : memref<100x16xf32, #tpu.memory_space<vmem>>) dst(%dma_wait3A_379 : memref<100096x16xf32, #tpu.memory_space<vmem_shared>>)
      %dma_wait3A_380 = arith.constant 6 : i32
      %dma_wait3A_381 = arith.constant 6 : i32
      %dma_wait3A_382 = arith.constant 0 : i32
      %dma_wait3A_383 = arith.constant 0 : i32
      %dma_wait3A_384 = tpu.memref_slice %arg9[%dma_wait3A_380, %dma_wait3A_382, %dma_wait3A_383] : memref<8x100x16xf32, #tpu.memory_space<vmem>> -> memref<1x100x16xf32, #tpu.memory_space<vmem>>
      %dma_wait3A_385 = tpu.memref_squeeze %dma_wait3A_384 : memref<1x100x16xf32, #tpu.memory_space<vmem>> -> memref<100x16xf32, #tpu.memory_space<vmem>>
      %dma_wait3A_386 = arith.constant 0 : i32
      %dma_wait3A_387 = tpu.memref_slice %arg8[%dma_wait3A_381, %dma_wait3A_386] : memref<8x100xi32, #tpu.memory_space<vmem>> -> memref<1x100xi32, #tpu.memory_space<vmem>>
      %dma_wait3A_388 = tpu.memref_squeeze %dma_wait3A_387 : memref<1x100xi32, #tpu.memory_space<vmem>> -> memref<100xi32, #tpu.memory_space<vmem>>
      %dma_wait3A_389 = arith.constant 0 : i32
      %dma_wait3A_390 = arith.constant 0 : i32
      %dma_wait3A_391 = tpu.memref_slice %arg10[%dma_wait3A_389, %dma_wait3A_390] : memref<100096x16xf32, #tpu.memory_space<vmem_shared>> -> memref<100096x16xf32, #tpu.memory_space<vmem_shared>>
      tpu.wait_indirect_dma semaphore(%arg13 : memref<!tpu.dma_semaphore, #tpu.memory_space<semaphore_mem>>) src(%dma_wait3A_385 : memref<100x16xf32, #tpu.memory_space<vmem>>) dst(%dma_wait3A_391 : memref<100096x16xf32, #tpu.memory_space<vmem_shared>>)
      %dma_wait3A_392 = arith.constant 7 : i32
      %dma_wait3A_393 = arith.constant 7 : i32
      %dma_wait3A_394 = arith.constant 0 : i32
      %dma_wait3A_395 = arith.constant 0 : i32
      %dma_wait3A_396 = tpu.memref_slice %arg9[%dma_wait3A_392, %dma_wait3A_394, %dma_wait3A_395] : memref<8x100x16xf32, #tpu.memory_space<vmem>> -> memref<1x100x16xf32, #tpu.memory_space<vmem>>
      %dma_wait3A_397 = tpu.memref_squeeze %dma_wait3A_396 : memref<1x100x16xf32, #tpu.memory_space<vmem>> -> memref<100x16xf32, #tpu.memory_space<vmem>>
      %dma_wait3A_398 = arith.constant 0 : i32
      %dma_wait3A_399 = tpu.memref_slice %arg8[%dma_wait3A_393, %dma_wait3A_398] : memref<8x100xi32, #tpu.memory_space<vmem>> -> memref<1x100xi32, #tpu.memory_space<vmem>>
      %dma_wait3A_400 = tpu.memref_squeeze %dma_wait3A_399 : memref<1x100xi32, #tpu.memory_space<vmem>> -> memref<100xi32, #tpu.memory_space<vmem>>
      %dma_wait3A_401 = arith.constant 0 : i32
      %dma_wait3A_402 = arith.constant 0 : i32
      %dma_wait3A_403 = tpu.memref_slice %arg10[%dma_wait3A_401, %dma_wait3A_402] : memref<100096x16xf32, #tpu.memory_space<vmem_shared>> -> memref<100096x16xf32, #tpu.memory_space<vmem_shared>>
      tpu.wait_indirect_dma semaphore(%arg13 : memref<!tpu.dma_semaphore, #tpu.memory_space<semaphore_mem>>) src(%dma_wait3A_397 : memref<100x16xf32, #tpu.memory_space<vmem>>) dst(%dma_wait3A_403 : memref<100096x16xf32, #tpu.memory_space<vmem_shared>>)
    }
    %scan3A_6 = arith.constant 250 : i32
    %barrier3A_7 = arith.constant 0 : index
    tpu.barrier barrier_id(%barrier3A_7)
    %mul3A_8 = arith.constant 6256 : i32
    %mul3A_9 = arith.muli %arg1, %mul3A_8 : i32
    %mul3A_10 = arith.constant 6256 : i32
    %mul3A_11 = arith.muli %arg1, %mul3A_10 : i32
    "tpu.region"() ({
      %run_scoped3A = tpu.sem_alloc : memref<!tpu.dma_semaphore, #tpu.memory_space<semaphore_mem>>
      %dma_start3A = arith.constant 0 : i32
      %dma_start3A_12 = tpu.memref_slice %arg6[%arg0, %mul3A_11, %dma_start3A] : memref<2x100096x16xf32, #tpu.memory_space<hbm>> -> memref<1x6256x16xf32, #tpu.memory_space<hbm>>
      %dma_start3A_13 = tpu.memref_squeeze %dma_start3A_12 : memref<1x6256x16xf32, #tpu.memory_space<hbm>> -> memref<6256x16xf32, #tpu.memory_space<hbm>>
      %dma_start3A_14 = arith.constant 0 : i32
      %dma_start3A_15 = tpu.memref_slice %arg10[%mul3A_9, %dma_start3A_14] : memref<100096x16xf32, #tpu.memory_space<vmem_shared>> -> memref<6256x16xf32, #tpu.memory_space<vmem_shared>>
      tpu.enqueue_dma source(%dma_start3A_15 : memref<6256x16xf32, #tpu.memory_space<vmem_shared>>) target(%dma_start3A_13 : memref<6256x16xf32, #tpu.memory_space<hbm>>) target_semaphore(%run_scoped3A : memref<!tpu.dma_semaphore, #tpu.memory_space<semaphore_mem>>)
      %dma_wait3A = arith.constant 0 : i32
      %dma_wait3A_16 = tpu.memref_slice %arg6[%arg0, %mul3A_11, %dma_wait3A] : memref<2x100096x16xf32, #tpu.memory_space<hbm>> -> memref<1x6256x16xf32, #tpu.memory_space<hbm>>
      %dma_wait3A_17 = tpu.memref_squeeze %dma_wait3A_16 : memref<1x6256x16xf32, #tpu.memory_space<hbm>> -> memref<6256x16xf32, #tpu.memory_space<hbm>>
      %dma_wait3A_18 = arith.constant 0 : i32
      %dma_wait3A_19 = tpu.memref_slice %arg10[%mul3A_9, %dma_wait3A_18] : memref<100096x16xf32, #tpu.memory_space<vmem_shared>> -> memref<6256x16xf32, #tpu.memory_space<vmem_shared>>
      tpu.wait_dma2 semaphore(%run_scoped3A : memref<!tpu.dma_semaphore, #tpu.memory_space<semaphore_mem>>) src(%dma_wait3A_19 : memref<6256x16xf32, #tpu.memory_space<vmem_shared>>) dst(%dma_wait3A_17 : memref<6256x16xf32, #tpu.memory_space<hbm>>)
      tpu.yield
    }) : () -> ()
    return
  }
}

module attributes {stable_mosaic.version = 14 : i64} {
  func.func @body(%arg0: i32, %arg1: memref<2000x4xf32, #tpu.memory_space<vmem>>, %arg2: memref<2000x2xf32, #tpu.memory_space<vmem>>, %arg3: memref<1x4xf32, #tpu.memory_space<vmem>>, %arg4: memref<1x4xf32, #tpu.memory_space<vmem>>, %arg5: memref<7x16xf32, #tpu.memory_space<vmem>>, %arg6: memref<2000x16xf32, #tpu.memory_space<vmem>>) attributes {dimension_semantics = [#tpu.dimension_semantics<arbitrary>], iteration_bounds = array<i64: 50>, scalar_prefetch = 0 : i64, scratch_operands = 0 : i64, tpu.core_type = #tpu.core_type<tc>, window_params = [{transform_indices = @transform_0, window_bounds = array<i64: 2000, 4>}, {transform_indices = @transform_1, window_bounds = array<i64: 2000, 2>}, {pipeline_mode = #tpu.pipeline_mode<synchronous>, transform_indices = @transform_2, window_bounds = array<i64: 1, 4>}, {pipeline_mode = #tpu.pipeline_mode<synchronous>, transform_indices = @transform_3, window_bounds = array<i64: 1, 4>}, {pipeline_mode = #tpu.pipeline_mode<synchronous>, transform_indices = @transform_4, window_bounds = array<i64: 7, 16>}, {transform_indices = @transform_5, window_bounds = array<i64: 2000, 16>}]} {
    %get3A = arith.constant 0 : index
    %get3A_0 = arith.constant 0 : index
    %get3A_1 = vector.load %arg2[%get3A, %get3A_0] : memref<2000x2xf32, #tpu.memory_space<vmem>>, vector<2000x2xf32>
    %reduce_sum3A = arith.constant dense<0.000000e+00> : vector<2000xf32>
    %reduce_sum3A_2 = vector.multi_reduction <add>, %get3A_1, %reduce_sum3A [1] : vector<2000x2xf32> to vector<2000xf32>
    %broadcast_in_dim3A = vector.shape_cast %reduce_sum3A_2 : vector<2000xf32> to vector<2000x1xf32>
    %add3A = arith.constant 1.000000e+00 : f32
    %add3A_3 = vector.broadcast %add3A : f32 to vector<2000x1xf32>
    %add3A_4 = arith.addf %broadcast_in_dim3A, %add3A_3 : vector<2000x1xf32>
    %rsqrt3A = math.rsqrt %add3A_4 : vector<2000x1xf32>
    %get3A_5 = arith.constant 0 : index
    %get3A_6 = arith.constant 0 : index
    %get3A_7 = vector.load %arg1[%get3A_5, %get3A_6] : memref<2000x4xf32, #tpu.memory_space<vmem>>, vector<2000x4xf32>
    %slice3A = vector.extract_strided_slice %get3A_7 {offsets = [0, 0], sizes = [2000, 1], strides = [1, 1]} : vector<2000x4xf32> to vector<2000x1xf32>
    %get3A_8 = arith.constant 0 : index
    %get3A_9 = arith.constant 0 : index
    %get3A_10 = vector.load %arg3[%get3A_8, %get3A_9] : memref<1x4xf32, #tpu.memory_space<vmem>>, vector<1x4xf32>
    %mul3A = vector.broadcast %slice3A : vector<2000x1xf32> to vector<2000x4xf32>
    %mul3A_11 = vector.broadcast %get3A_10 : vector<1x4xf32> to vector<2000x4xf32>
    %mul3A_12 = arith.mulf %mul3A, %mul3A_11 : vector<2000x4xf32>
    %get3A_13 = arith.constant 0 : index
    %get3A_14 = arith.constant 0 : index
    %get3A_15 = vector.load %arg4[%get3A_13, %get3A_14] : memref<1x4xf32, #tpu.memory_space<vmem>>, vector<1x4xf32>
    %add3A_16 = vector.broadcast %get3A_15 : vector<1x4xf32> to vector<2000x4xf32>
    %add3A_17 = arith.addf %mul3A_12, %add3A_16 : vector<2000x4xf32>
    %slice3A_18 = vector.extract_strided_slice %get3A_7 {offsets = [0, 1], sizes = [2000, 3], strides = [1, 1]} : vector<2000x4xf32> to vector<2000x3xf32>
    %concatenate3A = tpu.concatenate %add3A_17, %slice3A_18 in 1 : vector<2000x4xf32>, vector<2000x3xf32> -> vector<2000x7xf32>
    %get3A_19 = arith.constant 0 : index
    %get3A_20 = arith.constant 0 : index
    %get3A_21 = vector.load %arg5[%get3A_19, %get3A_20] : memref<7x16xf32, #tpu.memory_space<vmem>>, vector<7x16xf32>
    %slice3A_22 = vector.extract_strided_slice %concatenate3A {offsets = [0, 0], sizes = [2000, 1], strides = [1, 1]} : vector<2000x7xf32> to vector<2000x1xf32>
    %slice3A_23 = vector.extract_strided_slice %get3A_21 {offsets = [0, 0], sizes = [1, 16], strides = [1, 1]} : vector<7x16xf32> to vector<1x16xf32>
    %mul3A_24 = vector.broadcast %slice3A_22 : vector<2000x1xf32> to vector<2000x16xf32>
    %mul3A_25 = vector.broadcast %slice3A_23 : vector<1x16xf32> to vector<2000x16xf32>
    %mul3A_26 = arith.mulf %mul3A_24, %mul3A_25 : vector<2000x16xf32>
    %slice3A_27 = vector.extract_strided_slice %concatenate3A {offsets = [0, 1], sizes = [2000, 1], strides = [1, 1]} : vector<2000x7xf32> to vector<2000x1xf32>
    %slice3A_28 = vector.extract_strided_slice %get3A_21 {offsets = [1, 0], sizes = [1, 16], strides = [1, 1]} : vector<7x16xf32> to vector<1x16xf32>
    %mul3A_29 = vector.broadcast %slice3A_27 : vector<2000x1xf32> to vector<2000x16xf32>
    %mul3A_30 = vector.broadcast %slice3A_28 : vector<1x16xf32> to vector<2000x16xf32>
    %mul3A_31 = arith.mulf %mul3A_29, %mul3A_30 : vector<2000x16xf32>
    %add3A_32 = arith.addf %mul3A_26, %mul3A_31 : vector<2000x16xf32>
    %slice3A_33 = vector.extract_strided_slice %concatenate3A {offsets = [0, 2], sizes = [2000, 1], strides = [1, 1]} : vector<2000x7xf32> to vector<2000x1xf32>
    %slice3A_34 = vector.extract_strided_slice %get3A_21 {offsets = [2, 0], sizes = [1, 16], strides = [1, 1]} : vector<7x16xf32> to vector<1x16xf32>
    %mul3A_35 = vector.broadcast %slice3A_33 : vector<2000x1xf32> to vector<2000x16xf32>
    %mul3A_36 = vector.broadcast %slice3A_34 : vector<1x16xf32> to vector<2000x16xf32>
    %mul3A_37 = arith.mulf %mul3A_35, %mul3A_36 : vector<2000x16xf32>
    %add3A_38 = arith.addf %add3A_32, %mul3A_37 : vector<2000x16xf32>
    %slice3A_39 = vector.extract_strided_slice %concatenate3A {offsets = [0, 3], sizes = [2000, 1], strides = [1, 1]} : vector<2000x7xf32> to vector<2000x1xf32>
    %slice3A_40 = vector.extract_strided_slice %get3A_21 {offsets = [3, 0], sizes = [1, 16], strides = [1, 1]} : vector<7x16xf32> to vector<1x16xf32>
    %mul3A_41 = vector.broadcast %slice3A_39 : vector<2000x1xf32> to vector<2000x16xf32>
    %mul3A_42 = vector.broadcast %slice3A_40 : vector<1x16xf32> to vector<2000x16xf32>
    %mul3A_43 = arith.mulf %mul3A_41, %mul3A_42 : vector<2000x16xf32>
    %add3A_44 = arith.addf %add3A_38, %mul3A_43 : vector<2000x16xf32>
    %slice3A_45 = vector.extract_strided_slice %concatenate3A {offsets = [0, 4], sizes = [2000, 1], strides = [1, 1]} : vector<2000x7xf32> to vector<2000x1xf32>
    %slice3A_46 = vector.extract_strided_slice %get3A_21 {offsets = [4, 0], sizes = [1, 16], strides = [1, 1]} : vector<7x16xf32> to vector<1x16xf32>
    %mul3A_47 = vector.broadcast %slice3A_45 : vector<2000x1xf32> to vector<2000x16xf32>
    %mul3A_48 = vector.broadcast %slice3A_46 : vector<1x16xf32> to vector<2000x16xf32>
    %mul3A_49 = arith.mulf %mul3A_47, %mul3A_48 : vector<2000x16xf32>
    %add3A_50 = arith.addf %add3A_44, %mul3A_49 : vector<2000x16xf32>
    %slice3A_51 = vector.extract_strided_slice %concatenate3A {offsets = [0, 5], sizes = [2000, 1], strides = [1, 1]} : vector<2000x7xf32> to vector<2000x1xf32>
    %slice3A_52 = vector.extract_strided_slice %get3A_21 {offsets = [5, 0], sizes = [1, 16], strides = [1, 1]} : vector<7x16xf32> to vector<1x16xf32>
    %mul3A_53 = vector.broadcast %slice3A_51 : vector<2000x1xf32> to vector<2000x16xf32>
    %mul3A_54 = vector.broadcast %slice3A_52 : vector<1x16xf32> to vector<2000x16xf32>
    %mul3A_55 = arith.mulf %mul3A_53, %mul3A_54 : vector<2000x16xf32>
    %add3A_56 = arith.addf %add3A_50, %mul3A_55 : vector<2000x16xf32>
    %slice3A_57 = vector.extract_strided_slice %concatenate3A {offsets = [0, 6], sizes = [2000, 1], strides = [1, 1]} : vector<2000x7xf32> to vector<2000x1xf32>
    %slice3A_58 = vector.extract_strided_slice %get3A_21 {offsets = [6, 0], sizes = [1, 16], strides = [1, 1]} : vector<7x16xf32> to vector<1x16xf32>
    %mul3A_59 = vector.broadcast %slice3A_57 : vector<2000x1xf32> to vector<2000x16xf32>
    %mul3A_60 = vector.broadcast %slice3A_58 : vector<1x16xf32> to vector<2000x16xf32>
    %mul3A_61 = arith.mulf %mul3A_59, %mul3A_60 : vector<2000x16xf32>
    %add3A_62 = arith.addf %add3A_56, %mul3A_61 : vector<2000x16xf32>
    %mul3A_63 = vector.broadcast %rsqrt3A : vector<2000x1xf32> to vector<2000x16xf32>
    %mul3A_64 = arith.mulf %add3A_62, %mul3A_63 : vector<2000x16xf32>
    %swap3A = arith.constant 0 : index
    %swap3A_65 = arith.constant 0 : index
    %swap3A_66 = vector.load %arg6[%swap3A, %swap3A_65] : memref<2000x16xf32, #tpu.memory_space<vmem>>, vector<2000x16xf32>
    tpu.vector_store %arg6[%swap3A, %swap3A_65], %mul3A_64 {strides = array<i32>} : memref<2000x16xf32, #tpu.memory_space<vmem>>, vector<2000x16xf32>,
    return
  }
  func.func @transform_0(%arg0: i32) -> (i32, i32) {
    %c0_i32 = arith.constant 0 : i32
    %c0_i32_0 = arith.constant 0 : i32
    return %arg0, %c0_i32 : i32, i32
  }
  func.func @transform_1(%arg0: i32) -> (i32, i32) {
    %c0_i32 = arith.constant 0 : i32
    %c0_i32_0 = arith.constant 0 : i32
    return %arg0, %c0_i32 : i32, i32
  }
  func.func @transform_2(%arg0: i32) -> (i32, i32) {
    %c0_i32 = arith.constant 0 : i32
    %c0_i32_0 = arith.constant 0 : i32
    %c0_i32_1 = arith.constant 0 : i32
    return %c0_i32, %c0_i32_0 : i32, i32
  }
  func.func @transform_3(%arg0: i32) -> (i32, i32) {
    %c0_i32 = arith.constant 0 : i32
    %c0_i32_0 = arith.constant 0 : i32
    %c0_i32_1 = arith.constant 0 : i32
    return %c0_i32, %c0_i32_0 : i32, i32
  }
  func.func @transform_4(%arg0: i32) -> (i32, i32) {
    %c0_i32 = arith.constant 0 : i32
    %c0_i32_0 = arith.constant 0 : i32
    %c0_i32_1 = arith.constant 0 : i32
    return %c0_i32, %c0_i32_0 : i32, i32
  }
  func.func @transform_5(%arg0: i32) -> (i32, i32) {
    %c0_i32 = arith.constant 0 : i32
    %c0_i32_0 = arith.constant 0 : i32
    return %arg0, %c0_i32 : i32, i32
  }
}

module attributes {stable_mosaic.version = 14 : i64} {
  func.func @body(%arg0: i32, %arg1: memref<2x2000x16xf32, #tpu.memory_space<vmem>>, %arg2: memref<2000x16xf32, #tpu.memory_space<vmem>>, %arg3: memref<2000x2xf32, #tpu.memory_space<vmem>>, %arg4: memref<16x8xf32, #tpu.memory_space<vmem>>, %arg5: memref<1x16xf32, #tpu.memory_space<vmem>>, %arg6: memref<2000x8xf32, #tpu.memory_space<vmem>>) attributes {dimension_semantics = [#tpu.dimension_semantics<arbitrary>], iteration_bounds = array<i64: 50>, scalar_prefetch = 0 : i64, scratch_operands = 0 : i64, tpu.core_type = #tpu.core_type<tc>, window_params = [{transform_indices = @transform_0, window_bounds = array<i64: 2, 2000, 16>}, {transform_indices = @transform_1, window_bounds = array<i64: 2000, 16>}, {transform_indices = @transform_2, window_bounds = array<i64: 2000, 2>}, {pipeline_mode = #tpu.pipeline_mode<synchronous>, transform_indices = @transform_3, window_bounds = array<i64: 16, 8>}, {pipeline_mode = #tpu.pipeline_mode<synchronous>, transform_indices = @transform_4, window_bounds = array<i64: 1, 16>}, {transform_indices = @transform_5, window_bounds = array<i64: 2000, 8>}]} {
    %get3A = arith.constant 0 : index
    %get3A_0 = arith.constant 0 : index
    %get3A_1 = vector.load %arg3[%get3A, %get3A_0] : memref<2000x2xf32, #tpu.memory_space<vmem>>, vector<2000x2xf32>
    %reduce_sum3A = arith.constant dense<0.000000e+00> : vector<2000xf32>
    %reduce_sum3A_2 = vector.multi_reduction <add>, %get3A_1, %reduce_sum3A [1] : vector<2000x2xf32> to vector<2000xf32>
    %broadcast_in_dim3A = vector.shape_cast %reduce_sum3A_2 : vector<2000xf32> to vector<2000x1xf32>
    %add3A = arith.constant 1.000000e+00 : f32
    %add3A_3 = vector.broadcast %add3A : f32 to vector<2000x1xf32>
    %add3A_4 = arith.addf %broadcast_in_dim3A, %add3A_3 : vector<2000x1xf32>
    %rsqrt3A = math.rsqrt %add3A_4 : vector<2000x1xf32>
    %get3A_5 = arith.constant 0 : index
    %get3A_6 = arith.constant 0 : index
    %get3A_7 = arith.constant 0 : index
    %get3A_8 = vector.load %arg1[%get3A_5, %get3A_6, %get3A_7] : memref<2x2000x16xf32, #tpu.memory_space<vmem>>, vector<1x2000x16xf32>
    %get3A_9 = vector.shape_cast %get3A_8 : vector<1x2000x16xf32> to vector<2000x16xf32>
    %get3A_10 = arith.constant 1 : index
    %get3A_11 = arith.constant 0 : index
    %get3A_12 = arith.constant 0 : index
    %get3A_13 = vector.load %arg1[%get3A_10, %get3A_11, %get3A_12] : memref<2x2000x16xf32, #tpu.memory_space<vmem>>, vector<1x2000x16xf32>
    %get3A_14 = vector.shape_cast %get3A_13 : vector<1x2000x16xf32> to vector<2000x16xf32>
    %add3A_15 = arith.addf %get3A_9, %get3A_14 : vector<2000x16xf32>
    %get3A_16 = arith.constant 0 : index
    %get3A_17 = arith.constant 0 : index
    %get3A_18 = vector.load %arg2[%get3A_16, %get3A_17] : memref<2000x16xf32, #tpu.memory_space<vmem>>, vector<2000x16xf32>
    %add3A_19 = arith.addf %add3A_15, %get3A_18 : vector<2000x16xf32>
    %mul3A = vector.broadcast %rsqrt3A : vector<2000x1xf32> to vector<2000x16xf32>
    %mul3A_20 = arith.mulf %add3A_19, %mul3A : vector<2000x16xf32>
    %get3A_21 = arith.constant 0 : index
    %get3A_22 = arith.constant 0 : index
    %get3A_23 = vector.load %arg5[%get3A_21, %get3A_22] : memref<1x16xf32, #tpu.memory_space<vmem>>, vector<1x16xf32>
    %add3A_24 = vector.broadcast %get3A_23 : vector<1x16xf32> to vector<2000x16xf32>
    %add3A_25 = arith.addf %mul3A_20, %add3A_24 : vector<2000x16xf32>
    %tanh3A = math.tanh %add3A_25 : vector<2000x16xf32>
    %get3A_26 = arith.constant 0 : index
    %get3A_27 = arith.constant 0 : index
    %get3A_28 = vector.load %arg4[%get3A_26, %get3A_27] : memref<16x8xf32, #tpu.memory_space<vmem>>, vector<16x8xf32>
    %slice3A = vector.extract_strided_slice %tanh3A {offsets = [0, 0], sizes = [2000, 1], strides = [1, 1]} : vector<2000x16xf32> to vector<2000x1xf32>
    %slice3A_29 = vector.extract_strided_slice %get3A_28 {offsets = [0, 0], sizes = [1, 8], strides = [1, 1]} : vector<16x8xf32> to vector<1x8xf32>
    %mul3A_30 = vector.broadcast %slice3A : vector<2000x1xf32> to vector<2000x8xf32>
    %mul3A_31 = vector.broadcast %slice3A_29 : vector<1x8xf32> to vector<2000x8xf32>
    %mul3A_32 = arith.mulf %mul3A_30, %mul3A_31 : vector<2000x8xf32>
    %slice3A_33 = vector.extract_strided_slice %tanh3A {offsets = [0, 1], sizes = [2000, 1], strides = [1, 1]} : vector<2000x16xf32> to vector<2000x1xf32>
    %slice3A_34 = vector.extract_strided_slice %get3A_28 {offsets = [1, 0], sizes = [1, 8], strides = [1, 1]} : vector<16x8xf32> to vector<1x8xf32>
    %mul3A_35 = vector.broadcast %slice3A_33 : vector<2000x1xf32> to vector<2000x8xf32>
    %mul3A_36 = vector.broadcast %slice3A_34 : vector<1x8xf32> to vector<2000x8xf32>
    %mul3A_37 = arith.mulf %mul3A_35, %mul3A_36 : vector<2000x8xf32>
    %add3A_38 = arith.addf %mul3A_32, %mul3A_37 : vector<2000x8xf32>
    %slice3A_39 = vector.extract_strided_slice %tanh3A {offsets = [0, 2], sizes = [2000, 1], strides = [1, 1]} : vector<2000x16xf32> to vector<2000x1xf32>
    %slice3A_40 = vector.extract_strided_slice %get3A_28 {offsets = [2, 0], sizes = [1, 8], strides = [1, 1]} : vector<16x8xf32> to vector<1x8xf32>
    %mul3A_41 = vector.broadcast %slice3A_39 : vector<2000x1xf32> to vector<2000x8xf32>
    %mul3A_42 = vector.broadcast %slice3A_40 : vector<1x8xf32> to vector<2000x8xf32>
    %mul3A_43 = arith.mulf %mul3A_41, %mul3A_42 : vector<2000x8xf32>
    %add3A_44 = arith.addf %add3A_38, %mul3A_43 : vector<2000x8xf32>
    %slice3A_45 = vector.extract_strided_slice %tanh3A {offsets = [0, 3], sizes = [2000, 1], strides = [1, 1]} : vector<2000x16xf32> to vector<2000x1xf32>
    %slice3A_46 = vector.extract_strided_slice %get3A_28 {offsets = [3, 0], sizes = [1, 8], strides = [1, 1]} : vector<16x8xf32> to vector<1x8xf32>
    %mul3A_47 = vector.broadcast %slice3A_45 : vector<2000x1xf32> to vector<2000x8xf32>
    %mul3A_48 = vector.broadcast %slice3A_46 : vector<1x8xf32> to vector<2000x8xf32>
    %mul3A_49 = arith.mulf %mul3A_47, %mul3A_48 : vector<2000x8xf32>
    %add3A_50 = arith.addf %add3A_44, %mul3A_49 : vector<2000x8xf32>
    %slice3A_51 = vector.extract_strided_slice %tanh3A {offsets = [0, 4], sizes = [2000, 1], strides = [1, 1]} : vector<2000x16xf32> to vector<2000x1xf32>
    %slice3A_52 = vector.extract_strided_slice %get3A_28 {offsets = [4, 0], sizes = [1, 8], strides = [1, 1]} : vector<16x8xf32> to vector<1x8xf32>
    %mul3A_53 = vector.broadcast %slice3A_51 : vector<2000x1xf32> to vector<2000x8xf32>
    %mul3A_54 = vector.broadcast %slice3A_52 : vector<1x8xf32> to vector<2000x8xf32>
    %mul3A_55 = arith.mulf %mul3A_53, %mul3A_54 : vector<2000x8xf32>
    %add3A_56 = arith.addf %add3A_50, %mul3A_55 : vector<2000x8xf32>
    %slice3A_57 = vector.extract_strided_slice %tanh3A {offsets = [0, 5], sizes = [2000, 1], strides = [1, 1]} : vector<2000x16xf32> to vector<2000x1xf32>
    %slice3A_58 = vector.extract_strided_slice %get3A_28 {offsets = [5, 0], sizes = [1, 8], strides = [1, 1]} : vector<16x8xf32> to vector<1x8xf32>
    %mul3A_59 = vector.broadcast %slice3A_57 : vector<2000x1xf32> to vector<2000x8xf32>
    %mul3A_60 = vector.broadcast %slice3A_58 : vector<1x8xf32> to vector<2000x8xf32>
    %mul3A_61 = arith.mulf %mul3A_59, %mul3A_60 : vector<2000x8xf32>
    %add3A_62 = arith.addf %add3A_56, %mul3A_61 : vector<2000x8xf32>
    %slice3A_63 = vector.extract_strided_slice %tanh3A {offsets = [0, 6], sizes = [2000, 1], strides = [1, 1]} : vector<2000x16xf32> to vector<2000x1xf32>
    %slice3A_64 = vector.extract_strided_slice %get3A_28 {offsets = [6, 0], sizes = [1, 8], strides = [1, 1]} : vector<16x8xf32> to vector<1x8xf32>
    %mul3A_65 = vector.broadcast %slice3A_63 : vector<2000x1xf32> to vector<2000x8xf32>
    %mul3A_66 = vector.broadcast %slice3A_64 : vector<1x8xf32> to vector<2000x8xf32>
    %mul3A_67 = arith.mulf %mul3A_65, %mul3A_66 : vector<2000x8xf32>
    %add3A_68 = arith.addf %add3A_62, %mul3A_67 : vector<2000x8xf32>
    %slice3A_69 = vector.extract_strided_slice %tanh3A {offsets = [0, 7], sizes = [2000, 1], strides = [1, 1]} : vector<2000x16xf32> to vector<2000x1xf32>
    %slice3A_70 = vector.extract_strided_slice %get3A_28 {offsets = [7, 0], sizes = [1, 8], strides = [1, 1]} : vector<16x8xf32> to vector<1x8xf32>
    %mul3A_71 = vector.broadcast %slice3A_69 : vector<2000x1xf32> to vector<2000x8xf32>
    %mul3A_72 = vector.broadcast %slice3A_70 : vector<1x8xf32> to vector<2000x8xf32>
    %mul3A_73 = arith.mulf %mul3A_71, %mul3A_72 : vector<2000x8xf32>
    %add3A_74 = arith.addf %add3A_68, %mul3A_73 : vector<2000x8xf32>
    %slice3A_75 = vector.extract_strided_slice %tanh3A {offsets = [0, 8], sizes = [2000, 1], strides = [1, 1]} : vector<2000x16xf32> to vector<2000x1xf32>
    %slice3A_76 = vector.extract_strided_slice %get3A_28 {offsets = [8, 0], sizes = [1, 8], strides = [1, 1]} : vector<16x8xf32> to vector<1x8xf32>
    %mul3A_77 = vector.broadcast %slice3A_75 : vector<2000x1xf32> to vector<2000x8xf32>
    %mul3A_78 = vector.broadcast %slice3A_76 : vector<1x8xf32> to vector<2000x8xf32>
    %mul3A_79 = arith.mulf %mul3A_77, %mul3A_78 : vector<2000x8xf32>
    %add3A_80 = arith.addf %add3A_74, %mul3A_79 : vector<2000x8xf32>
    %slice3A_81 = vector.extract_strided_slice %tanh3A {offsets = [0, 9], sizes = [2000, 1], strides = [1, 1]} : vector<2000x16xf32> to vector<2000x1xf32>
    %slice3A_82 = vector.extract_strided_slice %get3A_28 {offsets = [9, 0], sizes = [1, 8], strides = [1, 1]} : vector<16x8xf32> to vector<1x8xf32>
    %mul3A_83 = vector.broadcast %slice3A_81 : vector<2000x1xf32> to vector<2000x8xf32>
    %mul3A_84 = vector.broadcast %slice3A_82 : vector<1x8xf32> to vector<2000x8xf32>
    %mul3A_85 = arith.mulf %mul3A_83, %mul3A_84 : vector<2000x8xf32>
    %add3A_86 = arith.addf %add3A_80, %mul3A_85 : vector<2000x8xf32>
    %slice3A_87 = vector.extract_strided_slice %tanh3A {offsets = [0, 10], sizes = [2000, 1], strides = [1, 1]} : vector<2000x16xf32> to vector<2000x1xf32>
    %slice3A_88 = vector.extract_strided_slice %get3A_28 {offsets = [10, 0], sizes = [1, 8], strides = [1, 1]} : vector<16x8xf32> to vector<1x8xf32>
    %mul3A_89 = vector.broadcast %slice3A_87 : vector<2000x1xf32> to vector<2000x8xf32>
    %mul3A_90 = vector.broadcast %slice3A_88 : vector<1x8xf32> to vector<2000x8xf32>
    %mul3A_91 = arith.mulf %mul3A_89, %mul3A_90 : vector<2000x8xf32>
    %add3A_92 = arith.addf %add3A_86, %mul3A_91 : vector<2000x8xf32>
    %slice3A_93 = vector.extract_strided_slice %tanh3A {offsets = [0, 11], sizes = [2000, 1], strides = [1, 1]} : vector<2000x16xf32> to vector<2000x1xf32>
    %slice3A_94 = vector.extract_strided_slice %get3A_28 {offsets = [11, 0], sizes = [1, 8], strides = [1, 1]} : vector<16x8xf32> to vector<1x8xf32>
    %mul3A_95 = vector.broadcast %slice3A_93 : vector<2000x1xf32> to vector<2000x8xf32>
    %mul3A_96 = vector.broadcast %slice3A_94 : vector<1x8xf32> to vector<2000x8xf32>
    %mul3A_97 = arith.mulf %mul3A_95, %mul3A_96 : vector<2000x8xf32>
    %add3A_98 = arith.addf %add3A_92, %mul3A_97 : vector<2000x8xf32>
    %slice3A_99 = vector.extract_strided_slice %tanh3A {offsets = [0, 12], sizes = [2000, 1], strides = [1, 1]} : vector<2000x16xf32> to vector<2000x1xf32>
    %slice3A_100 = vector.extract_strided_slice %get3A_28 {offsets = [12, 0], sizes = [1, 8], strides = [1, 1]} : vector<16x8xf32> to vector<1x8xf32>
    %mul3A_101 = vector.broadcast %slice3A_99 : vector<2000x1xf32> to vector<2000x8xf32>
    %mul3A_102 = vector.broadcast %slice3A_100 : vector<1x8xf32> to vector<2000x8xf32>
    %mul3A_103 = arith.mulf %mul3A_101, %mul3A_102 : vector<2000x8xf32>
    %add3A_104 = arith.addf %add3A_98, %mul3A_103 : vector<2000x8xf32>
    %slice3A_105 = vector.extract_strided_slice %tanh3A {offsets = [0, 13], sizes = [2000, 1], strides = [1, 1]} : vector<2000x16xf32> to vector<2000x1xf32>
    %slice3A_106 = vector.extract_strided_slice %get3A_28 {offsets = [13, 0], sizes = [1, 8], strides = [1, 1]} : vector<16x8xf32> to vector<1x8xf32>
    %mul3A_107 = vector.broadcast %slice3A_105 : vector<2000x1xf32> to vector<2000x8xf32>
    %mul3A_108 = vector.broadcast %slice3A_106 : vector<1x8xf32> to vector<2000x8xf32>
    %mul3A_109 = arith.mulf %mul3A_107, %mul3A_108 : vector<2000x8xf32>
    %add3A_110 = arith.addf %add3A_104, %mul3A_109 : vector<2000x8xf32>
    %slice3A_111 = vector.extract_strided_slice %tanh3A {offsets = [0, 14], sizes = [2000, 1], strides = [1, 1]} : vector<2000x16xf32> to vector<2000x1xf32>
    %slice3A_112 = vector.extract_strided_slice %get3A_28 {offsets = [14, 0], sizes = [1, 8], strides = [1, 1]} : vector<16x8xf32> to vector<1x8xf32>
    %mul3A_113 = vector.broadcast %slice3A_111 : vector<2000x1xf32> to vector<2000x8xf32>
    %mul3A_114 = vector.broadcast %slice3A_112 : vector<1x8xf32> to vector<2000x8xf32>
    %mul3A_115 = arith.mulf %mul3A_113, %mul3A_114 : vector<2000x8xf32>
    %add3A_116 = arith.addf %add3A_110, %mul3A_115 : vector<2000x8xf32>
    %slice3A_117 = vector.extract_strided_slice %tanh3A {offsets = [0, 15], sizes = [2000, 1], strides = [1, 1]} : vector<2000x16xf32> to vector<2000x1xf32>
    %slice3A_118 = vector.extract_strided_slice %get3A_28 {offsets = [15, 0], sizes = [1, 8], strides = [1, 1]} : vector<16x8xf32> to vector<1x8xf32>
    %mul3A_119 = vector.broadcast %slice3A_117 : vector<2000x1xf32> to vector<2000x8xf32>
    %mul3A_120 = vector.broadcast %slice3A_118 : vector<1x8xf32> to vector<2000x8xf32>
    %mul3A_121 = arith.mulf %mul3A_119, %mul3A_120 : vector<2000x8xf32>
    %add3A_122 = arith.addf %add3A_116, %mul3A_121 : vector<2000x8xf32>
    %mul3A_123 = vector.broadcast %rsqrt3A : vector<2000x1xf32> to vector<2000x8xf32>
    %mul3A_124 = arith.mulf %add3A_122, %mul3A_123 : vector<2000x8xf32>
    %swap3A = arith.constant 0 : index
    %swap3A_125 = arith.constant 0 : index
    %swap3A_126 = vector.load %arg6[%swap3A, %swap3A_125] : memref<2000x8xf32, #tpu.memory_space<vmem>>, vector<2000x8xf32>
    tpu.vector_store %arg6[%swap3A, %swap3A_125], %mul3A_124 {strides = array<i32>} : memref<2000x8xf32, #tpu.memory_space<vmem>>, vector<2000x8xf32>,
    return
  }
  func.func @transform_0(%arg0: i32) -> (i32, i32, i32) {
    %c0_i32 = arith.constant 0 : i32
    %c0_i32_0 = arith.constant 0 : i32
    %c0_i32_1 = arith.constant 0 : i32
    return %c0_i32, %arg0, %c0_i32_0 : i32, i32, i32
  }
  func.func @transform_1(%arg0: i32) -> (i32, i32) {
    %c0_i32 = arith.constant 0 : i32
    %c0_i32_0 = arith.constant 0 : i32
    return %arg0, %c0_i32 : i32, i32
  }
  func.func @transform_2(%arg0: i32) -> (i32, i32) {
    %c0_i32 = arith.constant 0 : i32
    %c0_i32_0 = arith.constant 0 : i32
    return %arg0, %c0_i32 : i32, i32
  }
  func.func @transform_3(%arg0: i32) -> (i32, i32) {
    %c0_i32 = arith.constant 0 : i32
    %c0_i32_0 = arith.constant 0 : i32
    %c0_i32_1 = arith.constant 0 : i32
    return %c0_i32, %c0_i32_0 : i32, i32
  }
  func.func @transform_4(%arg0: i32) -> (i32, i32) {
    %c0_i32 = arith.constant 0 : i32
    %c0_i32_0 = arith.constant 0 : i32
    %c0_i32_1 = arith.constant 0 : i32
    return %c0_i32, %c0_i32_0 : i32, i32
  }
  func.func @transform_5(%arg0: i32) -> (i32, i32) {
    %c0_i32 = arith.constant 0 : i32
    %c0_i32_0 = arith.constant 0 : i32
    return %arg0, %c0_i32 : i32, i32
  }
}

module attributes {stable_mosaic.version = 14 : i64} {
  func.func @body(%arg0: i32, %arg1: memref<2x2000x8xf32, #tpu.memory_space<vmem>>, %arg2: memref<2000x8xf32, #tpu.memory_space<vmem>>, %arg3: memref<2000x2xf32, #tpu.memory_space<vmem>>, %arg4: memref<1x1x2000xi32, #tpu.memory_space<vmem>>, %arg5: memref<1x8xf32, #tpu.memory_space<vmem>>, %arg6: memref<8x1xf32, #tpu.memory_space<vmem>>, %arg7: memref<1x1xf32, #tpu.memory_space<vmem>>, %arg8: memref<512x1xf32, #tpu.memory_space<vmem>>, %arg9: memref<512x16xf32, #tpu.memory_space<vmem>>) attributes {dimension_semantics = [#tpu.dimension_semantics<arbitrary>], iteration_bounds = array<i64: 50>, scalar_prefetch = 0 : i64, scratch_operands = 1 : i64, tpu.core_type = #tpu.core_type<tc>, window_params = [{transform_indices = @transform_0, window_bounds = array<i64: 2, 2000, 8>}, {transform_indices = @transform_1, window_bounds = array<i64: 2000, 8>}, {transform_indices = @transform_2, window_bounds = array<i64: 2000, 2>}, {transform_indices = @transform_3, window_bounds = array<i64: 1, 1, 2000>}, {pipeline_mode = #tpu.pipeline_mode<synchronous>, transform_indices = @transform_4, window_bounds = array<i64: 1, 8>}, {pipeline_mode = #tpu.pipeline_mode<synchronous>, transform_indices = @transform_5, window_bounds = array<i64: 8, 1>}, {pipeline_mode = #tpu.pipeline_mode<synchronous>, transform_indices = @transform_6, window_bounds = array<i64: 1, 1>}, {pipeline_mode = #tpu.pipeline_mode<synchronous>, transform_indices = @transform_7, window_bounds = array<i64: 512, 1>}]} {
    %eq3A = arith.constant 0 : i32
    %eq3A_0 = arith.cmpi eq, %arg0, %eq3A : i32
    %convert_element_type3A = arith.extui %eq3A_0 : i1 to i32
    %cond3A = arith.constant 0 : i32
    %cond3A_1 = arith.cmpi ne, %convert_element_type3A, %cond3A : i32
    scf.if %cond3A_1 {
      %broadcast_in_dim3A_53 = arith.constant 0.000000e+00 : f32
      %broadcast_in_dim3A_54 = vector.broadcast %broadcast_in_dim3A_53 : f32 to vector<512x16xf32>
      %swap3A_55 = arith.constant 0 : index
      %swap3A_56 = arith.constant 0 : index
      %swap3A_57 = vector.load %arg9[%swap3A_55, %swap3A_56] : memref<512x16xf32, #tpu.memory_space<vmem>>, vector<512x16xf32>
      tpu.vector_store %arg9[%swap3A_55, %swap3A_56], %broadcast_in_dim3A_54 {strides = array<i32>} : memref<512x16xf32, #tpu.memory_space<vmem>>, vector<512x16xf32>,
    } else {
    }
    %get3A = arith.constant 0 : index
    %get3A_2 = arith.constant 0 : index
    %get3A_3 = vector.load %arg3[%get3A, %get3A_2] : memref<2000x2xf32, #tpu.memory_space<vmem>>, vector<2000x2xf32>
    %reduce_sum3A = arith.constant dense<0.000000e+00> : vector<2000xf32>
    %reduce_sum3A_4 = vector.multi_reduction <add>, %get3A_3, %reduce_sum3A [1] : vector<2000x2xf32> to vector<2000xf32>
    %broadcast_in_dim3A = vector.shape_cast %reduce_sum3A_4 : vector<2000xf32> to vector<2000x1xf32>
    %add3A = arith.constant 1.000000e+00 : f32
    %add3A_5 = vector.broadcast %add3A : f32 to vector<2000x1xf32>
    %add3A_6 = arith.addf %broadcast_in_dim3A, %add3A_5 : vector<2000x1xf32>
    %rsqrt3A = math.rsqrt %add3A_6 : vector<2000x1xf32>
    %get3A_7 = arith.constant 0 : index
    %get3A_8 = arith.constant 0 : index
    %get3A_9 = arith.constant 0 : index
    %get3A_10 = vector.load %arg1[%get3A_7, %get3A_8, %get3A_9] : memref<2x2000x8xf32, #tpu.memory_space<vmem>>, vector<1x2000x8xf32>
    %get3A_11 = vector.shape_cast %get3A_10 : vector<1x2000x8xf32> to vector<2000x8xf32>
    %get3A_12 = arith.constant 1 : index
    %get3A_13 = arith.constant 0 : index
    %get3A_14 = arith.constant 0 : index
    %get3A_15 = vector.load %arg1[%get3A_12, %get3A_13, %get3A_14] : memref<2x2000x8xf32, #tpu.memory_space<vmem>>, vector<1x2000x8xf32>
    %get3A_16 = vector.shape_cast %get3A_15 : vector<1x2000x8xf32> to vector<2000x8xf32>
    %add3A_17 = arith.addf %get3A_11, %get3A_16 : vector<2000x8xf32>
    %get3A_18 = arith.constant 0 : index
    %get3A_19 = arith.constant 0 : index
    %get3A_20 = vector.load %arg2[%get3A_18, %get3A_19] : memref<2000x8xf32, #tpu.memory_space<vmem>>, vector<2000x8xf32>
    %add3A_21 = arith.addf %add3A_17, %get3A_20 : vector<2000x8xf32>
    %mul3A = vector.broadcast %rsqrt3A : vector<2000x1xf32> to vector<2000x8xf32>
    %mul3A_22 = arith.mulf %add3A_21, %mul3A : vector<2000x8xf32>
    %get3A_23 = arith.constant 0 : index
    %get3A_24 = arith.constant 0 : index
    %get3A_25 = vector.load %arg5[%get3A_23, %get3A_24] : memref<1x8xf32, #tpu.memory_space<vmem>>, vector<1x8xf32>
    %add3A_26 = vector.broadcast %get3A_25 : vector<1x8xf32> to vector<2000x8xf32>
    %add3A_27 = arith.addf %mul3A_22, %add3A_26 : vector<2000x8xf32>
    %tanh3A = math.tanh %add3A_27 : vector<2000x8xf32>
    %broadcast_in_dim3A_28 = arith.constant 1.000000e+00 : f32
    %broadcast_in_dim3A_29 = vector.broadcast %broadcast_in_dim3A_28 : f32 to vector<2000x1xf32>
    %broadcast_in_dim3A_30 = arith.constant 0.000000e+00 : f32
    %broadcast_in_dim3A_31 = vector.broadcast %broadcast_in_dim3A_30 : f32 to vector<2000x7xf32>
    %concatenate3A = tpu.concatenate %tanh3A, %broadcast_in_dim3A_29, %broadcast_in_dim3A_31 in 1 : vector<2000x8xf32>, vector<2000x1xf32>, vector<2000x7xf32> -> vector<2000x16xf32>
    %get3A_32 = arith.constant 0 : index
    %get3A_33 = arith.constant 0 : index
    %get3A_34 = arith.constant 0 : index
    %get3A_35 = vector.load %arg4[%get3A_32, %get3A_33, %get3A_34] : memref<1x1x2000xi32, #tpu.memory_space<vmem>>, vector<1x1x2000xi32>
    %get3A_36 = vector.shape_cast %get3A_35 : vector<1x1x2000xi32> to vector<1x2000xi32>
    %iota3A = tpu.iota {dimensions = array<i32: 0>} : vector<512x2000xi32>
    %eq3A_37 = vector.broadcast %get3A_36 : vector<1x2000xi32> to vector<512x2000xi32>
    %eq3A_38 = arith.cmpi eq, %eq3A_37, %iota3A : vector<512x2000xi32>
    %convert_element_type3A_39 = arith.extui %eq3A_38 : vector<512x2000xi1> to vector<512x2000xi32>
    %convert_element_type3A_40 = arith.sitofp %convert_element_type3A_39 : vector<512x2000xi32> to vector<512x2000xf32>
    %get3A_41 = arith.constant 0 : index
    %get3A_42 = arith.constant 0 : index
    %get3A_43 = vector.load %arg9[%get3A_41, %get3A_42] : memref<512x16xf32, #tpu.memory_space<vmem>>, vector<512x16xf32>
    %dot_general3A = arith.constant dense<0.000000e+00> : vector<512x16xf32>
    %dot_general3A_44 = tpu.matmul %convert_element_type3A_40, %concatenate3A, %dot_general3A {dimension_numbers = #tpu.dot_dimension_numbers<[1], [0], [0], [1], [0, 0, 1, 1], [], []>, transpose_lhs_hint = false} : vector<512x2000xf32>, vector<2000x16xf32>, vector<512x16xf32> -> vector<512x16xf32>
    %add3A_45 = arith.addf %get3A_43, %dot_general3A_44 : vector<512x16xf32>
    %swap3A = arith.constant 0 : index
    %swap3A_46 = arith.constant 0 : index
    %swap3A_47 = vector.load %arg9[%swap3A, %swap3A_46] : memref<512x16xf32, #tpu.memory_space<vmem>>, vector<512x16xf32>
    tpu.vector_store %arg9[%swap3A, %swap3A_46], %add3A_45 {strides = array<i32>} : memref<512x16xf32, #tpu.memory_space<vmem>>, vector<512x16xf32>,
    %eq3A_48 = arith.constant 49 : i32
    %eq3A_49 = arith.cmpi eq, %arg0, %eq3A_48 : i32
    %convert_element_type3A_50 = arith.extui %eq3A_49 : i1 to i32
    %cond3A_51 = arith.constant 0 : i32
    %cond3A_52 = arith.cmpi ne, %convert_element_type3A_50, %cond3A_51 : i32
    scf.if %cond3A_52 {
      %get3A_53 = arith.constant 0 : index
      %get3A_54 = arith.constant 8 : index
      %get3A_55 = vector.load %arg9[%get3A_53, %get3A_54] : memref<512x16xf32, #tpu.memory_space<vmem>>, vector<512x1xf32>
      %max3A = arith.constant 1.000000e+00 : f32
      %max3A_56 = vector.broadcast %max3A : f32 to vector<512x1xf32>
      %max3A_57 = arith.maximumf %get3A_55, %max3A_56 : vector<512x1xf32>
      %get3A_58 = arith.constant 0 : index
      %get3A_59 = arith.constant 0 : index
      %get3A_60 = vector.load %arg9[%get3A_58, %get3A_59] : memref<512x16xf32, #tpu.memory_space<vmem>>, vector<512x8xf32>
      %div3A = vector.broadcast %max3A_57 : vector<512x1xf32> to vector<512x8xf32>
      %div3A_61 = arith.divf %get3A_60, %div3A : vector<512x8xf32>
      %get3A_62 = arith.constant 0 : index
      %get3A_63 = arith.constant 0 : index
      %get3A_64 = vector.load %arg6[%get3A_62, %get3A_63] : memref<8x1xf32, #tpu.memory_space<vmem>>, vector<8x1xf32>
      %dot_general3A_65 = arith.constant dense<0.000000e+00> : vector<512x1xf32>
      %dot_general3A_66 = tpu.matmul %div3A_61, %get3A_64, %dot_general3A_65 {dimension_numbers = #tpu.dot_dimension_numbers<[1], [0], [0], [1], [0, 0, 1, 1], [], []>, transpose_lhs_hint = false} : vector<512x8xf32>, vector<8x1xf32>, vector<512x1xf32> -> vector<512x1xf32>
      %get3A_67 = arith.constant 0 : index
      %get3A_68 = arith.constant 0 : index
      %get3A_69 = vector.load %arg7[%get3A_67, %get3A_68] : memref<1x1xf32, #tpu.memory_space<vmem>>, vector<1x1xf32>
      %add3A_70 = vector.broadcast %get3A_69 : vector<1x1xf32> to vector<512x1xf32>
      %add3A_71 = arith.addf %dot_general3A_66, %add3A_70 : vector<512x1xf32>
      %swap3A_72 = arith.constant 0 : index
      %swap3A_73 = arith.constant 0 : index
      %swap3A_74 = vector.load %arg8[%swap3A_72, %swap3A_73] : memref<512x1xf32, #tpu.memory_space<vmem>>, vector<512x1xf32>
      tpu.vector_store %arg8[%swap3A_72, %swap3A_73], %add3A_71 {strides = array<i32>} : memref<512x1xf32, #tpu.memory_space<vmem>>, vector<512x1xf32>,
    } else {
    }
    return
  }
  func.func @transform_0(%arg0: i32) -> (i32, i32, i32) {
    %c0_i32 = arith.constant 0 : i32
    %c0_i32_0 = arith.constant 0 : i32
    %c0_i32_1 = arith.constant 0 : i32
    return %c0_i32, %arg0, %c0_i32_0 : i32, i32, i32
  }
  func.func @transform_1(%arg0: i32) -> (i32, i32) {
    %c0_i32 = arith.constant 0 : i32
    %c0_i32_0 = arith.constant 0 : i32
    return %arg0, %c0_i32 : i32, i32
  }
  func.func @transform_2(%arg0: i32) -> (i32, i32) {
    %c0_i32 = arith.constant 0 : i32
    %c0_i32_0 = arith.constant 0 : i32
    return %arg0, %c0_i32 : i32, i32
  }
  func.func @transform_3(%arg0: i32) -> (i32, i32, i32) {
    %c0_i32 = arith.constant 0 : i32
    %c0_i32_0 = arith.constant 0 : i32
    %c0_i32_1 = arith.constant 0 : i32
    return %arg0, %c0_i32, %c0_i32_0 : i32, i32, i32
  }
  func.func @transform_4(%arg0: i32) -> (i32, i32) {
    %c0_i32 = arith.constant 0 : i32
    %c0_i32_0 = arith.constant 0 : i32
    %c0_i32_1 = arith.constant 0 : i32
    return %c0_i32, %c0_i32_0 : i32, i32
  }
  func.func @transform_5(%arg0: i32) -> (i32, i32) {
    %c0_i32 = arith.constant 0 : i32
    %c0_i32_0 = arith.constant 0 : i32
    %c0_i32_1 = arith.constant 0 : i32
    return %c0_i32, %c0_i32_0 : i32, i32
  }
  func.func @transform_6(%arg0: i32) -> (i32, i32) {
    %c0_i32 = arith.constant 0 : i32
    %c0_i32_0 = arith.constant 0 : i32
    %c0_i32_1 = arith.constant 0 : i32
    return %c0_i32, %c0_i32_0 : i32, i32
  }
  func.func @transform_7(%arg0: i32) -> (i32, i32) {
    %c0_i32 = arith.constant 0 : i32
    %c0_i32_0 = arith.constant 0 : i32
    %c0_i32_1 = arith.constant 0 : i32
    return %c0_i32, %c0_i32_0 : i32, i32
  }
}

</mosaic_0001>

<sc_bundles>
// kernel: kernel.11.cloned.1.call-start
scs
__scs_entry_jumppad:
0x0: {  	(pc) =	sbr.rel $0x88, $3  }
0x1: {  	(tag) =	ssettag $0x0;
	lr =	simm.s32 $0x1  }
0x2: {  	[smem:$0x3F96] =	sst lr;
	_ =	strace $0xD0000000  }
0x3: {  	_ = 	snop  }
0x4: {  	_ = 	snop  }
0x5: {  	_ = 	snop  }
0x6: {  	_ = 	snop  }
0x7: {  	_ = 	snop  }
__scs_overlays_trampoline_lowered:
0x8: {  	[smem:$0x3FA5] =	sst s0  }
0x9: {  	[smem:$0x3FA6] =	sst s1  }
0xa: {  	[smem:$0x3FA7] =	sst s2  }
0xb: {  	[smem:$0x3FA8] =	sst s3  }
0xc: {  	[smem:$0x3FA9] =	sst s4  }
0xd: {  	[smem:$0x3FAA] =	sst s5  }
0xe: {  	[smem:$0x3FAB] =	sst s6  }
0xf: {  	[smem:$0x3FAC] =	sst s7  }
0x10: {  	[smem:$0x3FAD] =	sst s8  }
0x11: {  	[smem:$0x3FAE] =	sst s9;
	s0 =	simm.s32 @!p0 $0x0  }
0x12: {  	s1 =	sld [smem:$0x3F94];
	s0 =	simm.s32 @p0 $0x1  }
0x13: {  	[smem:$0x3FAF] =	sst s0;
	s0 =	simm.s32 @!p1 $0x0  }
0x14: {  	s2 =	sld [smem:$0x3F93];
	s0 =	simm.s32 @p1 $0x1  }
0x15: {  	[smem:$0x3FB0] =	sst s0;
	s0 =	simm.s32 @!p2 $0x0  }
0x16: {  	s3 =	sld [smem:$0x3FDB];
	s0 =	simm.s32 @p2 $0x1  }
0x17: {  	s4 =	simm.s32 $0x1BF5;
	[smem:$0x3FB2] =	sst s0  }
0x18: {  	s0 =	sld [smem:$0x3F95];
	_ =	swait.ge [sflag:s4], $0x0  }
0x19: {  	s7 =	sld [smem:$0x3F96]  }
0x1a: {  	s8 =	sadd.s32 $0xFFFFE003, lr  }
0x1b: {  	s9 =	sadd.s32 $0xFFFFFEF7, lr;
	s5 =	simm.s32 $0xFFFFFFFF;
	p2 =	slt.u32 s8, $0xFFFFF086  }
0x1c: {  	p1 =	slt.u32 s9, $0xF7A;
	s5 =	simm.s32 @!p2 $0x0  }
0x1d: {  	s5 =	simm.s32 @p1 $0x1;
	p0 =	seq.s32 s7, s2  }
0x1e: {  	s7 =	smul.u32 @!p0 $0xF7A, s2;
	p2 =	seq.s32 @!p0 s5, $0x0  }
0x1f: {  	s9 =	smul.u32 $0xF7A, s1;
	s8 =	simm.s32 @!p0 $0x1BF5;
	p2 =	por !p2, p0  }
0x20: {  	[sflag:s8] =	ssyncset.s32 @!p0 $0xFFFFF086;
	s6 =	sadd.s32 @!p0 s3, s7;
	s7 =	simm.s32 @!p0 $0x108  }
0x21: {  	s3 =	sadd.s32 s3, s9;
	s6 =	sadd.s32 @!p0 $0x88, s6;
	s7 =	simm.s32 @p2 $0x1082  }
0x22: {  	[simem:s7], [sflag:s8] =	dma.local @!p0 [hbm:s6], $0xF7A  }
0x23: {  	s9 =	sor.u32 $0xD0000000, s2;
	s6 =	simm.s32 $0x108;
	_ =	swait.ge @!p0 [sflag:s8], $0x0  }
0x24: {  	s3 =	sadd.s32 $0x88, s3;
	s6 =	simm.s32 @!p1 $0x1082;
	[sflag:s4] =	ssyncset.s32 $0xFFFFF086  }
0x25: {  	[simem:s6], [sflag:s4] =	dma.local [hbm:s3], $0xF7A  }
0x26: {  	[smem:$0x3F96] =	sst s1;
	(tag) =	ssettag s2;
	_ =	strace s9  }
0x27: {  	s1 =	sld [smem:$0x3FA6]  }
0x28: {  	s2 =	sld [smem:$0x3FA7]  }
0x29: {  	s4 =	sld [smem:$0x3FA9]  }
0x2a: {  	p0 =	seq.s32 s5, $0x0;
	s5 =	sld [smem:$0x3FAA]  }
0x2b: {  	s6 =	sld [smem:$0x3FAB]  }
0x2c: {  	s7 =	sld [smem:$0x3FAC]  }
0x2d: {  	s3 =	simm.s32 $0x108;
	s8 =	sld [smem:$0x3FAD]  }
0x2e: {  	s3 =	simm.s32 @!p0 $0x1082;
	s9 =	sld [smem:$0x3FAE]  }
0x2f: {  	lr =	sadd.s32 s0, s3;
	s0 =	sld [smem:$0x3FA5]  }
0x30: {  	s3 =	sld [smem:$0x3FA8]  }
0x31: {  	[smem:$0x3FB1] =	sst s10  }
0x32: {  	s10 =	sld [smem:$0x3FAF];
	_ =	sdelay $0x3  }
0x33: {  	p0 =	seq.s32 s10, $0x1;
	s10 =	sld [smem:$0x3FB1];
	_ =	sdelay $0x3  }
0x34: {  	[smem:$0x3FB1] =	sst s10  }
0x35: {  	s10 =	sld [smem:$0x3FB0];
	_ =	sdelay $0x3  }
0x36: {  	p1 =	seq.s32 s10, $0x1;
	s10 =	sld [smem:$0x3FB1];
	_ =	sdelay $0x3  }
0x37: {  	[smem:$0x3FB1] =	sst s10  }
0x38: {  	s10 =	sld [smem:$0x3FB2]  }
0x39: {  	_ = 	snop;
	(pc) =	sbr.ind lr, $3  }
0x3a: {  	_ = 	snop  }
0x3b: {  	_ = 	snop  }
0x3c: {  	p2 =	seq.s32 s10, $0x1;
	s10 =	sld [smem:$0x3FB1]  }
0x3d: {  	_ =	shalt  }
0x3e: {  	_ =	shalt  }
0x3f: {  	_ =	shalt  }
0x40: {  	_ =	shalt  }
0x41: {  	_ =	shalt  }
0x42: {  	_ =	shalt  }
0x43: {  	_ =	shalt  }
0x44: {  	_ =	shalt  }
0x45: {  	_ =	shalt  }
0x46: {  	_ =	shalt  }
0x47: {  	_ =	shalt  }
0x48: {  	_ =	shalt  }
0x49: {  	_ =	shalt  }
0x4a: {  	_ =	shalt  }
0x4b: {  	_ =	shalt  }
0x4c: {  	_ =	shalt  }
0x4d: {  	_ =	shalt  }
0x4e: {  	_ =	shalt  }
0x4f: {  	_ =	shalt  }
0x50: {  	_ =	shalt  }
0x51: {  	_ =	shalt  }
0x52: {  	_ =	shalt  }
0x53: {  	_ =	shalt  }
0x54: {  	_ =	shalt  }
0x55: {  	_ =	shalt  }
0x56: {  	_ =	shalt  }
0x57: {  	_ =	shalt  }
0x58: {  	_ =	shalt  }
0x59: {  	_ =	shalt  }
0x5a: {  	_ =	shalt  }
0x5b: {  	_ =	shalt  }
0x5c: {  	_ =	shalt  }
0x5d: {  	_ =	shalt  }
0x5e: {  	_ =	shalt  }
0x5f: {  	_ =	shalt  }
0x60: {  	_ =	shalt  }
0x61: {  	_ =	shalt  }
0x62: {  	_ =	shalt  }
0x63: {  	_ =	shalt  }
0x64: {  	_ =	shalt  }
0x65: {  	_ =	shalt  }
0x66: {  	_ =	shalt  }
0x67: {  	_ =	shalt  }
0x68: {  	_ =	shalt  }
0x69: {  	_ =	shalt  }
0x6a: {  	_ =	shalt  }
0x6b: {  	_ =	shalt  }
0x6c: {  	_ =	shalt  }
0x6d: {  	_ =	shalt  }
0x6e: {  	_ =	shalt  }
0x6f: {  	_ =	shalt  }
0x70: {  	_ =	shalt  }
0x71: {  	_ =	shalt  }
0x72: {  	_ =	shalt  }
0x73: {  	_ =	shalt  }
0x74: {  	_ =	shalt  }
0x75: {  	_ =	shalt  }
0x76: {  	_ =	shalt  }
0x77: {  	_ =	shalt  }
0x78: {  	_ =	shalt  }
0x79: {  	_ =	shalt  }
0x7a: {  	_ =	shalt  }
0x7b: {  	_ =	shalt  }
0x7c: {  	_ =	shalt  }
0x7d: {  	_ =	shalt  }
0x7e: {  	_ =	shalt  }
0x7f: {  	_ =	shalt  }
0x80: {  	_ =	shalt  }
0x81: {  	_ =	shalt  }
0x82: {  	_ =	shalt  }
0x83: {  	_ =	shalt  }
0x84: {  	_ =	shalt  }
0x85: {  	_ =	shalt  }
0x86: {  	_ =	shalt  }
0x87: {  	_ =	shalt  }
.Lfunc_end0:
.L_simem_size_0:
called_computation.1_lowered:
.L_overlay_start_0:
0x88: {  	s2 =	sld [smem:$0x3FD9]  }
0x89: {  	s3 =	sld [smem:$0x3FFE];
	_ =	sdelay $0x1  }
0x8a: {  	s1 =	srdreg.scid  }
0x8b: {  	s0 =	sand.u32 $0x1, s1  }
0x8c: {  	s16 =	sshll.u32 s0, $0xA;
	s2 =	sadd.s32 s3, s2  }
0x8d: {  	s2 =	sadd.s32 s2, s16  }
0x8e: {  	[smem:$0x3FBD] =	sst s2  }
0x8f: {  	_ = 	snop  }
0x90: {  	(tm) =	ssettm $0x1  }
0x91: {  	s17 =	sld [smem:$0x3FFB];
	_ =	sdelay $0x3  }
0x92: {  	_ =	strace s17  }
0x93: {  	s2 =	sld [smem:$0x3FFC];
	_ =	sdelay $0x3  }
0x94: {  	_ =	strace s2  }
0x95: {  	s2 =	sld [smem:$0x3FFD];
	_ =	sdelay $0x3  }
0x96: {  	_ =	strace s2  }
0x97: {  	_ =	strace $0x8FFFFFFF  }
0x98: {  	s18 =	sld [smem:$0x3FDB];
	_ =	sdelay $0x1  }
0x99: {  	s19 =	simm.s32 $_scs_section_size  }
0x9a: {  	s4 =	simm.s32 $_size__tile_overlayer_lowered;
	s5 =	simm.s32 $_tile_overlayer_lowered  }
0x9b: {  	s22 =	simm.s32 $0x1BFF;
	s21 =	sshll.u32 s5, $0x1;
	s2 =	sadd.s32 s19, s18  }
0x9c: {  	s6 =	simm.s32 $0x0;
	s20 =	sshll.u32 s4, $0x1;
	s4 =	sadd.s32 s21, s2  }
0x9d: {  	[timem:s6], [sflag:s22] =	dma.local [hbm:s4], s20  }
0x9e: {  	_ =	swait.ge [sflag:s22], s20  }
0x9f: {  	s3 =	ssub.s32 $0x0, s20;
	[sflag:s22] =	ssyncset.done $0x0  }
0xa0: {  	[sflag:s22] =	ssyncadd.s32 s3;
	_ =	sdelay $0x1  }
0xa1: {  	s23 =	simm.s32 $0x1B8B  }
0xa2: {  	_ =	swait.ge [sflag:s23], $0x1  }
0xa3: {  	[sflag:s23] =	ssyncset.done $0x0  }
0xa4: {  	s25 =	simm.s32 $0x1B8E;
	s24 =	sld [smem:$0x3FFE];
	[sflag:s23] =	ssyncadd.s32 $0xFFFFFFFF  }
0xa5: {  	s26 =	simm.s32 $execute0_lowered;
	[smem:$0x3FD2] =	sst s25  }
0xa6: {  	s4 =	sshll.u32 s26, $0x1;
	_ =	strace $0x80000049;
	[dreg:$0x1] =	wrdreg $0xFFFFFFFF  }
0xa7: {  	s28 =	simm.s32 $_size_execute0_lowered;
	s2 =	sadd.s32 s2, s4;
	[dreg:$0x0] =	wrdreg $0x0  }
0xa8: {  	s4 =	sshll.u32 s28, $0x1;
	[dreg:$0x2] =	wrdreg s2  }
0xa9: {  	[dreg:$0x3] =	wrdreg s4  }
0xaa: {  	[dreg:$0x4] =	wrdreg $0xC0  }
0xab: {  	_ =	task [dreg:s6], $0x5FFFF  }
0xac: {  	[dreg:$0x1] =	wrdreg $0xFFFFFFFF  }
0xad: {  	[dreg:$0x0] =	wrdreg $0x60  }
0xae: {  	[dreg:$0x2] =	wrdreg s24  }
0xaf: {  	[dreg:$0x3] =	wrdreg $0x38800  }
0xb0: {  	[dreg:$0x4] =	wrdreg $0x9  }
0xb1: {  	_ =	task.clear_ibuf [dreg:s6], $0x5FFFF;
	_ =	strace $0x90000049  }
0xb2: {  	s29 =	simm.s32 $0x9;
	_ =	strace $0x8000004B  }
0xb3: {  	_ =	swait.ge [sflag:s29], $0x1  }
0xb4: {  	[sflag:s29] =	ssyncadd.s32 $0xFFFFFFFF  }
0xb5: {  	_ =	strace $0x9000004B  }
0xb6: {  	_ =	sfence  }
0xb7: {  	s30 =	sld [smem:$0x0];
	_ =	sdelay $0x2  }
0xb8: {  	s31 =	sshll.u32 s1, $0xD;
	s1 =	sshrl.u32 s1, $0x2  }
0xb9: {  	s3 =	sand.u32 $0x4000, s31;
	s1 =	sadd.s32 s1, s30  }
0xba: {  	s0 =	sor.u32 s3, s0;
	s1 =	sshll.u32 s1, $0x11  }
0xbb: {  	s0 =	sor.u32 s1, s0  }
0xbc: {  	s0 =	sadd.s32 $0x8F2B, s0  }
0xbd: {  	[sflag:s0] =	ssyncadd.remote.s32 $0x1  }
0xbe: {  	_ =	sfence.sel $0xFFFF  }
0xbf: {  	[dreg:$0x0] =	wrdreg $0xFFFFFFFF;
	(pc) =	sbr.abs _section_cstart, $3  }
0xc0: {  	[dreg:$0x1] =	wrdreg $0xFFFFFFFF  }
0xc1: {  	_ =	task.clear_ibuf [dreg:s6], $0x2FFFF;
	_ =	strace $0x9FFFFFFF  }
0xc2: {  	(tm) =	ssettm $0x7FFFFFFF  }
0xc3: {  	_ =	shalt  }
tec
execute0_lowered:
.L_overlay_start_1:
0x0: {  	(tag) =	ssettag $0x1  }
0x1: {  	s0 =	rddreg [dreg:$0x0];
	s1 =	srdreg.scid  }
0x2: {  	s2 =	rddreg [dreg:$0x1];
	s9 =	stileid.u32;
	s3 =	simm.s32 $0x0  }
0x3: {  	s10 =	simm.s32 $0x3;
	s11 =	simm.s32 $0x340;
	s12 =	simm.s32 $0x64  }
0x4: {  	s24 =	simm.s32 $0x68;
	s13 =	simm.s32 $0x680;
	s25 =	simm.s32 $0xD0  }
0x5: {  	s14 =	simm.s32 $0xCC0;
	s26 =	simm.s32 $0x138;
	s15 =	simm.s32 $0x1300  }
0x6: {  	s16 =	simm.s32 $0x1940;
	s17 =	simm.s32 $0x1A0;
	s18 =	simm.s32 $0x1F80  }
0x7: {  	s19 =	simm.s32 $0x208;
	s28 =	simm.s32 $0x410;
	s29 =	simm.s32 $0x478  }
0x8: {  	s30 =	simm.s32 $0x4E0;
	s31 =	simm.s32 $0x548;
	s1 =	sand.u32 $0x1, s1  }
0x9: {  	s6 =	smul.u32 $0x18700, s9;
	[smem:$0x7FF] =	sst s3;
	s8 =	sadd.s32 $0x1FDC00, s0  }
0xa: {  	s20 =	smul.u32 $0x6590, s9;
	_ =	strace $0x8000004A;
	[dreg:$0x8] =	wrdreg s8  }
0xb: {  	s4 =	sadd.s32 $0x1CCE00, s0;
	s5 =	smul.u32 $0x65900, s1;
	[dreg:$0x5] =	wrdreg s24  }
0xc: {  	s9 =	sshll.u32 s9, $0x6;
	s7 =	smul.u32 $0x187000, s1;
	[dreg:$0x6] =	wrdreg s25  }
0xd: {  	s1 =	ssub.s32 $0x2, s1;
	[dreg:$0x7] =	wrdreg s26;
	s24 =	simm.s32 $0x3240  }
0xe: {  	s25 =	simm.s32 $0x1;
	s26 =	simm.s32 $0x3A8;
	s21 =	sshrl.u32 s1, $0x1  }
0xf: {  	s5 =	sadd.s32 s5, s0;
	s7 =	sadd.s32 s6, s7;
	s1 =	ssub.s32 s1, s21  }
0x10: {  	s6 =	sadd.s32 s6, s2;
	s21 =	simm.s32 $0x270;
	s7 =	sshrl.u32 s7, $0x3  }
0x11: {  	s5 =	sadd.s32 s20, s5;
	s1 =	smax.u32 s1, $0x1;
	s8 =	sshrl.u32 s6, $0x3  }
0x12: {  	s20 =	simm.s32 $0x25C0;
	s0 =	sadd.s32 s7, s0;
	[dreg:$0xb] =	wrdreg s1  }
0x13: {  	s7 =	sor.u32 $0x1C03, s9;
	s22 =	sadd.s32 $0x101C00, s5;
	[dreg:$0xc] =	wrdreg s8  }
0x14: {  	s23 =	sadd.s32 $0x282200, s5;
	s1 =	simm.s32 $0x618;
	[dreg:$0x3] =	wrdreg s22  }
0x15: {  	s5 =	simm.s32 $0x2;
	s9 =	simm.s32 $0x0;
	[dreg:$0x4] =	wrdreg s23  }
0x16: {  	s0 =	sadd.s32 $0x200E00, s0;
	s22 =	simm.s32 $0x2C00;
	[dreg:$0x9] =	wrdreg s7  }
0x17: {  	s23 =	simm.s32 $0x2D8;
	[dreg:$0xa] =	wrdreg s0;
	s0 =	simm.s32 $0x5B0  }
.LBB2_1:
0x18: {  	[dreg:$0xd] =	wrdreg s9  }
0x19: {  	s6 =	rddreg [dreg:$0x8]  }
0x1a: {  	[spmem:s8], [sflag:s7] =	dma.local [hbm:s6], $0x30E0  }
0x1b: {  	_ =	swait.ge [sflag:s10], $0x30E0  }
0x1c: {  	[sflag:s10] =	ssyncset.done $0x0  }
0x1d: {  	[sflag:s10] =	ssyncadd.s32 $0xFFFFCF20  }
0x1e: {  	[bflag:$0x0] =	sbarrier.arrive $0xFFFF  }
0x1f: {  	s7 =	rddreg [dreg:$0x3]  }
0x20: {  	s6 =	sadd.s32 $0x0, s7  }
0x21: {  	[tilespmem:s3], [sflag:$0x3] =	stream.linear.gather [hbm4b:s6+s3], $0x340, $0x38;
	[tilespmem:$0x1BF80] =	vst v63  }
0x22: {  	_ =	swait.ge [sflag:s10], $0x340  }
0x23: {  	s8 =	rddreg [dreg:$0x4];
	[sflag:s10] =	ssyncset.done $0x0  }
0x24: {  	[sflag:s10] =	ssyncadd.s32 $0xFFFFFCC0;
	s6 =	sadd.s32 $0x0, s8  }
0x25: {  	[tilespmem:s11], [sflag:$0x3] =	stream.linear.gather [hbm4b:s6+s3], $0x340, $0x38;
	[tilespmem:$0x1BF80] =	vst v63  }
0x26: {  	_ =	swait.ge [sflag:s10], $0x340  }
0x27: {  	[sflag:s10] =	ssyncset.done $0x0  }
0x28: {  	[sflag:s10] =	ssyncadd.s32 $0xFFFFFCC0  }
0x29: {  	[tilespmem:s13], [sflag:$0x1] =	stream.indirect.gather [hbm4b:s4+s12], $0x10, s3, s12, $0xb8;
	[tilespmem:$0x1BF80] =	vst v63  }
0x2a: {  	s9 =	rddreg [dreg:$0x5]  }
0x2b: {  	[tilespmem:s14], [sflag:$0x1] =	stream.indirect.gather [hbm4b:s4+s12], $0x10, s9, s12, $0xb8;
	[tilespmem:$0x1BF80] =	vst v63  }
0x2c: {  	s7 =	rddreg [dreg:$0x6]  }
0x2d: {  	[tilespmem:s15], [sflag:$0x1] =	stream.indirect.gather [hbm4b:s4+s12], $0x10, s7, s12, $0xb8;
	[tilespmem:$0x1BF80] =	vst v63  }
0x2e: {  	s9 =	rddreg [dreg:$0x7]  }
0x2f: {  	[tilespmem:s16], [sflag:$0x1] =	stream.indirect.gather [hbm4b:s4+s12], $0x10, s9, s12, $0xb8;
	[tilespmem:$0x1BF80] =	vst v63  }
0x30: {  	_ = 	snop  }
0x31: {  	[tilespmem:s18], [sflag:$0x1] =	stream.indirect.gather [hbm4b:s4+s12], $0x10, s17, s12, $0xb8;
	[tilespmem:$0x1BF80] =	vst v63  }
0x32: {  	_ = 	snop  }
0x33: {  	[tilespmem:s20], [sflag:$0x1] =	stream.indirect.gather [hbm4b:s4+s12], $0x10, s19, s12, $0xb8;
	[tilespmem:$0x1BF80] =	vst v63  }
0x34: {  	_ = 	snop  }
0x35: {  	[tilespmem:s22], [sflag:$0x1] =	stream.indirect.gather [hbm4b:s4+s12], $0x10, s21, s12, $0xb8;
	[tilespmem:$0x1BF80] =	vst v63  }
0x36: {  	_ = 	snop  }
0x37: {  	[tilespmem:s24], [sflag:$0x1] =	stream.indirect.gather [hbm4b:s4+s12], $0x10, s23, s12, $0xb8;
	[tilespmem:$0x1BF80] =	vst v63  }
0x38: {  	_ =	swait.ge [sflag:s25], $0x640  }
0x39: {  	[sflag:s25] =	ssyncset.done $0x0  }
0x3a: {  	[sflag:s25] =	ssyncadd.s32 $0xFFFFF9C0  }
0x3b: {  	_ =	swait.ge [sflag:s25], $0x640  }
0x3c: {  	[sflag:s25] =	ssyncset.done $0x0  }
0x3d: {  	[sflag:s25] =	ssyncadd.s32 $0xFFFFF9C0  }
0x3e: {  	_ =	swait.ge [sflag:s25], $0x640  }
0x3f: {  	[sflag:s25] =	ssyncset.done $0x0  }
0x40: {  	[sflag:s25] =	ssyncadd.s32 $0xFFFFF9C0  }
0x41: {  	_ =	swait.ge [sflag:s25], $0x640  }
0x42: {  	[sflag:s25] =	ssyncset.done $0x0  }
0x43: {  	[sflag:s25] =	ssyncadd.s32 $0xFFFFF9C0  }
0x44: {  	_ =	swait.ge [sflag:s25], $0x640  }
0x45: {  	[sflag:s25] =	ssyncset.done $0x0  }
0x46: {  	[sflag:s25] =	ssyncadd.s32 $0xFFFFF9C0  }
0x47: {  	_ =	swait.ge [sflag:s25], $0x640  }
0x48: {  	[sflag:s25] =	ssyncset.done $0x0  }
0x49: {  	[sflag:s25] =	ssyncadd.s32 $0xFFFFF9C0  }
0x4a: {  	_ =	swait.ge [sflag:s25], $0x640  }
0x4b: {  	[sflag:s25] =	ssyncset.done $0x0  }
0x4c: {  	[sflag:s25] =	ssyncadd.s32 $0xFFFFF9C0  }
0x4d: {  	_ =	swait.ge [sflag:s25], $0x640  }
0x4e: {  	[sflag:s25] =	ssyncset.done $0x0  }
0x4f: {  	[sflag:s25] =	ssyncadd.s32 $0xFFFFF9C0  }
0x50: {  	[spmem:s2] =	stream.indirect.scatter.add.f32 [tilespmem:s13], [sflag:$0x2], $0x10, s11, s12, $0xb8;
	[tilespmem:$0x1BF80] =	vst v63  }
0x51: {  	_ = 	snop  }
0x52: {  	[spmem:s2] =	stream.indirect.scatter.add.f32 [tilespmem:s14], [sflag:$0x2], $0x10, s26, s12, $0xb8;
	[tilespmem:$0x1BF80] =	vst v63  }
0x53: {  	_ = 	snop  }
0x54: {  	[spmem:s2] =	stream.indirect.scatter.add.f32 [tilespmem:s15], [sflag:$0x2], $0x10, s28, s12, $0xb8;
	[tilespmem:$0x1BF80] =	vst v63  }
0x55: {  	_ = 	snop  }
0x56: {  	[spmem:s2] =	stream.indirect.scatter.add.f32 [tilespmem:s16], [sflag:$0x2], $0x10, s29, s12, $0xb8;
	[tilespmem:$0x1BF80] =	vst v63  }
0x57: {  	_ = 	snop  }
0x58: {  	[spmem:s2] =	stream.indirect.scatter.add.f32 [tilespmem:s18], [sflag:$0x2], $0x10, s30, s12, $0xb8;
	[tilespmem:$0x1BF80] =	vst v63  }
0x59: {  	_ = 	snop  }
0x5a: {  	[spmem:s2] =	stream.indirect.scatter.add.f32 [tilespmem:s20], [sflag:$0x2], $0x10, s31, s12, $0xb8;
	[tilespmem:$0x1BF80] =	vst v63  }
0x5b: {  	_ = 	snop  }
0x5c: {  	[spmem:s2] =	stream.indirect.scatter.add.f32 [tilespmem:s22], [sflag:$0x2], $0x10, s0, s12, $0xb8;
	[tilespmem:$0x1BF80] =	vst v63  }
0x5d: {  	_ = 	snop  }
0x5e: {  	[spmem:s2] =	stream.indirect.scatter.add.f32 [tilespmem:s24], [sflag:$0x2], $0x10, s1, s12, $0xb8;
	[tilespmem:$0x1BF80] =	vst v63  }
0x5f: {  	_ =	swait.ge [sflag:s5], $0x640  }
0x60: {  	[sflag:s5] =	ssyncset.done $0x0  }
0x61: {  	[sflag:s5] =	ssyncadd.s32 $0xFFFFF9C0  }
0x62: {  	_ =	swait.ge [sflag:s5], $0x640  }
0x63: {  	[sflag:s5] =	ssyncset.done $0x0  }
0x64: {  	[sflag:s5] =	ssyncadd.s32 $0xFFFFF9C0  }
0x65: {  	_ =	swait.ge [sflag:s5], $0x640  }
0x66: {  	[sflag:s5] =	ssyncset.done $0x0  }
0x67: {  	[sflag:s5] =	ssyncadd.s32 $0xFFFFF9C0  }
0x68: {  	_ =	swait.ge [sflag:s5], $0x640  }
0x69: {  	[sflag:s5] =	ssyncset.done $0x0  }
0x6a: {  	[sflag:s5] =	ssyncadd.s32 $0xFFFFF9C0  }
0x6b: {  	_ =	swait.ge [sflag:s5], $0x640  }
0x6c: {  	[sflag:s5] =	ssyncset.done $0x0  }
0x6d: {  	[sflag:s5] =	ssyncadd.s32 $0xFFFFF9C0  }
0x6e: {  	_ =	swait.ge [sflag:s5], $0x640  }
0x6f: {  	[sflag:s5] =	ssyncset.done $0x0  }
0x70: {  	[sflag:s5] =	ssyncadd.s32 $0xFFFFF9C0  }
0x71: {  	_ =	swait.ge [sflag:s5], $0x640  }
0x72: {  	[sflag:s5] =	ssyncset.done $0x0  }
0x73: {  	[sflag:s5] =	ssyncadd.s32 $0xFFFFF9C0  }
0x74: {  	s8 =	simm.s32 $0x68;
	_ =	swait.ge [sflag:s5], $0x640  }
0x75: {  	s6 =	simm.s32 $0xD0;
	s9 =	rddreg [dreg:$0x3];
	[sflag:s5] =	ssyncset.done $0x0  }
.LBB2_2:
0x76: {  	[sflag:s5] =	ssyncadd.s32 $0xFFFFF9C0;
	s9 =	sadd.s32 s8, s9  }
0x77: {  	[tilespmem:s3], [sflag:$0x3] =	stream.linear.gather [hbm4b:s9+s3], $0x340, $0x38;
	[tilespmem:$0x1BF80] =	vst v63  }
0x78: {  	_ =	swait.ge [sflag:s10], $0x340  }
0x79: {  	s9 =	rddreg [dreg:$0x4];
	[sflag:s10] =	ssyncset.done $0x0  }
0x7a: {  	[sflag:s10] =	ssyncadd.s32 $0xFFFFFCC0;
	s9 =	sadd.s32 s8, s9  }
0x7b: {  	[tilespmem:s11], [sflag:$0x3] =	stream.linear.gather [hbm4b:s9+s3], $0x340, $0x38;
	[tilespmem:$0x1BF80] =	vst v63  }
0x7c: {  	_ =	swait.ge [sflag:s10], $0x340  }
0x7d: {  	[sflag:s10] =	ssyncset.done $0x0  }
0x7e: {  	s7 =	smov.u32 s6;
	[sflag:s10] =	ssyncadd.s32 $0xFFFFFCC0  }
0x7f: {  	[tilespmem:s13], [sflag:$0x1] =	stream.indirect.gather [hbm4b:s4+s12], $0x10, s3, s12, $0xb8;
	[tilespmem:$0x1BF80] =	vst v63  }
0x80: {  	s8 =	smov.u32 s7;
	s7 =	rddreg [dreg:$0x5]  }
0x81: {  	[tilespmem:s14], [sflag:$0x1] =	stream.indirect.gather [hbm4b:s4+s12], $0x10, s7, s12, $0xb8;
	[tilespmem:$0x1BF80] =	vst v63  }
0x82: {  	s9 =	rddreg [dreg:$0x6]  }
0x83: {  	[tilespmem:s15], [sflag:$0x1] =	stream.indirect.gather [hbm4b:s4+s12], $0x10, s9, s12, $0xb8;
	[tilespmem:$0x1BF80] =	vst v63  }
0x84: {  	s7 =	rddreg [dreg:$0x7]  }
0x85: {  	[tilespmem:s16], [sflag:$0x1] =	stream.indirect.gather [hbm4b:s4+s12], $0x10, s7, s12, $0xb8;
	[tilespmem:$0x1BF80] =	vst v63  }
0x86: {  	_ = 	snop  }
0x87: {  	[tilespmem:s18], [sflag:$0x1] =	stream.indirect.gather [hbm4b:s4+s12], $0x10, s17, s12, $0xb8;
	[tilespmem:$0x1BF80] =	vst v63  }
0x88: {  	_ = 	snop  }
0x89: {  	[tilespmem:s20], [sflag:$0x1] =	stream.indirect.gather [hbm4b:s4+s12], $0x10, s19, s12, $0xb8;
	[tilespmem:$0x1BF80] =	vst v63  }
0x8a: {  	_ = 	snop  }
0x8b: {  	[tilespmem:s22], [sflag:$0x1] =	stream.indirect.gather [hbm4b:s4+s12], $0x10, s21, s12, $0xb8;
	[tilespmem:$0x1BF80] =	vst v63  }
0x8c: {  	_ = 	snop  }
0x8d: {  	[tilespmem:s24], [sflag:$0x1] =	stream.indirect.gather [hbm4b:s4+s12], $0x10, s23, s12, $0xb8;
	[tilespmem:$0x1BF80] =	vst v63  }
0x8e: {  	_ =	swait.ge [sflag:s25], $0x640  }
0x8f: {  	[sflag:s25] =	ssyncset.done $0x0  }
0x90: {  	[sflag:s25] =	ssyncadd.s32 $0xFFFFF9C0  }
0x91: {  	_ =	swait.ge [sflag:s25], $0x640  }
0x92: {  	[sflag:s25] =	ssyncset.done $0x0  }
0x93: {  	[sflag:s25] =	ssyncadd.s32 $0xFFFFF9C0  }
0x94: {  	_ =	swait.ge [sflag:s25], $0x640  }
0x95: {  	[sflag:s25] =	ssyncset.done $0x0  }
0x96: {  	[sflag:s25] =	ssyncadd.s32 $0xFFFFF9C0  }
0x97: {  	_ =	swait.ge [sflag:s25], $0x640  }
0x98: {  	[sflag:s25] =	ssyncset.done $0x0  }
0x99: {  	[sflag:s25] =	ssyncadd.s32 $0xFFFFF9C0  }
0x9a: {  	_ =	swait.ge [sflag:s25], $0x640  }
0x9b: {  	[sflag:s25] =	ssyncset.done $0x0  }
0x9c: {  	[sflag:s25] =	ssyncadd.s32 $0xFFFFF9C0  }
0x9d: {  	_ =	swait.ge [sflag:s25], $0x640  }
0x9e: {  	[sflag:s25] =	ssyncset.done $0x0  }
0x9f: {  	[sflag:s25] =	ssyncadd.s32 $0xFFFFF9C0  }
0xa0: {  	_ =	swait.ge [sflag:s25], $0x640  }
0xa1: {  	[sflag:s25] =	ssyncset.done $0x0  }
0xa2: {  	[sflag:s25] =	ssyncadd.s32 $0xFFFFF9C0  }
0xa3: {  	_ =	swait.ge [sflag:s25], $0x640  }
0xa4: {  	[sflag:s25] =	ssyncset.done $0x0  }
0xa5: {  	[sflag:s25] =	ssyncadd.s32 $0xFFFFF9C0  }
0xa6: {  	[spmem:s2] =	stream.indirect.scatter.add.f32 [tilespmem:s13], [sflag:$0x2], $0x10, s11, s12, $0xb8;
	[tilespmem:$0x1BF80] =	vst v63  }
0xa7: {  	_ = 	snop  }
0xa8: {  	[spmem:s2] =	stream.indirect.scatter.add.f32 [tilespmem:s14], [sflag:$0x2], $0x10, s26, s12, $0xb8;
	[tilespmem:$0x1BF80] =	vst v63  }
0xa9: {  	_ = 	snop  }
0xaa: {  	[spmem:s2] =	stream.indirect.scatter.add.f32 [tilespmem:s15], [sflag:$0x2], $0x10, s28, s12, $0xb8;
	[tilespmem:$0x1BF80] =	vst v63  }
0xab: {  	_ = 	snop  }
0xac: {  	[spmem:s2] =	stream.indirect.scatter.add.f32 [tilespmem:s16], [sflag:$0x2], $0x10, s29, s12, $0xb8;
	[tilespmem:$0x1BF80] =	vst v63  }
0xad: {  	_ = 	snop  }
0xae: {  	[spmem:s2] =	stream.indirect.scatter.add.f32 [tilespmem:s18], [sflag:$0x2], $0x10, s30, s12, $0xb8;
	[tilespmem:$0x1BF80] =	vst v63  }
0xaf: {  	_ = 	snop  }
0xb0: {  	[spmem:s2] =	stream.indirect.scatter.add.f32 [tilespmem:s20], [sflag:$0x2], $0x10, s31, s12, $0xb8;
	[tilespmem:$0x1BF80] =	vst v63  }
0xb1: {  	_ = 	snop  }
0xb2: {  	[spmem:s2] =	stream.indirect.scatter.add.f32 [tilespmem:s22], [sflag:$0x2], $0x10, s0, s12, $0xb8;
	[tilespmem:$0x1BF80] =	vst v63  }
0xb3: {  	_ = 	snop  }
0xb4: {  	[spmem:s2] =	stream.indirect.scatter.add.f32 [tilespmem:s24], [sflag:$0x2], $0x10, s1, s12, $0xb8;
	[tilespmem:$0x1BF80] =	vst v63  }
0xb5: {  	_ =	swait.ge [sflag:s5], $0x640  }
0xb6: {  	[sflag:s5] =	ssyncset.done $0x0  }
0xb7: {  	[sflag:s5] =	ssyncadd.s32 $0xFFFFF9C0  }
0xb8: {  	_ =	swait.ge [sflag:s5], $0x640  }
0xb9: {  	[sflag:s5] =	ssyncset.done $0x0  }
0xba: {  	[sflag:s5] =	ssyncadd.s32 $0xFFFFF9C0  }
0xbb: {  	_ =	swait.ge [sflag:s5], $0x640  }
0xbc: {  	[sflag:s5] =	ssyncset.done $0x0  }
0xbd: {  	[sflag:s5] =	ssyncadd.s32 $0xFFFFF9C0  }
0xbe: {  	_ =	swait.ge [sflag:s5], $0x640  }
0xbf: {  	[sflag:s5] =	ssyncset.done $0x0  }
0xc0: {  	[sflag:s5] =	ssyncadd.s32 $0xFFFFF9C0  }
0xc1: {  	_ =	swait.ge [sflag:s5], $0x640  }
0xc2: {  	[sflag:s5] =	ssyncset.done $0x0  }
0xc3: {  	[sflag:s5] =	ssyncadd.s32 $0xFFFFF9C0  }
0xc4: {  	_ =	swait.ge [sflag:s5], $0x640  }
0xc5: {  	[sflag:s5] =	ssyncset.done $0x0  }
0xc6: {  	p0 =	sne.s32 s6, $0x6528;
	[sflag:s5] =	ssyncadd.s32 $0xFFFFF9C0  }
.Ltmp0:
0xc7: {  	_ =	swait.ge [sflag:s5], $0x640;
	(pc) =	sbr.rel @p0 .LBB2_2-.Ltmp0, $4  }
0xc8: {  	[sflag:s5] =	ssyncset.done $0x0  }
0xc9: {  	[sflag:s5] =	ssyncadd.s32 $0xFFFFF9C0  }
0xca: {  	_ =	swait.ge [sflag:s5], $0x640  }
0xcb: {  	s6 =	sadd.s32 $0x68, s6;
	s9 =	rddreg [dreg:$0x3];
	[sflag:s5] =	ssyncset.done $0x0  }
0xcc: {  	[sflag:s5] =	ssyncadd.s32 $0xFFFFF9C0;
	s6 =	sadd.s32 s8, s9  }
0xcd: {  	[tilespmem:s3], [sflag:$0x3] =	stream.linear.gather [hbm4b:s6+s3], $0x340, $0x38;
	[tilespmem:$0x1BF80] =	vst v63  }
0xce: {  	_ =	swait.ge [sflag:s10], $0x340  }
0xcf: {  	s7 =	rddreg [dreg:$0x4];
	[sflag:s10] =	ssyncset.done $0x0  }
0xd0: {  	[sflag:s10] =	ssyncadd.s32 $0xFFFFFCC0;
	s6 =	sadd.s32 s8, s7  }
0xd1: {  	[tilespmem:s11], [sflag:$0x3] =	stream.linear.gather [hbm4b:s6+s3], $0x340, $0x38;
	[tilespmem:$0x1BF80] =	vst v63  }
0xd2: {  	_ =	swait.ge [sflag:s10], $0x340  }
0xd3: {  	[sflag:s10] =	ssyncset.done $0x0  }
0xd4: {  	[sflag:s10] =	ssyncadd.s32 $0xFFFFFCC0  }
0xd5: {  	[tilespmem:s13], [sflag:$0x1] =	stream.indirect.gather [hbm4b:s4+s12], $0x10, s3, s12, $0xb8;
	[tilespmem:$0x1BF80] =	vst v63  }
0xd6: {  	s9 =	rddreg [dreg:$0x5]  }
0xd7: {  	[tilespmem:s14], [sflag:$0x1] =	stream.indirect.gather [hbm4b:s4+s12], $0x10, s9, s12, $0xb8;
	[tilespmem:$0x1BF80] =	vst v63  }
0xd8: {  	s7 =	rddreg [dreg:$0x6]  }
0xd9: {  	[tilespmem:s15], [sflag:$0x1] =	stream.indirect.gather [hbm4b:s4+s12], $0x10, s7, s12, $0xb8;
	[tilespmem:$0x1BF80] =	vst v63  }
0xda: {  	s8 =	rddreg [dreg:$0x7]  }
0xdb: {  	[tilespmem:s16], [sflag:$0x1] =	stream.indirect.gather [hbm4b:s4+s12], $0x10, s8, s12, $0xb8;
	[tilespmem:$0x1BF80] =	vst v63  }
0xdc: {  	_ = 	snop  }
0xdd: {  	[tilespmem:s18], [sflag:$0x1] =	stream.indirect.gather [hbm4b:s4+s12], $0x10, s17, s12, $0xb8;
	[tilespmem:$0x1BF80] =	vst v63  }
0xde: {  	_ = 	snop  }
0xdf: {  	[tilespmem:s20], [sflag:$0x1] =	stream.indirect.gather [hbm4b:s4+s12], $0x10, s19, s12, $0xb8;
	[tilespmem:$0x1BF80] =	vst v63  }
0xe0: {  	_ = 	snop  }
0xe1: {  	[tilespmem:s22], [sflag:$0x1] =	stream.indirect.gather [hbm4b:s4+s12], $0x10, s21, s12, $0xb8;
	[tilespmem:$0x1BF80] =	vst v63  }
0xe2: {  	_ = 	snop  }
0xe3: {  	[tilespmem:s24], [sflag:$0x1] =	stream.indirect.gather [hbm4b:s4+s12], $0x10, s23, s12, $0xb8;
	[tilespmem:$0x1BF80] =	vst v63  }
0xe4: {  	_ =	swait.ge [sflag:s25], $0x640  }
0xe5: {  	[sflag:s25] =	ssyncset.done $0x0  }
0xe6: {  	[sflag:s25] =	ssyncadd.s32 $0xFFFFF9C0  }
0xe7: {  	_ =	swait.ge [sflag:s25], $0x640  }
0xe8: {  	[sflag:s25] =	ssyncset.done $0x0  }
0xe9: {  	[sflag:s25] =	ssyncadd.s32 $0xFFFFF9C0  }
0xea: {  	_ =	swait.ge [sflag:s25], $0x640  }
0xeb: {  	[sflag:s25] =	ssyncset.done $0x0  }
0xec: {  	[sflag:s25] =	ssyncadd.s32 $0xFFFFF9C0  }
0xed: {  	_ =	swait.ge [sflag:s25], $0x640  }
0xee: {  	[sflag:s25] =	ssyncset.done $0x0  }
0xef: {  	[sflag:s25] =	ssyncadd.s32 $0xFFFFF9C0  }
0xf0: {  	_ =	swait.ge [sflag:s25], $0x640  }
0xf1: {  	[sflag:s25] =	ssyncset.done $0x0  }
0xf2: {  	[sflag:s25] =	ssyncadd.s32 $0xFFFFF9C0  }
0xf3: {  	_ =	swait.ge [sflag:s25], $0x640  }
0xf4: {  	[sflag:s25] =	ssyncset.done $0x0  }
0xf5: {  	[sflag:s25] =	ssyncadd.s32 $0xFFFFF9C0  }
0xf6: {  	_ =	swait.ge [sflag:s25], $0x640  }
0xf7: {  	[sflag:s25] =	ssyncset.done $0x0  }
0xf8: {  	[sflag:s25] =	ssyncadd.s32 $0xFFFFF9C0  }
0xf9: {  	_ =	swait.ge [sflag:s25], $0x640  }
0xfa: {  	[sflag:s25] =	ssyncset.done $0x0  }
0xfb: {  	[sflag:s25] =	ssyncadd.s32 $0xFFFFF9C0  }
0xfc: {  	[spmem:s2] =	stream.indirect.scatter.add.f32 [tilespmem:s13], [sflag:$0x2], $0x10, s11, s12, $0xb8;
	[tilespmem:$0x1BF80] =	vst v63  }
0xfd: {  	_ = 	snop  }
0xfe: {  	[spmem:s2] =	stream.indirect.scatter.add.f32 [tilespmem:s14], [sflag:$0x2], $0x10, s26, s12, $0xb8;
	[tilespmem:$0x1BF80] =	vst v63  }
0xff: {  	_ = 	snop  }
0x100: {  	[spmem:s2] =	stream.indirect.scatter.add.f32 [tilespmem:s15], [sflag:$0x2], $0x10, s28, s12, $0xb8;
	[tilespmem:$0x1BF80] =	vst v63  }
0x101: {  	_ = 	snop  }
0x102: {  	[spmem:s2] =	stream.indirect.scatter.add.f32 [tilespmem:s16], [sflag:$0x2], $0x10, s29, s12, $0xb8;
	[tilespmem:$0x1BF80] =	vst v63  }
0x103: {  	_ = 	snop  }
0x104: {  	[spmem:s2] =	stream.indirect.scatter.add.f32 [tilespmem:s18], [sflag:$0x2], $0x10, s30, s12, $0xb8;
	[tilespmem:$0x1BF80] =	vst v63  }
0x105: {  	_ = 	snop  }
0x106: {  	[spmem:s2] =	stream.indirect.scatter.add.f32 [tilespmem:s20], [sflag:$0x2], $0x10, s31, s12, $0xb8;
	[tilespmem:$0x1BF80] =	vst v63  }
0x107: {  	_ = 	snop  }
0x108: {  	[spmem:s2] =	stream.indirect.scatter.add.f32 [tilespmem:s22], [sflag:$0x2], $0x10, s0, s12, $0xb8;
	[tilespmem:$0x1BF80] =	vst v63  }
0x109: {  	_ = 	snop  }
0x10a: {  	[spmem:s2] =	stream.indirect.scatter.add.f32 [tilespmem:s24], [sflag:$0x2], $0x10, s1, s12, $0xb8;
	[tilespmem:$0x1BF80] =	vst v63  }
0x10b: {  	_ =	swait.ge [sflag:s5], $0x640  }
0x10c: {  	[sflag:s5] =	ssyncset.done $0x0  }
0x10d: {  	[sflag:s5] =	ssyncadd.s32 $0xFFFFF9C0  }
0x10e: {  	_ =	swait.ge [sflag:s5], $0x640  }
0x10f: {  	[sflag:s5] =	ssyncset.done $0x0  }
0x110: {  	[sflag:s5] =	ssyncadd.s32 $0xFFFFF9C0  }
0x111: {  	_ =	swait.ge [sflag:s5], $0x640  }
0x112: {  	[sflag:s5] =	ssyncset.done $0x0  }
0x113: {  	[sflag:s5] =	ssyncadd.s32 $0xFFFFF9C0  }
0x114: {  	_ =	swait.ge [sflag:s5], $0x640  }
0x115: {  	[sflag:s5] =	ssyncset.done $0x0  }
0x116: {  	[sflag:s5] =	ssyncadd.s32 $0xFFFFF9C0  }
0x117: {  	_ =	swait.ge [sflag:s5], $0x640  }
0x118: {  	[sflag:s5] =	ssyncset.done $0x0  }
0x119: {  	[sflag:s5] =	ssyncadd.s32 $0xFFFFF9C0  }
0x11a: {  	_ =	swait.ge [sflag:s5], $0x640  }
0x11b: {  	[sflag:s5] =	ssyncset.done $0x0  }
0x11c: {  	[sflag:s5] =	ssyncadd.s32 $0xFFFFF9C0  }
0x11d: {  	_ =	swait.ge [sflag:s5], $0x640  }
0x11e: {  	[sflag:s5] =	ssyncset.done $0x0  }
0x11f: {  	[sflag:s5] =	ssyncadd.s32 $0xFFFFF9C0  }
0x120: {  	_ =	swait.ge [sflag:s5], $0x640  }
0x121: {  	[sflag:s5] =	ssyncset.done $0x0  }
0x122: {  	[sflag:s5] =	ssyncadd.s32 $0xFFFFF9C0  }
0x123: {  	[bflag:$0x0] =	sbarrier.arrive $0xFFFF  }
0x124: {  	s7 =	rddreg [dreg:$0x9]  }
0x125: {  	s9 =	rddreg [dreg:$0xa]  }
0x126: {  	s8 =	rddreg [dreg:$0xc]  }
0x127: {  	[hbm:s9], [sflag:s7] =	dma.local [spmem:s8], $0x30E0  }
0x128: {  	_ =	swait.ge [sflag:s10], $0x30E0  }
0x129: {  	s6 =	rddreg [dreg:$0xd]  }
0x12a: {  	s9 =	sadd.s32 $0x1, s6;
	s6 =	rddreg [dreg:$0xb]  }
0x12b: {  	p0 =	sne.s32 s9, s6  }
.Ltmp1:
0x12c: {  	_ = 	snop;
	(pc) =	sbr.rel @p0 .LBB2_1-.Ltmp1, $3  }
0x12d: {  	_ =	sdelay $0x1  }
0x12e: {  	[sflag:s10] =	ssyncset.done $0x0  }
0x12f: {  	[sflag:s10] =	ssyncadd.s32 $0xFFFFCF20  }
0x130: {  	_ =	sfence.sel $0x180000  }
0x131: {  	[bflag:$0x0] =	sbarrier.arrive $0xFFFF  }
0x132: {  	_ =	strace $0x9000004A  }
0x133: {  	s0 =	stileid.u32;
	[bflag:$0x2] =	sbarrier.arrive $0xFFFF  }
0x134: {  	p0 =	sne.s32 s0, $0x0;
	s0 =	rddreg [dreg:$0x2]  }
0x135: {  	s0 =	sadd.s32 @!p0 $0x100000, s0  }
0x136: {  	[sflag:s0] =	ssyncadd.tile.s32 @!p0 $0x1;
	_ =	shalt  }
.Lfunc_end2:
_tile_overlayer_lowered:
.L_overlay_start_2:
0x137: {  	(tag) =	ssettag $0x2  }
0x138: {  	s0 =	rddreg [dreg:$0x0];
	s2 =	stileid.u32  }
0x139: {  	s1 =	rddreg [dreg:$0x1];
	p0 =	sne.s32 s2, $0x0  }
0x13a: {  	s3 =	rddreg [dreg:$0x2];
	[bflag:$0x3] =	sbarrier.arrive $0xFFFF;
	s2 =	simm.s32 @!p0 $0x1C03  }
0x13b: {  	[timem:s3], [sflag:s2] =	dma.local @!p0 [hbm:s0], s1  }
0x13c: {  	s0 =	simm.s32 @!p0 $0x3  }
0x13d: {  	_ =	swait.ge @!p0 [sflag:s0], s1  }
0x13e: {  	s1 =	ssub.s32 @!p0 $0x0, s1;
	[sflag:s0] =	ssyncset.done @!p0 $0x0  }
0x13f: {  	[sflag:s0] =	ssyncadd.s32 @!p0 s1  }
0x140: {  	[bflag:$0x3] =	sbarrier.arrive $0xFFFF  }
0x141: {  	_ =	shalt  }

// kernel: kernel.14.cloned.1.call-start
scs
__scs_entry_jumppad:
0x0: {  	(pc) =	sbr.rel $0x88, $3  }
0x1: {  	(tag) =	ssettag $0x0;
	lr =	simm.s32 $0x1  }
0x2: {  	[smem:$0x3F96] =	sst lr;
	_ =	strace $0xD0000000  }
0x3: {  	_ = 	snop  }
0x4: {  	_ = 	snop  }
0x5: {  	_ = 	snop  }
0x6: {  	_ = 	snop  }
0x7: {  	_ = 	snop  }
__scs_overlays_trampoline_lowered:
0x8: {  	[smem:$0x3FA5] =	sst s0  }
0x9: {  	[smem:$0x3FA6] =	sst s1  }
0xa: {  	[smem:$0x3FA7] =	sst s2  }
0xb: {  	[smem:$0x3FA8] =	sst s3  }
0xc: {  	[smem:$0x3FA9] =	sst s4  }
0xd: {  	[smem:$0x3FAA] =	sst s5  }
0xe: {  	[smem:$0x3FAB] =	sst s6  }
0xf: {  	[smem:$0x3FAC] =	sst s7  }
0x10: {  	[smem:$0x3FAD] =	sst s8  }
0x11: {  	[smem:$0x3FAE] =	sst s9;
	s0 =	simm.s32 @!p0 $0x0  }
0x12: {  	s1 =	sld [smem:$0x3F94];
	s0 =	simm.s32 @p0 $0x1  }
0x13: {  	[smem:$0x3FAF] =	sst s0;
	s0 =	simm.s32 @!p1 $0x0  }
0x14: {  	s2 =	sld [smem:$0x3F93];
	s0 =	simm.s32 @p1 $0x1  }
0x15: {  	[smem:$0x3FB0] =	sst s0;
	s0 =	simm.s32 @!p2 $0x0  }
0x16: {  	s3 =	sld [smem:$0x3FDB];
	s0 =	simm.s32 @p2 $0x1  }
0x17: {  	s4 =	simm.s32 $0x1BF5;
	[smem:$0x3FB2] =	sst s0  }
0x18: {  	s0 =	sld [smem:$0x3F95];
	_ =	swait.ge [sflag:s4], $0x0  }
0x19: {  	s7 =	sld [smem:$0x3F96]  }
0x1a: {  	s8 =	sadd.s32 $0xFFFFE003, lr  }
0x1b: {  	s9 =	sadd.s32 $0xFFFFFEF7, lr;
	s5 =	simm.s32 $0xFFFFFFFF;
	p2 =	slt.u32 s8, $0xFFFFF086  }
0x1c: {  	p1 =	slt.u32 s9, $0xF7A;
	s5 =	simm.s32 @!p2 $0x0  }
0x1d: {  	s5 =	simm.s32 @p1 $0x1;
	p0 =	seq.s32 s7, s2  }
0x1e: {  	s7 =	smul.u32 @!p0 $0xF7A, s2;
	p2 =	seq.s32 @!p0 s5, $0x0  }
0x1f: {  	s9 =	smul.u32 $0xF7A, s1;
	s8 =	simm.s32 @!p0 $0x1BF5;
	p2 =	por !p2, p0  }
0x20: {  	[sflag:s8] =	ssyncset.s32 @!p0 $0xFFFFF086;
	s6 =	sadd.s32 @!p0 s3, s7;
	s7 =	simm.s32 @!p0 $0x108  }
0x21: {  	s3 =	sadd.s32 s3, s9;
	s6 =	sadd.s32 @!p0 $0x88, s6;
	s7 =	simm.s32 @p2 $0x1082  }
0x22: {  	[simem:s7], [sflag:s8] =	dma.local @!p0 [hbm:s6], $0xF7A  }
0x23: {  	s9 =	sor.u32 $0xD0000000, s2;
	s6 =	simm.s32 $0x108;
	_ =	swait.ge @!p0 [sflag:s8], $0x0  }
0x24: {  	s3 =	sadd.s32 $0x88, s3;
	s6 =	simm.s32 @!p1 $0x1082;
	[sflag:s4] =	ssyncset.s32 $0xFFFFF086  }
0x25: {  	[simem:s6], [sflag:s4] =	dma.local [hbm:s3], $0xF7A  }
0x26: {  	[smem:$0x3F96] =	sst s1;
	(tag) =	ssettag s2;
	_ =	strace s9  }
0x27: {  	s1 =	sld [smem:$0x3FA6]  }
0x28: {  	s2 =	sld [smem:$0x3FA7]  }
0x29: {  	s4 =	sld [smem:$0x3FA9]  }
0x2a: {  	p0 =	seq.s32 s5, $0x0;
	s5 =	sld [smem:$0x3FAA]  }
0x2b: {  	s6 =	sld [smem:$0x3FAB]  }
0x2c: {  	s7 =	sld [smem:$0x3FAC]  }
0x2d: {  	s3 =	simm.s32 $0x108;
	s8 =	sld [smem:$0x3FAD]  }
0x2e: {  	s3 =	simm.s32 @!p0 $0x1082;
	s9 =	sld [smem:$0x3FAE]  }
0x2f: {  	lr =	sadd.s32 s0, s3;
	s0 =	sld [smem:$0x3FA5]  }
0x30: {  	s3 =	sld [smem:$0x3FA8]  }
0x31: {  	[smem:$0x3FB1] =	sst s10  }
0x32: {  	s10 =	sld [smem:$0x3FAF];
	_ =	sdelay $0x3  }
0x33: {  	p0 =	seq.s32 s10, $0x1;
	s10 =	sld [smem:$0x3FB1];
	_ =	sdelay $0x3  }
0x34: {  	[smem:$0x3FB1] =	sst s10  }
0x35: {  	s10 =	sld [smem:$0x3FB0];
	_ =	sdelay $0x3  }
0x36: {  	p1 =	seq.s32 s10, $0x1;
	s10 =	sld [smem:$0x3FB1];
	_ =	sdelay $0x3  }
0x37: {  	[smem:$0x3FB1] =	sst s10  }
0x38: {  	s10 =	sld [smem:$0x3FB2]  }
0x39: {  	_ = 	snop;
	(pc) =	sbr.ind lr, $3  }
0x3a: {  	_ = 	snop  }
0x3b: {  	_ = 	snop  }
0x3c: {  	p2 =	seq.s32 s10, $0x1;
	s10 =	sld [smem:$0x3FB1]  }
0x3d: {  	_ =	shalt  }
0x3e: {  	_ =	shalt  }
0x3f: {  	_ =	shalt  }
0x40: {  	_ =	shalt  }
0x41: {  	_ =	shalt  }
0x42: {  	_ =	shalt  }
0x43: {  	_ =	shalt  }
0x44: {  	_ =	shalt  }
0x45: {  	_ =	shalt  }
0x46: {  	_ =	shalt  }
0x47: {  	_ =	shalt  }
0x48: {  	_ =	shalt  }
0x49: {  	_ =	shalt  }
0x4a: {  	_ =	shalt  }
0x4b: {  	_ =	shalt  }
0x4c: {  	_ =	shalt  }
0x4d: {  	_ =	shalt  }
0x4e: {  	_ =	shalt  }
0x4f: {  	_ =	shalt  }
0x50: {  	_ =	shalt  }
0x51: {  	_ =	shalt  }
0x52: {  	_ =	shalt  }
0x53: {  	_ =	shalt  }
0x54: {  	_ =	shalt  }
0x55: {  	_ =	shalt  }
0x56: {  	_ =	shalt  }
0x57: {  	_ =	shalt  }
0x58: {  	_ =	shalt  }
0x59: {  	_ =	shalt  }
0x5a: {  	_ =	shalt  }
0x5b: {  	_ =	shalt  }
0x5c: {  	_ =	shalt  }
0x5d: {  	_ =	shalt  }
0x5e: {  	_ =	shalt  }
0x5f: {  	_ =	shalt  }
0x60: {  	_ =	shalt  }
0x61: {  	_ =	shalt  }
0x62: {  	_ =	shalt  }
0x63: {  	_ =	shalt  }
0x64: {  	_ =	shalt  }
0x65: {  	_ =	shalt  }
0x66: {  	_ =	shalt  }
0x67: {  	_ =	shalt  }
0x68: {  	_ =	shalt  }
0x69: {  	_ =	shalt  }
0x6a: {  	_ =	shalt  }
0x6b: {  	_ =	shalt  }
0x6c: {  	_ =	shalt  }
0x6d: {  	_ =	shalt  }
0x6e: {  	_ =	shalt  }
0x6f: {  	_ =	shalt  }
0x70: {  	_ =	shalt  }
0x71: {  	_ =	shalt  }
0x72: {  	_ =	shalt  }
0x73: {  	_ =	shalt  }
0x74: {  	_ =	shalt  }
0x75: {  	_ =	shalt  }
0x76: {  	_ =	shalt  }
0x77: {  	_ =	shalt  }
0x78: {  	_ =	shalt  }
0x79: {  	_ =	shalt  }
0x7a: {  	_ =	shalt  }
0x7b: {  	_ =	shalt  }
0x7c: {  	_ =	shalt  }
0x7d: {  	_ =	shalt  }
0x7e: {  	_ =	shalt  }
0x7f: {  	_ =	shalt  }
0x80: {  	_ =	shalt  }
0x81: {  	_ =	shalt  }
0x82: {  	_ =	shalt  }
0x83: {  	_ =	shalt  }
0x84: {  	_ =	shalt  }
0x85: {  	_ =	shalt  }
0x86: {  	_ =	shalt  }
0x87: {  	_ =	shalt  }
.Lfunc_end0:
.L_simem_size_0:
called_computation.2_lowered:
.L_overlay_start_0:
0x88: {  	s2 =	sld [smem:$0x3FD9]  }
0x89: {  	s3 =	sld [smem:$0x3FFE];
	_ =	sdelay $0x1  }
0x8a: {  	s1 =	srdreg.scid  }
0x8b: {  	s0 =	sand.u32 $0x1, s1  }
0x8c: {  	s16 =	sshll.u32 s0, $0xA;
	s2 =	sadd.s32 s3, s2  }
0x8d: {  	s2 =	sadd.s32 s2, s16  }
0x8e: {  	[smem:$0x3FBD] =	sst s2  }
0x8f: {  	_ = 	snop  }
0x90: {  	(tm) =	ssettm $0x1  }
0x91: {  	s17 =	sld [smem:$0x3FFB];
	_ =	sdelay $0x3  }
0x92: {  	_ =	strace s17  }
0x93: {  	s2 =	sld [smem:$0x3FFC];
	_ =	sdelay $0x3  }
0x94: {  	_ =	strace s2  }
0x95: {  	s2 =	sld [smem:$0x3FFD];
	_ =	sdelay $0x3  }
0x96: {  	_ =	strace s2  }
0x97: {  	_ =	strace $0x8FFFFFFF  }
0x98: {  	s18 =	sld [smem:$0x3FDB];
	_ =	sdelay $0x1  }
0x99: {  	s19 =	simm.s32 $_scs_section_size  }
0x9a: {  	s4 =	simm.s32 $_size__tile_overlayer_lowered;
	s5 =	simm.s32 $_tile_overlayer_lowered  }
0x9b: {  	s22 =	simm.s32 $0x1BFF;
	s21 =	sshll.u32 s5, $0x1;
	s2 =	sadd.s32 s19, s18  }
0x9c: {  	s6 =	simm.s32 $0x0;
	s20 =	sshll.u32 s4, $0x1;
	s4 =	sadd.s32 s21, s2  }
0x9d: {  	[timem:s6], [sflag:s22] =	dma.local [hbm:s4], s20  }
0x9e: {  	_ =	swait.ge [sflag:s22], s20  }
0x9f: {  	s3 =	ssub.s32 $0x0, s20;
	[sflag:s22] =	ssyncset.done $0x0  }
0xa0: {  	[sflag:s22] =	ssyncadd.s32 s3;
	_ =	sdelay $0x1  }
0xa1: {  	s23 =	simm.s32 $0x1B8B  }
0xa2: {  	_ =	swait.ge [sflag:s23], $0x1  }
0xa3: {  	[sflag:s23] =	ssyncset.done $0x0  }
0xa4: {  	s25 =	simm.s32 $0x1B8E;
	s24 =	sld [smem:$0x3FFE];
	[sflag:s23] =	ssyncadd.s32 $0xFFFFFFFF  }
0xa5: {  	s26 =	simm.s32 $execute0_lowered;
	[smem:$0x3FD2] =	sst s25  }
0xa6: {  	s4 =	sshll.u32 s26, $0x1;
	_ =	strace $0x8000004C;
	[dreg:$0x1] =	wrdreg $0xFFFFFFFF  }
0xa7: {  	s28 =	simm.s32 $_size_execute0_lowered;
	s2 =	sadd.s32 s2, s4;
	[dreg:$0x0] =	wrdreg $0x0  }
0xa8: {  	s4 =	sshll.u32 s28, $0x1;
	[dreg:$0x2] =	wrdreg s2  }
0xa9: {  	[dreg:$0x3] =	wrdreg s4  }
0xaa: {  	[dreg:$0x4] =	wrdreg $0xC0  }
0xab: {  	_ =	task [dreg:s6], $0x5FFFF  }
0xac: {  	[dreg:$0x1] =	wrdreg $0xFFFFFFFF  }
0xad: {  	[dreg:$0x0] =	wrdreg $0x60  }
0xae: {  	[dreg:$0x2] =	wrdreg s24  }
0xaf: {  	[dreg:$0x3] =	wrdreg $0x1F800  }
0xb0: {  	[dreg:$0x4] =	wrdreg $0x9  }
0xb1: {  	_ =	task.clear_ibuf [dreg:s6], $0x5FFFF;
	_ =	strace $0x9000004C  }
0xb2: {  	s29 =	simm.s32 $0x9;
	_ =	strace $0x8000004E  }
0xb3: {  	_ =	swait.ge [sflag:s29], $0x1  }
0xb4: {  	[sflag:s29] =	ssyncadd.s32 $0xFFFFFFFF  }
0xb5: {  	_ =	strace $0x9000004E  }
0xb6: {  	_ =	sfence  }
0xb7: {  	s30 =	sld [smem:$0x0];
	_ =	sdelay $0x2  }
0xb8: {  	s31 =	sshll.u32 s1, $0xD;
	s1 =	sshrl.u32 s1, $0x2  }
0xb9: {  	s3 =	sand.u32 $0x4000, s31;
	s1 =	sadd.s32 s1, s30  }
0xba: {  	s0 =	sor.u32 s3, s0;
	s1 =	sshll.u32 s1, $0x11  }
0xbb: {  	s0 =	sor.u32 s1, s0  }
0xbc: {  	s0 =	sadd.s32 $0x8F2B, s0  }
0xbd: {  	[sflag:s0] =	ssyncadd.remote.s32 $0x1  }
0xbe: {  	_ =	sfence.sel $0xFFFF  }
0xbf: {  	[dreg:$0x0] =	wrdreg $0xFFFFFFFF;
	(pc) =	sbr.abs _section_cstart, $3  }
0xc0: {  	[dreg:$0x1] =	wrdreg $0xFFFFFFFF  }
0xc1: {  	_ =	task.clear_ibuf [dreg:s6], $0x2FFFF;
	_ =	strace $0x9FFFFFFF  }
0xc2: {  	(tm) =	ssettm $0x7FFFFFFF  }
0xc3: {  	_ =	shalt  }
tec
execute0_lowered:
.L_overlay_start_1:
0x0: {  	(tag) =	ssettag $0x1  }
0x1: {  	s0 =	rddreg [dreg:$0x0];
	s1 =	srdreg.scid  }
0x2: {  	s2 =	rddreg [dreg:$0x1];
	s10 =	stileid.u32;
	s3 =	simm.s32 $0x0  }
0x3: {  	s12 =	simm.s32 $0x64;
	s24 =	simm.s32 $0x68;
	s13 =	simm.s32 $0x680  }
0x4: {  	s25 =	simm.s32 $0xD0;
	s14 =	simm.s32 $0x9A0;
	s26 =	simm.s32 $0x138  }
0x5: {  	s15 =	simm.s32 $0xCC0;
	s16 =	simm.s32 $0xFE0;
	s17 =	simm.s32 $0x1A0  }
0x6: {  	s18 =	simm.s32 $0x1300;
	s19 =	simm.s32 $0x208;
	s20 =	simm.s32 $0x1620  }
0x7: {  	s28 =	simm.s32 $0x410;
	s29 =	simm.s32 $0x478;
	s30 =	simm.s32 $0x4E0  }
0x8: {  	s31 =	simm.s32 $0x548;
	s6 =	smul.u32 $0xC380, s10;
	[smem:$0x7FF] =	sst s3  }
0x9: {  	s1 =	sand.u32 $0x1, s1;
	s4 =	sadd.s32 $0x1CCE00, s0;
	s11 =	sadd.s32 $0x1E5600, s0  }
0xa: {  	s9 =	smul.u32 $0x6590, s10;
	_ =	strace $0x8000004D;
	[dreg:$0x8] =	wrdreg s11  }
0xb: {  	s21 =	sshll.u32 s10, $0x6;
	s5 =	smul.u32 $0x65900, s1;
	[dreg:$0x5] =	wrdreg s24  }
0xc: {  	s10 =	simm.s32 $0x3;
	s7 =	smul.u32 $0xC3800, s1;
	[dreg:$0x6] =	wrdreg s25  }
0xd: {  	s1 =	ssub.s32 $0x2, s1;
	s11 =	simm.s32 $0x340;
	[dreg:$0x7] =	wrdreg s26  }
0xe: {  	s24 =	simm.s32 $0x1C60;
	s25 =	simm.s32 $0x1;
	s26 =	simm.s32 $0x3A8  }
0xf: {  	s8 =	sshrl.u32 s1, $0x1;
	s5 =	sadd.s32 s5, s0;
	s7 =	sadd.s32 s6, s7  }
0x10: {  	s1 =	ssub.s32 s1, s8;
	s6 =	sadd.s32 s6, s2;
	s7 =	sshrl.u32 s7, $0x3  }
0x11: {  	s5 =	sadd.s32 s9, s5;
	s1 =	smax.u32 s1, $0x1;
	s8 =	sshrl.u32 s6, $0x3  }
0x12: {  	s9 =	simm.s32 $0x0;
	s0 =	sadd.s32 s7, s0;
	[dreg:$0xb] =	wrdreg s1  }
0x13: {  	s7 =	sor.u32 $0x1C03, s21;
	s22 =	sadd.s32 $0x101C00, s5;
	[dreg:$0xc] =	wrdreg s8  }
0x14: {  	s23 =	sadd.s32 $0x282200, s5;
	s21 =	simm.s32 $0x270;
	[dreg:$0x3] =	wrdreg s22  }
0x15: {  	s1 =	simm.s32 $0x618;
	s5 =	simm.s32 $0x2;
	[dreg:$0x4] =	wrdreg s23  }
0x16: {  	s0 =	sadd.s32 $0x1E7000, s0;
	s22 =	simm.s32 $0x1940;
	[dreg:$0x9] =	wrdreg s7  }
0x17: {  	s23 =	simm.s32 $0x2D8;
	[dreg:$0xa] =	wrdreg s0;
	s0 =	simm.s32 $0x5B0  }
.LBB2_1:
0x18: {  	[dreg:$0xd] =	wrdreg s9  }
0x19: {  	s6 =	rddreg [dreg:$0x8]  }
0x1a: {  	[spmem:s8], [sflag:s7] =	dma.local [hbm:s6], $0x1870  }
0x1b: {  	_ =	swait.ge [sflag:s10], $0x1870  }
0x1c: {  	[sflag:s10] =	ssyncset.done $0x0  }
0x1d: {  	[sflag:s10] =	ssyncadd.s32 $0xFFFFE790  }
0x1e: {  	[bflag:$0x0] =	sbarrier.arrive $0xFFFF  }
0x1f: {  	s7 =	rddreg [dreg:$0x3]  }
0x20: {  	s6 =	sadd.s32 $0x0, s7  }
0x21: {  	[tilespmem:s3], [sflag:$0x3] =	stream.linear.gather [hbm4b:s6+s3], $0x340, $0x38;
	[tilespmem:$0xE300] =	vst v63  }
0x22: {  	_ =	swait.ge [sflag:s10], $0x340  }
0x23: {  	s8 =	rddreg [dreg:$0x4];
	[sflag:s10] =	ssyncset.done $0x0  }
0x24: {  	[sflag:s10] =	ssyncadd.s32 $0xFFFFFCC0;
	s6 =	sadd.s32 $0x0, s8  }
0x25: {  	[tilespmem:s11], [sflag:$0x3] =	stream.linear.gather [hbm4b:s6+s3], $0x340, $0x38;
	[tilespmem:$0xE300] =	vst v63  }
0x26: {  	_ =	swait.ge [sflag:s10], $0x340  }
0x27: {  	[sflag:s10] =	ssyncset.done $0x0  }
0x28: {  	[sflag:s10] =	ssyncadd.s32 $0xFFFFFCC0  }
0x29: {  	[tilespmem:s13], [sflag:$0x1] =	stream.indirect.gather [hbm4b:s4+s12], $0x8, s3, s12, $0xb8;
	[tilespmem:$0xE300] =	vst v63  }
0x2a: {  	s9 =	rddreg [dreg:$0x5]  }
0x2b: {  	[tilespmem:s14], [sflag:$0x1] =	stream.indirect.gather [hbm4b:s4+s12], $0x8, s9, s12, $0xb8;
	[tilespmem:$0xE300] =	vst v63  }
0x2c: {  	s7 =	rddreg [dreg:$0x6]  }
0x2d: {  	[tilespmem:s15], [sflag:$0x1] =	stream.indirect.gather [hbm4b:s4+s12], $0x8, s7, s12, $0xb8;
	[tilespmem:$0xE300] =	vst v63  }
0x2e: {  	s9 =	rddreg [dreg:$0x7]  }
0x2f: {  	[tilespmem:s16], [sflag:$0x1] =	stream.indirect.gather [hbm4b:s4+s12], $0x8, s9, s12, $0xb8;
	[tilespmem:$0xE300] =	vst v63  }
0x30: {  	_ = 	snop  }
0x31: {  	[tilespmem:s18], [sflag:$0x1] =	stream.indirect.gather [hbm4b:s4+s12], $0x8, s17, s12, $0xb8;
	[tilespmem:$0xE300] =	vst v63  }
0x32: {  	_ = 	snop  }
0x33: {  	[tilespmem:s20], [sflag:$0x1] =	stream.indirect.gather [hbm4b:s4+s12], $0x8, s19, s12, $0xb8;
	[tilespmem:$0xE300] =	vst v63  }
0x34: {  	_ = 	snop  }
0x35: {  	[tilespmem:s22], [sflag:$0x1] =	stream.indirect.gather [hbm4b:s4+s12], $0x8, s21, s12, $0xb8;
	[tilespmem:$0xE300] =	vst v63  }
0x36: {  	_ = 	snop  }
0x37: {  	[tilespmem:s24], [sflag:$0x1] =	stream.indirect.gather [hbm4b:s4+s12], $0x8, s23, s12, $0xb8;
	[tilespmem:$0xE300] =	vst v63  }
0x38: {  	_ =	swait.ge [sflag:s25], $0x320  }
0x39: {  	[sflag:s25] =	ssyncset.done $0x0  }
0x3a: {  	[sflag:s25] =	ssyncadd.s32 $0xFFFFFCE0  }
0x3b: {  	_ =	swait.ge [sflag:s25], $0x320  }
0x3c: {  	[sflag:s25] =	ssyncset.done $0x0  }
0x3d: {  	[sflag:s25] =	ssyncadd.s32 $0xFFFFFCE0  }
0x3e: {  	_ =	swait.ge [sflag:s25], $0x320  }
0x3f: {  	[sflag:s25] =	ssyncset.done $0x0  }
0x40: {  	[sflag:s25] =	ssyncadd.s32 $0xFFFFFCE0  }
0x41: {  	_ =	swait.ge [sflag:s25], $0x320  }
0x42: {  	[sflag:s25] =	ssyncset.done $0x0  }
0x43: {  	[sflag:s25] =	ssyncadd.s32 $0xFFFFFCE0  }
0x44: {  	_ =	swait.ge [sflag:s25], $0x320  }
0x45: {  	[sflag:s25] =	ssyncset.done $0x0  }
0x46: {  	[sflag:s25] =	ssyncadd.s32 $0xFFFFFCE0  }
0x47: {  	_ =	swait.ge [sflag:s25], $0x320  }
0x48: {  	[sflag:s25] =	ssyncset.done $0x0  }
0x49: {  	[sflag:s25] =	ssyncadd.s32 $0xFFFFFCE0  }
0x4a: {  	_ =	swait.ge [sflag:s25], $0x320  }
0x4b: {  	[sflag:s25] =	ssyncset.done $0x0  }
0x4c: {  	[sflag:s25] =	ssyncadd.s32 $0xFFFFFCE0  }
0x4d: {  	_ =	swait.ge [sflag:s25], $0x320  }
0x4e: {  	[sflag:s25] =	ssyncset.done $0x0  }
0x4f: {  	[sflag:s25] =	ssyncadd.s32 $0xFFFFFCE0  }
0x50: {  	[spmem:s2] =	stream.indirect.scatter.add.f32 [tilespmem:s13], [sflag:$0x2], $0x8, s11, s12, $0xb8;
	[tilespmem:$0xE300] =	vst v63  }
0x51: {  	_ = 	snop  }
0x52: {  	[spmem:s2] =	stream.indirect.scatter.add.f32 [tilespmem:s14], [sflag:$0x2], $0x8, s26, s12, $0xb8;
	[tilespmem:$0xE300] =	vst v63  }
0x53: {  	_ = 	snop  }
0x54: {  	[spmem:s2] =	stream.indirect.scatter.add.f32 [tilespmem:s15], [sflag:$0x2], $0x8, s28, s12, $0xb8;
	[tilespmem:$0xE300] =	vst v63  }
0x55: {  	_ = 	snop  }
0x56: {  	[spmem:s2] =	stream.indirect.scatter.add.f32 [tilespmem:s16], [sflag:$0x2], $0x8, s29, s12, $0xb8;
	[tilespmem:$0xE300] =	vst v63  }
0x57: {  	_ = 	snop  }
0x58: {  	[spmem:s2] =	stream.indirect.scatter.add.f32 [tilespmem:s18], [sflag:$0x2], $0x8, s30, s12, $0xb8;
	[tilespmem:$0xE300] =	vst v63  }
0x59: {  	_ = 	snop  }
0x5a: {  	[spmem:s2] =	stream.indirect.scatter.add.f32 [tilespmem:s20], [sflag:$0x2], $0x8, s31, s12, $0xb8;
	[tilespmem:$0xE300] =	vst v63  }
0x5b: {  	_ = 	snop  }
0x5c: {  	[spmem:s2] =	stream.indirect.scatter.add.f32 [tilespmem:s22], [sflag:$0x2], $0x8, s0, s12, $0xb8;
	[tilespmem:$0xE300] =	vst v63  }
0x5d: {  	_ = 	snop  }
0x5e: {  	[spmem:s2] =	stream.indirect.scatter.add.f32 [tilespmem:s24], [sflag:$0x2], $0x8, s1, s12, $0xb8;
	[tilespmem:$0xE300] =	vst v63  }
0x5f: {  	_ =	swait.ge [sflag:s5], $0x320  }
0x60: {  	[sflag:s5] =	ssyncset.done $0x0  }
0x61: {  	[sflag:s5] =	ssyncadd.s32 $0xFFFFFCE0  }
0x62: {  	_ =	swait.ge [sflag:s5], $0x320  }
0x63: {  	[sflag:s5] =	ssyncset.done $0x0  }
0x64: {  	[sflag:s5] =	ssyncadd.s32 $0xFFFFFCE0  }
0x65: {  	_ =	swait.ge [sflag:s5], $0x320  }
0x66: {  	[sflag:s5] =	ssyncset.done $0x0  }
0x67: {  	[sflag:s5] =	ssyncadd.s32 $0xFFFFFCE0  }
0x68: {  	_ =	swait.ge [sflag:s5], $0x320  }
0x69: {  	[sflag:s5] =	ssyncset.done $0x0  }
0x6a: {  	[sflag:s5] =	ssyncadd.s32 $0xFFFFFCE0  }
0x6b: {  	_ =	swait.ge [sflag:s5], $0x320  }
0x6c: {  	[sflag:s5] =	ssyncset.done $0x0  }
0x6d: {  	[sflag:s5] =	ssyncadd.s32 $0xFFFFFCE0  }
0x6e: {  	_ =	swait.ge [sflag:s5], $0x320  }
0x6f: {  	[sflag:s5] =	ssyncset.done $0x0  }
0x70: {  	[sflag:s5] =	ssyncadd.s32 $0xFFFFFCE0  }
0x71: {  	_ =	swait.ge [sflag:s5], $0x320  }
0x72: {  	[sflag:s5] =	ssyncset.done $0x0  }
0x73: {  	[sflag:s5] =	ssyncadd.s32 $0xFFFFFCE0  }
0x74: {  	s8 =	simm.s32 $0x68;
	_ =	swait.ge [sflag:s5], $0x320  }
0x75: {  	s6 =	simm.s32 $0xD0;
	s9 =	rddreg [dreg:$0x3];
	[sflag:s5] =	ssyncset.done $0x0  }
.LBB2_2:
0x76: {  	[sflag:s5] =	ssyncadd.s32 $0xFFFFFCE0;
	s9 =	sadd.s32 s8, s9  }
0x77: {  	[tilespmem:s3], [sflag:$0x3] =	stream.linear.gather [hbm4b:s9+s3], $0x340, $0x38;
	[tilespmem:$0xE300] =	vst v63  }
0x78: {  	_ =	swait.ge [sflag:s10], $0x340  }
0x79: {  	s9 =	rddreg [dreg:$0x4];
	[sflag:s10] =	ssyncset.done $0x0  }
0x7a: {  	[sflag:s10] =	ssyncadd.s32 $0xFFFFFCC0;
	s9 =	sadd.s32 s8, s9  }
0x7b: {  	[tilespmem:s11], [sflag:$0x3] =	stream.linear.gather [hbm4b:s9+s3], $0x340, $0x38;
	[tilespmem:$0xE300] =	vst v63  }
0x7c: {  	_ =	swait.ge [sflag:s10], $0x340  }
0x7d: {  	[sflag:s10] =	ssyncset.done $0x0  }
0x7e: {  	s7 =	smov.u32 s6;
	[sflag:s10] =	ssyncadd.s32 $0xFFFFFCC0  }
0x7f: {  	[tilespmem:s13], [sflag:$0x1] =	stream.indirect.gather [hbm4b:s4+s12], $0x8, s3, s12, $0xb8;
	[tilespmem:$0xE300] =	vst v63  }
0x80: {  	s8 =	smov.u32 s7;
	s7 =	rddreg [dreg:$0x5]  }
0x81: {  	[tilespmem:s14], [sflag:$0x1] =	stream.indirect.gather [hbm4b:s4+s12], $0x8, s7, s12, $0xb8;
	[tilespmem:$0xE300] =	vst v63  }
0x82: {  	s9 =	rddreg [dreg:$0x6]  }
0x83: {  	[tilespmem:s15], [sflag:$0x1] =	stream.indirect.gather [hbm4b:s4+s12], $0x8, s9, s12, $0xb8;
	[tilespmem:$0xE300] =	vst v63  }
0x84: {  	s7 =	rddreg [dreg:$0x7]  }
0x85: {  	[tilespmem:s16], [sflag:$0x1] =	stream.indirect.gather [hbm4b:s4+s12], $0x8, s7, s12, $0xb8;
	[tilespmem:$0xE300] =	vst v63  }
0x86: {  	_ = 	snop  }
0x87: {  	[tilespmem:s18], [sflag:$0x1] =	stream.indirect.gather [hbm4b:s4+s12], $0x8, s17, s12, $0xb8;
	[tilespmem:$0xE300] =	vst v63  }
0x88: {  	_ = 	snop  }
0x89: {  	[tilespmem:s20], [sflag:$0x1] =	stream.indirect.gather [hbm4b:s4+s12], $0x8, s19, s12, $0xb8;
	[tilespmem:$0xE300] =	vst v63  }
0x8a: {  	_ = 	snop  }
0x8b: {  	[tilespmem:s22], [sflag:$0x1] =	stream.indirect.gather [hbm4b:s4+s12], $0x8, s21, s12, $0xb8;
	[tilespmem:$0xE300] =	vst v63  }
0x8c: {  	_ = 	snop  }
0x8d: {  	[tilespmem:s24], [sflag:$0x1] =	stream.indirect.gather [hbm4b:s4+s12], $0x8, s23, s12, $0xb8;
	[tilespmem:$0xE300] =	vst v63  }
0x8e: {  	_ =	swait.ge [sflag:s25], $0x320  }
0x8f: {  	[sflag:s25] =	ssyncset.done $0x0  }
0x90: {  	[sflag:s25] =	ssyncadd.s32 $0xFFFFFCE0  }
0x91: {  	_ =	swait.ge [sflag:s25], $0x320  }
0x92: {  	[sflag:s25] =	ssyncset.done $0x0  }
0x93: {  	[sflag:s25] =	ssyncadd.s32 $0xFFFFFCE0  }
0x94: {  	_ =	swait.ge [sflag:s25], $0x320  }
0x95: {  	[sflag:s25] =	ssyncset.done $0x0  }
0x96: {  	[sflag:s25] =	ssyncadd.s32 $0xFFFFFCE0  }
0x97: {  	_ =	swait.ge [sflag:s25], $0x320  }
0x98: {  	[sflag:s25] =	ssyncset.done $0x0  }
0x99: {  	[sflag:s25] =	ssyncadd.s32 $0xFFFFFCE0  }
0x9a: {  	_ =	swait.ge [sflag:s25], $0x320  }
0x9b: {  	[sflag:s25] =	ssyncset.done $0x0  }
0x9c: {  	[sflag:s25] =	ssyncadd.s32 $0xFFFFFCE0  }
0x9d: {  	_ =	swait.ge [sflag:s25], $0x320  }
0x9e: {  	[sflag:s25] =	ssyncset.done $0x0  }
0x9f: {  	[sflag:s25] =	ssyncadd.s32 $0xFFFFFCE0  }
0xa0: {  	_ =	swait.ge [sflag:s25], $0x320  }
0xa1: {  	[sflag:s25] =	ssyncset.done $0x0  }
0xa2: {  	[sflag:s25] =	ssyncadd.s32 $0xFFFFFCE0  }
0xa3: {  	_ =	swait.ge [sflag:s25], $0x320  }
0xa4: {  	[sflag:s25] =	ssyncset.done $0x0  }
0xa5: {  	[sflag:s25] =	ssyncadd.s32 $0xFFFFFCE0  }
0xa6: {  	[spmem:s2] =	stream.indirect.scatter.add.f32 [tilespmem:s13], [sflag:$0x2], $0x8, s11, s12, $0xb8;
	[tilespmem:$0xE300] =	vst v63  }
0xa7: {  	_ = 	snop  }
0xa8: {  	[spmem:s2] =	stream.indirect.scatter.add.f32 [tilespmem:s14], [sflag:$0x2], $0x8, s26, s12, $0xb8;
	[tilespmem:$0xE300] =	vst v63  }
0xa9: {  	_ = 	snop  }
0xaa: {  	[spmem:s2] =	stream.indirect.scatter.add.f32 [tilespmem:s15], [sflag:$0x2], $0x8, s28, s12, $0xb8;
	[tilespmem:$0xE300] =	vst v63  }
0xab: {  	_ = 	snop  }
0xac: {  	[spmem:s2] =	stream.indirect.scatter.add.f32 [tilespmem:s16], [sflag:$0x2], $0x8, s29, s12, $0xb8;
	[tilespmem:$0xE300] =	vst v63  }
0xad: {  	_ = 	snop  }
0xae: {  	[spmem:s2] =	stream.indirect.scatter.add.f32 [tilespmem:s18], [sflag:$0x2], $0x8, s30, s12, $0xb8;
	[tilespmem:$0xE300] =	vst v63  }
0xaf: {  	_ = 	snop  }
0xb0: {  	[spmem:s2] =	stream.indirect.scatter.add.f32 [tilespmem:s20], [sflag:$0x2], $0x8, s31, s12, $0xb8;
	[tilespmem:$0xE300] =	vst v63  }
0xb1: {  	_ = 	snop  }
0xb2: {  	[spmem:s2] =	stream.indirect.scatter.add.f32 [tilespmem:s22], [sflag:$0x2], $0x8, s0, s12, $0xb8;
	[tilespmem:$0xE300] =	vst v63  }
0xb3: {  	_ = 	snop  }
0xb4: {  	[spmem:s2] =	stream.indirect.scatter.add.f32 [tilespmem:s24], [sflag:$0x2], $0x8, s1, s12, $0xb8;
	[tilespmem:$0xE300] =	vst v63  }
0xb5: {  	_ =	swait.ge [sflag:s5], $0x320  }
0xb6: {  	[sflag:s5] =	ssyncset.done $0x0  }
0xb7: {  	[sflag:s5] =	ssyncadd.s32 $0xFFFFFCE0  }
0xb8: {  	_ =	swait.ge [sflag:s5], $0x320  }
0xb9: {  	[sflag:s5] =	ssyncset.done $0x0  }
0xba: {  	[sflag:s5] =	ssyncadd.s32 $0xFFFFFCE0  }
0xbb: {  	_ =	swait.ge [sflag:s5], $0x320  }
0xbc: {  	[sflag:s5] =	ssyncset.done $0x0  }
0xbd: {  	[sflag:s5] =	ssyncadd.s32 $0xFFFFFCE0  }
0xbe: {  	_ =	swait.ge [sflag:s5], $0x320  }
0xbf: {  	[sflag:s5] =	ssyncset.done $0x0  }
0xc0: {  	[sflag:s5] =	ssyncadd.s32 $0xFFFFFCE0  }
0xc1: {  	_ =	swait.ge [sflag:s5], $0x320  }
0xc2: {  	[sflag:s5] =	ssyncset.done $0x0  }
0xc3: {  	[sflag:s5] =	ssyncadd.s32 $0xFFFFFCE0  }
0xc4: {  	_ =	swait.ge [sflag:s5], $0x320  }
0xc5: {  	[sflag:s5] =	ssyncset.done $0x0  }
0xc6: {  	p0 =	sne.s32 s6, $0x6528;
	[sflag:s5] =	ssyncadd.s32 $0xFFFFFCE0  }
.Ltmp0:
0xc7: {  	_ =	swait.ge [sflag:s5], $0x320;
	(pc) =	sbr.rel @p0 .LBB2_2-.Ltmp0, $4  }
0xc8: {  	[sflag:s5] =	ssyncset.done $0x0  }
0xc9: {  	[sflag:s5] =	ssyncadd.s32 $0xFFFFFCE0  }
0xca: {  	_ =	swait.ge [sflag:s5], $0x320  }
0xcb: {  	s6 =	sadd.s32 $0x68, s6;
	s9 =	rddreg [dreg:$0x3];
	[sflag:s5] =	ssyncset.done $0x0  }
0xcc: {  	[sflag:s5] =	ssyncadd.s32 $0xFFFFFCE0;
	s6 =	sadd.s32 s8, s9  }
0xcd: {  	[tilespmem:s3], [sflag:$0x3] =	stream.linear.gather [hbm4b:s6+s3], $0x340, $0x38;
	[tilespmem:$0xE300] =	vst v63  }
0xce: {  	_ =	swait.ge [sflag:s10], $0x340  }
0xcf: {  	s7 =	rddreg [dreg:$0x4];
	[sflag:s10] =	ssyncset.done $0x0  }
0xd0: {  	[sflag:s10] =	ssyncadd.s32 $0xFFFFFCC0;
	s6 =	sadd.s32 s8, s7  }
0xd1: {  	[tilespmem:s11], [sflag:$0x3] =	stream.linear.gather [hbm4b:s6+s3], $0x340, $0x38;
	[tilespmem:$0xE300] =	vst v63  }
0xd2: {  	_ =	swait.ge [sflag:s10], $0x340  }
0xd3: {  	[sflag:s10] =	ssyncset.done $0x0  }
0xd4: {  	[sflag:s10] =	ssyncadd.s32 $0xFFFFFCC0  }
0xd5: {  	[tilespmem:s13], [sflag:$0x1] =	stream.indirect.gather [hbm4b:s4+s12], $0x8, s3, s12, $0xb8;
	[tilespmem:$0xE300] =	vst v63  }
0xd6: {  	s9 =	rddreg [dreg:$0x5]  }
0xd7: {  	[tilespmem:s14], [sflag:$0x1] =	stream.indirect.gather [hbm4b:s4+s12], $0x8, s9, s12, $0xb8;
	[tilespmem:$0xE300] =	vst v63  }
0xd8: {  	s7 =	rddreg [dreg:$0x6]  }
0xd9: {  	[tilespmem:s15], [sflag:$0x1] =	stream.indirect.gather [hbm4b:s4+s12], $0x8, s7, s12, $0xb8;
	[tilespmem:$0xE300] =	vst v63  }
0xda: {  	s8 =	rddreg [dreg:$0x7]  }
0xdb: {  	[tilespmem:s16], [sflag:$0x1] =	stream.indirect.gather [hbm4b:s4+s12], $0x8, s8, s12, $0xb8;
	[tilespmem:$0xE300] =	vst v63  }
0xdc: {  	_ = 	snop  }
0xdd: {  	[tilespmem:s18], [sflag:$0x1] =	stream.indirect.gather [hbm4b:s4+s12], $0x8, s17, s12, $0xb8;
	[tilespmem:$0xE300] =	vst v63  }
0xde: {  	_ = 	snop  }
0xdf: {  	[tilespmem:s20], [sflag:$0x1] =	stream.indirect.gather [hbm4b:s4+s12], $0x8, s19, s12, $0xb8;
	[tilespmem:$0xE300] =	vst v63  }
0xe0: {  	_ = 	snop  }
0xe1: {  	[tilespmem:s22], [sflag:$0x1] =	stream.indirect.gather [hbm4b:s4+s12], $0x8, s21, s12, $0xb8;
	[tilespmem:$0xE300] =	vst v63  }
0xe2: {  	_ = 	snop  }
0xe3: {  	[tilespmem:s24], [sflag:$0x1] =	stream.indirect.gather [hbm4b:s4+s12], $0x8, s23, s12, $0xb8;
	[tilespmem:$0xE300] =	vst v63  }
0xe4: {  	_ =	swait.ge [sflag:s25], $0x320  }
0xe5: {  	[sflag:s25] =	ssyncset.done $0x0  }
0xe6: {  	[sflag:s25] =	ssyncadd.s32 $0xFFFFFCE0  }
0xe7: {  	_ =	swait.ge [sflag:s25], $0x320  }
0xe8: {  	[sflag:s25] =	ssyncset.done $0x0  }
0xe9: {  	[sflag:s25] =	ssyncadd.s32 $0xFFFFFCE0  }
0xea: {  	_ =	swait.ge [sflag:s25], $0x320  }
0xeb: {  	[sflag:s25] =	ssyncset.done $0x0  }
0xec: {  	[sflag:s25] =	ssyncadd.s32 $0xFFFFFCE0  }
0xed: {  	_ =	swait.ge [sflag:s25], $0x320  }
0xee: {  	[sflag:s25] =	ssyncset.done $0x0  }
0xef: {  	[sflag:s25] =	ssyncadd.s32 $0xFFFFFCE0  }
0xf0: {  	_ =	swait.ge [sflag:s25], $0x320  }
0xf1: {  	[sflag:s25] =	ssyncset.done $0x0  }
0xf2: {  	[sflag:s25] =	ssyncadd.s32 $0xFFFFFCE0  }
0xf3: {  	_ =	swait.ge [sflag:s25], $0x320  }
0xf4: {  	[sflag:s25] =	ssyncset.done $0x0  }
0xf5: {  	[sflag:s25] =	ssyncadd.s32 $0xFFFFFCE0  }
0xf6: {  	_ =	swait.ge [sflag:s25], $0x320  }
0xf7: {  	[sflag:s25] =	ssyncset.done $0x0  }
0xf8: {  	[sflag:s25] =	ssyncadd.s32 $0xFFFFFCE0  }
0xf9: {  	_ =	swait.ge [sflag:s25], $0x320  }
0xfa: {  	[sflag:s25] =	ssyncset.done $0x0  }
0xfb: {  	[sflag:s25] =	ssyncadd.s32 $0xFFFFFCE0  }
0xfc: {  	[spmem:s2] =	stream.indirect.scatter.add.f32 [tilespmem:s13], [sflag:$0x2], $0x8, s11, s12, $0xb8;
	[tilespmem:$0xE300] =	vst v63  }
0xfd: {  	_ = 	snop  }
0xfe: {  	[spmem:s2] =	stream.indirect.scatter.add.f32 [tilespmem:s14], [sflag:$0x2], $0x8, s26, s12, $0xb8;
	[tilespmem:$0xE300] =	vst v63  }
0xff: {  	_ = 	snop  }
0x100: {  	[spmem:s2] =	stream.indirect.scatter.add.f32 [tilespmem:s15], [sflag:$0x2], $0x8, s28, s12, $0xb8;
	[tilespmem:$0xE300] =	vst v63  }
0x101: {  	_ = 	snop  }
0x102: {  	[spmem:s2] =	stream.indirect.scatter.add.f32 [tilespmem:s16], [sflag:$0x2], $0x8, s29, s12, $0xb8;
	[tilespmem:$0xE300] =	vst v63  }
0x103: {  	_ = 	snop  }
0x104: {  	[spmem:s2] =	stream.indirect.scatter.add.f32 [tilespmem:s18], [sflag:$0x2], $0x8, s30, s12, $0xb8;
	[tilespmem:$0xE300] =	vst v63  }
0x105: {  	_ = 	snop  }
0x106: {  	[spmem:s2] =	stream.indirect.scatter.add.f32 [tilespmem:s20], [sflag:$0x2], $0x8, s31, s12, $0xb8;
	[tilespmem:$0xE300] =	vst v63  }
0x107: {  	_ = 	snop  }
0x108: {  	[spmem:s2] =	stream.indirect.scatter.add.f32 [tilespmem:s22], [sflag:$0x2], $0x8, s0, s12, $0xb8;
	[tilespmem:$0xE300] =	vst v63  }
0x109: {  	_ = 	snop  }
0x10a: {  	[spmem:s2] =	stream.indirect.scatter.add.f32 [tilespmem:s24], [sflag:$0x2], $0x8, s1, s12, $0xb8;
	[tilespmem:$0xE300] =	vst v63  }
0x10b: {  	_ =	swait.ge [sflag:s5], $0x320  }
0x10c: {  	[sflag:s5] =	ssyncset.done $0x0  }
0x10d: {  	[sflag:s5] =	ssyncadd.s32 $0xFFFFFCE0  }
0x10e: {  	_ =	swait.ge [sflag:s5], $0x320  }
0x10f: {  	[sflag:s5] =	ssyncset.done $0x0  }
0x110: {  	[sflag:s5] =	ssyncadd.s32 $0xFFFFFCE0  }
0x111: {  	_ =	swait.ge [sflag:s5], $0x320  }
0x112: {  	[sflag:s5] =	ssyncset.done $0x0  }
0x113: {  	[sflag:s5] =	ssyncadd.s32 $0xFFFFFCE0  }
0x114: {  	_ =	swait.ge [sflag:s5], $0x320  }
0x115: {  	[sflag:s5] =	ssyncset.done $0x0  }
0x116: {  	[sflag:s5] =	ssyncadd.s32 $0xFFFFFCE0  }
0x117: {  	_ =	swait.ge [sflag:s5], $0x320  }
0x118: {  	[sflag:s5] =	ssyncset.done $0x0  }
0x119: {  	[sflag:s5] =	ssyncadd.s32 $0xFFFFFCE0  }
0x11a: {  	_ =	swait.ge [sflag:s5], $0x320  }
0x11b: {  	[sflag:s5] =	ssyncset.done $0x0  }
0x11c: {  	[sflag:s5] =	ssyncadd.s32 $0xFFFFFCE0  }
0x11d: {  	_ =	swait.ge [sflag:s5], $0x320  }
0x11e: {  	[sflag:s5] =	ssyncset.done $0x0  }
0x11f: {  	[sflag:s5] =	ssyncadd.s32 $0xFFFFFCE0  }
0x120: {  	_ =	swait.ge [sflag:s5], $0x320  }
0x121: {  	[sflag:s5] =	ssyncset.done $0x0  }
0x122: {  	[sflag:s5] =	ssyncadd.s32 $0xFFFFFCE0  }
0x123: {  	[bflag:$0x0] =	sbarrier.arrive $0xFFFF  }
0x124: {  	s7 =	rddreg [dreg:$0x9]  }
0x125: {  	s9 =	rddreg [dreg:$0xa]  }
0x126: {  	s8 =	rddreg [dreg:$0xc]  }
0x127: {  	[hbm:s9], [sflag:s7] =	dma.local [spmem:s8], $0x1870  }
0x128: {  	_ =	swait.ge [sflag:s10], $0x1870  }
0x129: {  	s6 =	rddreg [dreg:$0xd]  }
0x12a: {  	s9 =	sadd.s32 $0x1, s6;
	s6 =	rddreg [dreg:$0xb]  }
0x12b: {  	p0 =	sne.s32 s9, s6  }
.Ltmp1:
0x12c: {  	_ = 	snop;
	(pc) =	sbr.rel @p0 .LBB2_1-.Ltmp1, $3  }
0x12d: {  	_ =	sdelay $0x1  }
0x12e: {  	[sflag:s10] =	ssyncset.done $0x0  }
0x12f: {  	[sflag:s10] =	ssyncadd.s32 $0xFFFFE790  }
0x130: {  	_ =	sfence.sel $0x180000  }
0x131: {  	[bflag:$0x0] =	sbarrier.arrive $0xFFFF  }
0x132: {  	_ =	strace $0x9000004D  }
0x133: {  	s0 =	stileid.u32;
	[bflag:$0x2] =	sbarrier.arrive $0xFFFF  }
0x134: {  	p0 =	sne.s32 s0, $0x0;
	s0 =	rddreg [dreg:$0x2]  }
0x135: {  	s0 =	sadd.s32 @!p0 $0x100000, s0  }
0x136: {  	[sflag:s0] =	ssyncadd.tile.s32 @!p0 $0x1;
	_ =	shalt  }
.Lfunc_end2:
_tile_overlayer_lowered:
.L_overlay_start_2:
0x137: {  	(tag) =	ssettag $0x2  }
0x138: {  	s0 =	rddreg [dreg:$0x0];
	s2 =	stileid.u32  }
0x139: {  	s1 =	rddreg [dreg:$0x1];
	p0 =	sne.s32 s2, $0x0  }
0x13a: {  	s3 =	rddreg [dreg:$0x2];
	[bflag:$0x3] =	sbarrier.arrive $0xFFFF;
	s2 =	simm.s32 @!p0 $0x1C03  }
0x13b: {  	[timem:s3], [sflag:s2] =	dma.local @!p0 [hbm:s0], s1  }
0x13c: {  	s0 =	simm.s32 @!p0 $0x3  }
0x13d: {  	_ =	swait.ge @!p0 [sflag:s0], s1  }
0x13e: {  	s1 =	ssub.s32 @!p0 $0x0, s1;
	[sflag:s0] =	ssyncset.done @!p0 $0x0  }
0x13f: {  	[sflag:s0] =	ssyncadd.s32 @!p0 s1  }
0x140: {  	[bflag:$0x3] =	sbarrier.arrive $0xFFFF  }
0x141: {  	_ =	shalt  }

// kernel: kernel.8.cloned.1.call-start
scs
__scs_entry_jumppad:
0x0: {  	(pc) =	sbr.rel $0x88, $3  }
0x1: {  	(tag) =	ssettag $0x0;
	lr =	simm.s32 $0x1  }
0x2: {  	[smem:$0x3F96] =	sst lr;
	_ =	strace $0xD0000000  }
0x3: {  	_ = 	snop  }
0x4: {  	_ = 	snop  }
0x5: {  	_ = 	snop  }
0x6: {  	_ = 	snop  }
0x7: {  	_ = 	snop  }
__scs_overlays_trampoline_lowered:
0x8: {  	[smem:$0x3FA5] =	sst s0  }
0x9: {  	[smem:$0x3FA6] =	sst s1  }
0xa: {  	[smem:$0x3FA7] =	sst s2  }
0xb: {  	[smem:$0x3FA8] =	sst s3  }
0xc: {  	[smem:$0x3FA9] =	sst s4  }
0xd: {  	[smem:$0x3FAA] =	sst s5  }
0xe: {  	[smem:$0x3FAB] =	sst s6  }
0xf: {  	[smem:$0x3FAC] =	sst s7  }
0x10: {  	[smem:$0x3FAD] =	sst s8  }
0x11: {  	[smem:$0x3FAE] =	sst s9;
	s0 =	simm.s32 @!p0 $0x0  }
0x12: {  	s1 =	sld [smem:$0x3F94];
	s0 =	simm.s32 @p0 $0x1  }
0x13: {  	[smem:$0x3FAF] =	sst s0;
	s0 =	simm.s32 @!p1 $0x0  }
0x14: {  	s2 =	sld [smem:$0x3F93];
	s0 =	simm.s32 @p1 $0x1  }
0x15: {  	[smem:$0x3FB0] =	sst s0;
	s0 =	simm.s32 @!p2 $0x0  }
0x16: {  	s3 =	sld [smem:$0x3FDB];
	s0 =	simm.s32 @p2 $0x1  }
0x17: {  	s4 =	simm.s32 $0x1BF5;
	[smem:$0x3FB2] =	sst s0  }
0x18: {  	s0 =	sld [smem:$0x3F95];
	_ =	swait.ge [sflag:s4], $0x0  }
0x19: {  	s7 =	sld [smem:$0x3F96]  }
0x1a: {  	s8 =	sadd.s32 $0xFFFFE003, lr  }
0x1b: {  	s9 =	sadd.s32 $0xFFFFFEF7, lr;
	s5 =	simm.s32 $0xFFFFFFFF;
	p2 =	slt.u32 s8, $0xFFFFF086  }
0x1c: {  	p1 =	slt.u32 s9, $0xF7A;
	s5 =	simm.s32 @!p2 $0x0  }
0x1d: {  	s5 =	simm.s32 @p1 $0x1;
	p0 =	seq.s32 s7, s2  }
0x1e: {  	s7 =	smul.u32 @!p0 $0xF7A, s2;
	p2 =	seq.s32 @!p0 s5, $0x0  }
0x1f: {  	s9 =	smul.u32 $0xF7A, s1;
	s8 =	simm.s32 @!p0 $0x1BF5;
	p2 =	por !p2, p0  }
0x20: {  	[sflag:s8] =	ssyncset.s32 @!p0 $0xFFFFF086;
	s6 =	sadd.s32 @!p0 s3, s7;
	s7 =	simm.s32 @!p0 $0x108  }
0x21: {  	s3 =	sadd.s32 s3, s9;
	s6 =	sadd.s32 @!p0 $0x88, s6;
	s7 =	simm.s32 @p2 $0x1082  }
0x22: {  	[simem:s7], [sflag:s8] =	dma.local @!p0 [hbm:s6], $0xF7A  }
0x23: {  	s9 =	sor.u32 $0xD0000000, s2;
	s6 =	simm.s32 $0x108;
	_ =	swait.ge @!p0 [sflag:s8], $0x0  }
0x24: {  	s3 =	sadd.s32 $0x88, s3;
	s6 =	simm.s32 @!p1 $0x1082;
	[sflag:s4] =	ssyncset.s32 $0xFFFFF086  }
0x25: {  	[simem:s6], [sflag:s4] =	dma.local [hbm:s3], $0xF7A  }
0x26: {  	[smem:$0x3F96] =	sst s1;
	(tag) =	ssettag s2;
	_ =	strace s9  }
0x27: {  	s1 =	sld [smem:$0x3FA6]  }
0x28: {  	s2 =	sld [smem:$0x3FA7]  }
0x29: {  	s4 =	sld [smem:$0x3FA9]  }
0x2a: {  	p0 =	seq.s32 s5, $0x0;
	s5 =	sld [smem:$0x3FAA]  }
0x2b: {  	s6 =	sld [smem:$0x3FAB]  }
0x2c: {  	s7 =	sld [smem:$0x3FAC]  }
0x2d: {  	s3 =	simm.s32 $0x108;
	s8 =	sld [smem:$0x3FAD]  }
0x2e: {  	s3 =	simm.s32 @!p0 $0x1082;
	s9 =	sld [smem:$0x3FAE]  }
0x2f: {  	lr =	sadd.s32 s0, s3;
	s0 =	sld [smem:$0x3FA5]  }
0x30: {  	s3 =	sld [smem:$0x3FA8]  }
0x31: {  	[smem:$0x3FB1] =	sst s10  }
0x32: {  	s10 =	sld [smem:$0x3FAF];
	_ =	sdelay $0x3  }
0x33: {  	p0 =	seq.s32 s10, $0x1;
	s10 =	sld [smem:$0x3FB1];
	_ =	sdelay $0x3  }
0x34: {  	[smem:$0x3FB1] =	sst s10  }
0x35: {  	s10 =	sld [smem:$0x3FB0];
	_ =	sdelay $0x3  }
0x36: {  	p1 =	seq.s32 s10, $0x1;
	s10 =	sld [smem:$0x3FB1];
	_ =	sdelay $0x3  }
0x37: {  	[smem:$0x3FB1] =	sst s10  }
0x38: {  	s10 =	sld [smem:$0x3FB2]  }
0x39: {  	_ = 	snop;
	(pc) =	sbr.ind lr, $3  }
0x3a: {  	_ = 	snop  }
0x3b: {  	_ = 	snop  }
0x3c: {  	p2 =	seq.s32 s10, $0x1;
	s10 =	sld [smem:$0x3FB1]  }
0x3d: {  	_ =	shalt  }
0x3e: {  	_ =	shalt  }
0x3f: {  	_ =	shalt  }
0x40: {  	_ =	shalt  }
0x41: {  	_ =	shalt  }
0x42: {  	_ =	shalt  }
0x43: {  	_ =	shalt  }
0x44: {  	_ =	shalt  }
0x45: {  	_ =	shalt  }
0x46: {  	_ =	shalt  }
0x47: {  	_ =	shalt  }
0x48: {  	_ =	shalt  }
0x49: {  	_ =	shalt  }
0x4a: {  	_ =	shalt  }
0x4b: {  	_ =	shalt  }
0x4c: {  	_ =	shalt  }
0x4d: {  	_ =	shalt  }
0x4e: {  	_ =	shalt  }
0x4f: {  	_ =	shalt  }
0x50: {  	_ =	shalt  }
0x51: {  	_ =	shalt  }
0x52: {  	_ =	shalt  }
0x53: {  	_ =	shalt  }
0x54: {  	_ =	shalt  }
0x55: {  	_ =	shalt  }
0x56: {  	_ =	shalt  }
0x57: {  	_ =	shalt  }
0x58: {  	_ =	shalt  }
0x59: {  	_ =	shalt  }
0x5a: {  	_ =	shalt  }
0x5b: {  	_ =	shalt  }
0x5c: {  	_ =	shalt  }
0x5d: {  	_ =	shalt  }
0x5e: {  	_ =	shalt  }
0x5f: {  	_ =	shalt  }
0x60: {  	_ =	shalt  }
0x61: {  	_ =	shalt  }
0x62: {  	_ =	shalt  }
0x63: {  	_ =	shalt  }
0x64: {  	_ =	shalt  }
0x65: {  	_ =	shalt  }
0x66: {  	_ =	shalt  }
0x67: {  	_ =	shalt  }
0x68: {  	_ =	shalt  }
0x69: {  	_ =	shalt  }
0x6a: {  	_ =	shalt  }
0x6b: {  	_ =	shalt  }
0x6c: {  	_ =	shalt  }
0x6d: {  	_ =	shalt  }
0x6e: {  	_ =	shalt  }
0x6f: {  	_ =	shalt  }
0x70: {  	_ =	shalt  }
0x71: {  	_ =	shalt  }
0x72: {  	_ =	shalt  }
0x73: {  	_ =	shalt  }
0x74: {  	_ =	shalt  }
0x75: {  	_ =	shalt  }
0x76: {  	_ =	shalt  }
0x77: {  	_ =	shalt  }
0x78: {  	_ =	shalt  }
0x79: {  	_ =	shalt  }
0x7a: {  	_ =	shalt  }
0x7b: {  	_ =	shalt  }
0x7c: {  	_ =	shalt  }
0x7d: {  	_ =	shalt  }
0x7e: {  	_ =	shalt  }
0x7f: {  	_ =	shalt  }
0x80: {  	_ =	shalt  }
0x81: {  	_ =	shalt  }
0x82: {  	_ =	shalt  }
0x83: {  	_ =	shalt  }
0x84: {  	_ =	shalt  }
0x85: {  	_ =	shalt  }
0x86: {  	_ =	shalt  }
0x87: {  	_ =	shalt  }
.Lfunc_end0:
.L_simem_size_0:
called_computation_lowered:
.L_overlay_start_0:
0x88: {  	s2 =	sld [smem:$0x3FD9]  }
0x89: {  	s3 =	sld [smem:$0x3FFE];
	_ =	sdelay $0x1  }
0x8a: {  	s1 =	srdreg.scid  }
0x8b: {  	s0 =	sand.u32 $0x1, s1  }
0x8c: {  	s16 =	sshll.u32 s0, $0xA;
	s2 =	sadd.s32 s3, s2  }
0x8d: {  	s2 =	sadd.s32 s2, s16  }
0x8e: {  	[smem:$0x3FBD] =	sst s2  }
0x8f: {  	_ = 	snop  }
0x90: {  	(tm) =	ssettm $0x1  }
0x91: {  	s17 =	sld [smem:$0x3FFB];
	_ =	sdelay $0x3  }
0x92: {  	_ =	strace s17  }
0x93: {  	s2 =	sld [smem:$0x3FFC];
	_ =	sdelay $0x3  }
0x94: {  	_ =	strace s2  }
0x95: {  	s2 =	sld [smem:$0x3FFD];
	_ =	sdelay $0x3  }
0x96: {  	_ =	strace s2  }
0x97: {  	_ =	strace $0x8FFFFFFF  }
0x98: {  	s18 =	sld [smem:$0x3FDB];
	_ =	sdelay $0x1  }
0x99: {  	s19 =	simm.s32 $_scs_section_size  }
0x9a: {  	s4 =	simm.s32 $_size__tile_overlayer_lowered;
	s5 =	simm.s32 $_tile_overlayer_lowered  }
0x9b: {  	s22 =	simm.s32 $0x1BFF;
	s21 =	sshll.u32 s5, $0x1;
	s2 =	sadd.s32 s19, s18  }
0x9c: {  	s6 =	simm.s32 $0x0;
	s20 =	sshll.u32 s4, $0x1;
	s4 =	sadd.s32 s21, s2  }
0x9d: {  	[timem:s6], [sflag:s22] =	dma.local [hbm:s4], s20  }
0x9e: {  	_ =	swait.ge [sflag:s22], s20  }
0x9f: {  	s3 =	ssub.s32 $0x0, s20;
	[sflag:s22] =	ssyncset.done $0x0  }
0xa0: {  	[sflag:s22] =	ssyncadd.s32 s3;
	_ =	sdelay $0x1  }
0xa1: {  	s23 =	simm.s32 $0x1B8B  }
0xa2: {  	_ =	swait.ge [sflag:s23], $0x1  }
0xa3: {  	[sflag:s23] =	ssyncset.done $0x0  }
0xa4: {  	s25 =	simm.s32 $0x1B8E;
	s24 =	sld [smem:$0x3FFE];
	[sflag:s23] =	ssyncadd.s32 $0xFFFFFFFF  }
0xa5: {  	s26 =	simm.s32 $execute0_lowered;
	[smem:$0x3FD2] =	sst s25  }
0xa6: {  	s4 =	sshll.u32 s26, $0x1;
	_ =	strace $0x80000046;
	[dreg:$0x1] =	wrdreg $0xFFFFFFFF  }
0xa7: {  	s28 =	simm.s32 $_size_execute0_lowered;
	s2 =	sadd.s32 s2, s4;
	[dreg:$0x0] =	wrdreg $0x0  }
0xa8: {  	s4 =	sshll.u32 s28, $0x1;
	[dreg:$0x2] =	wrdreg s2  }
0xa9: {  	[dreg:$0x3] =	wrdreg s4  }
0xaa: {  	[dreg:$0x4] =	wrdreg $0xC0  }
0xab: {  	_ =	task [dreg:s6], $0x5FFFF  }
0xac: {  	[dreg:$0x1] =	wrdreg $0xFFFFFFFF  }
0xad: {  	[dreg:$0x0] =	wrdreg $0x60  }
0xae: {  	[dreg:$0x2] =	wrdreg s24  }
0xaf: {  	[dreg:$0x3] =	wrdreg $0x3B00  }
0xb0: {  	[dreg:$0x4] =	wrdreg $0x9  }
0xb1: {  	_ =	task.clear_ibuf [dreg:s6], $0x5FFFF;
	_ =	strace $0x90000046  }
0xb2: {  	s29 =	simm.s32 $0x9;
	_ =	strace $0x80000048  }
0xb3: {  	_ =	swait.ge [sflag:s29], $0x1  }
0xb4: {  	[sflag:s29] =	ssyncadd.s32 $0xFFFFFFFF  }
0xb5: {  	_ =	strace $0x90000048  }
0xb6: {  	_ =	sfence  }
0xb7: {  	s30 =	sld [smem:$0x0];
	_ =	sdelay $0x2  }
0xb8: {  	s31 =	sshll.u32 s1, $0xD;
	s1 =	sshrl.u32 s1, $0x2  }
0xb9: {  	s3 =	sand.u32 $0x4000, s31;
	s1 =	sadd.s32 s1, s30  }
0xba: {  	s0 =	sor.u32 s3, s0;
	s1 =	sshll.u32 s1, $0x11  }
0xbb: {  	s0 =	sor.u32 s1, s0  }
0xbc: {  	s0 =	sadd.s32 $0x8F2B, s0  }
0xbd: {  	[sflag:s0] =	ssyncadd.remote.s32 $0x1  }
0xbe: {  	_ =	sfence.sel $0xFFFF  }
0xbf: {  	[dreg:$0x0] =	wrdreg $0xFFFFFFFF;
	(pc) =	sbr.abs _section_cstart, $3  }
0xc0: {  	[dreg:$0x1] =	wrdreg $0xFFFFFFFF  }
0xc1: {  	_ =	task.clear_ibuf [dreg:s6], $0x2FFFF;
	_ =	strace $0x9FFFFFFF  }
0xc2: {  	(tm) =	ssettm $0x7FFFFFFF  }
0xc3: {  	_ =	shalt  }
tec
execute0_lowered:
.L_overlay_start_1:
0x0: {  	(tag) =	ssettag $0x1  }
0x1: {  	s5 =	rddreg [dreg:$0x0]  }
0x2: {  	s2 =	rddreg [dreg:$0x1]  }
0x3: {  	s0 =	srdreg.scid;
	s1 =	rddreg [dreg:$0x2];
	s3 =	simm.s32 $0x0  }
0x4: {  	s13 =	simm.s32 $0x68;
	s14 =	simm.s32 $0xD0;
	s15 =	simm.s32 $0x138  }
0x5: {  	s16 =	simm.s32 $0x1A0;
	s17 =	simm.s32 $0x208;
	s6 =	sand.u32 $0x1, s0  }
0x6: {  	s18 =	simm.s32 $0x270;
	s0 =	stileid.u32;
	s4 =	smul.u32 $0x65900, s6  }
0x7: {  	s19 =	simm.s32 $0x2D8;
	s20 =	simm.s32 $0x1;
	s7 =	smul.u32 $0x1870, s0  }
0x8: {  	s21 =	simm.s32 $0x0;
	[smem:$0x7FF] =	sst s3;
	s8 =	smul.u32 $0x18700, s6  }
0x9: {  	_ =	strace $0x80000047;
	s6 =	ssub.s32 $0x2, s6;
	s10 =	smul.u32 $0x6590, s0  }
0xa: {  	s30 =	sshll.u32 s0, $0x6;
	s29 =	sshrl.u32 s6, $0x1;
	s9 =	sadd.s32 s4, s5  }
0xb: {  	s8 =	sadd.s32 s7, s8;
	s4 =	sadd.s32 $0x1600, s5;
	s11 =	ssub.s32 s6, s29  }
0xc: {  	s12 =	sadd.s32 s7, s2;
	s8 =	sshrl.u32 s8, $0x3;
	s31 =	sadd.s32 s10, s9  }
0xd: {  	s7 =	smax.u32 s11, $0x1;
	s9 =	sshrl.u32 s12, $0x3;
	s10 =	simm.s32 $0x2  }
0xe: {  	s11 =	simm.s32 $0x64;
	s12 =	simm.s32 $0x340;
	s8 =	sadd.s32 s8, s5  }
0xf: {  	v0 =	vimm.f32 $1.000000000e+00;
	s5 =	sor.u32 $0x1C02, s30;
	s6 =	sadd.s32 $0x1A00, s8;
	s8 =	sadd.s32 $0x282200, s31  }
.LBB2_1:
0x10: {  	[spmem:s9], [sflag:s5] =	dma.local [hbm:s4], $0x30E  }
0x11: {  	_ =	swait.ge [sflag:s10], $0x30E  }
0x12: {  	[sflag:s10] =	ssyncset.done $0x0  }
0x13: {  	[sflag:s10] =	ssyncadd.s32 $0xFFFFFCF2  }
0x14: {  	[tilespmem:$0x340] =	vst v0  }
0x15: {  	[tilespmem:$0x350] =	vst v0  }
0x16: {  	[tilespmem:$0x360] =	vst v0  }
0x17: {  	[tilespmem:$0x370] =	vst v0  }
0x18: {  	[tilespmem:$0x380] =	vst v0  }
0x19: {  	[tilespmem:$0x390] =	vst v0  }
0x1a: {  	[tilespmem:$0x3A0] =	vst v0  }
0x1b: {  	s22 =	sadd.s32 $0x0, s8;
	[bflag:$0x0] =	sbarrier.arrive $0xFFFF  }
0x1c: {  	[tilespmem:s3], [sflag:$0x2] =	stream.linear.gather [hbm4b:s22+s3], $0x340, $0x38;
	[tilespmem:$0x1C20] =	vst v63  }
0x1d: {  	_ =	swait.ge [sflag:s10], $0x340  }
0x1e: {  	[sflag:s10] =	ssyncset.done $0x0  }
0x1f: {  	[sflag:s10] =	ssyncadd.s32 $0xFFFFFCC0  }
0x20: {  	[spmem:s2] =	stream.indirect.scatter.add.f32 [tilespmem:s12], [sflag:$0x1], $0x1, s3, s11, $0xb8;
	[tilespmem:$0x1C20] =	vst v63  }
0x21: {  	_ = 	snop  }
0x22: {  	[spmem:s2] =	stream.indirect.scatter.add.f32 [tilespmem:s12], [sflag:$0x1], $0x1, s13, s11, $0xb8;
	[tilespmem:$0x1C20] =	vst v63  }
0x23: {  	_ = 	snop  }
0x24: {  	[spmem:s2] =	stream.indirect.scatter.add.f32 [tilespmem:s12], [sflag:$0x1], $0x1, s14, s11, $0xb8;
	[tilespmem:$0x1C20] =	vst v63  }
0x25: {  	_ = 	snop  }
0x26: {  	[spmem:s2] =	stream.indirect.scatter.add.f32 [tilespmem:s12], [sflag:$0x1], $0x1, s15, s11, $0xb8;
	[tilespmem:$0x1C20] =	vst v63  }
0x27: {  	_ = 	snop  }
0x28: {  	[spmem:s2] =	stream.indirect.scatter.add.f32 [tilespmem:s12], [sflag:$0x1], $0x1, s16, s11, $0xb8;
	[tilespmem:$0x1C20] =	vst v63  }
0x29: {  	_ = 	snop  }
0x2a: {  	[spmem:s2] =	stream.indirect.scatter.add.f32 [tilespmem:s12], [sflag:$0x1], $0x1, s17, s11, $0xb8;
	[tilespmem:$0x1C20] =	vst v63  }
0x2b: {  	_ = 	snop  }
0x2c: {  	[spmem:s2] =	stream.indirect.scatter.add.f32 [tilespmem:s12], [sflag:$0x1], $0x1, s18, s11, $0xb8;
	[tilespmem:$0x1C20] =	vst v63  }
0x2d: {  	_ = 	snop  }
0x2e: {  	[spmem:s2] =	stream.indirect.scatter.add.f32 [tilespmem:s12], [sflag:$0x1], $0x1, s19, s11, $0xb8;
	[tilespmem:$0x1C20] =	vst v63  }
0x2f: {  	_ =	swait.ge [sflag:s20], $0x64  }
0x30: {  	[sflag:s20] =	ssyncset.done $0x0  }
0x31: {  	[sflag:s20] =	ssyncadd.s32 $0xFFFFFF9C  }
0x32: {  	_ =	swait.ge [sflag:s20], $0x64  }
0x33: {  	[sflag:s20] =	ssyncset.done $0x0  }
0x34: {  	[sflag:s20] =	ssyncadd.s32 $0xFFFFFF9C  }
0x35: {  	_ =	swait.ge [sflag:s20], $0x64  }
0x36: {  	[sflag:s20] =	ssyncset.done $0x0  }
0x37: {  	[sflag:s20] =	ssyncadd.s32 $0xFFFFFF9C  }
0x38: {  	_ =	swait.ge [sflag:s20], $0x64  }
0x39: {  	[sflag:s20] =	ssyncset.done $0x0  }
0x3a: {  	[sflag:s20] =	ssyncadd.s32 $0xFFFFFF9C  }
0x3b: {  	_ =	swait.ge [sflag:s20], $0x64  }
0x3c: {  	[sflag:s20] =	ssyncset.done $0x0  }
0x3d: {  	[sflag:s20] =	ssyncadd.s32 $0xFFFFFF9C  }
0x3e: {  	_ =	swait.ge [sflag:s20], $0x64  }
0x3f: {  	[sflag:s20] =	ssyncset.done $0x0  }
0x40: {  	[sflag:s20] =	ssyncadd.s32 $0xFFFFFF9C  }
0x41: {  	_ =	swait.ge [sflag:s20], $0x64  }
0x42: {  	[sflag:s20] =	ssyncset.done $0x0  }
0x43: {  	[sflag:s20] =	ssyncadd.s32 $0xFFFFFF9C  }
0x44: {  	_ =	swait.ge [sflag:s20], $0x64  }
0x45: {  	s24 =	simm.s32 $0xD0;
	s22 =	simm.s32 $0x68;
	[sflag:s20] =	ssyncset.done $0x0  }
.LBB2_2:
0x46: {  	s25 =	sadd.s32 s22, s8  }
0x47: {  	[sflag:s20] =	ssyncadd.s32 $0xFFFFFF9C;
	s22 =	smov.u32 s24;
	s23 =	sadd.s32 $0x68, s24  }
0x48: {  	[tilespmem:s3], [sflag:$0x2] =	stream.linear.gather [hbm4b:s25+s3], $0x340, $0x38;
	[tilespmem:$0x1C20] =	vst v63  }
0x49: {  	p0 =	sne.s32 s24, $0x6528;
	_ =	swait.ge [sflag:s10], $0x340  }
0x4a: {  	[sflag:s10] =	ssyncset.done $0x0  }
0x4b: {  	[sflag:s10] =	ssyncadd.s32 $0xFFFFFCC0  }
0x4c: {  	[spmem:s2] =	stream.indirect.scatter.add.f32 [tilespmem:s12], [sflag:$0x1], $0x1, s3, s11, $0xb8;
	[tilespmem:$0x1C20] =	vst v63  }
0x4d: {  	_ = 	snop  }
0x4e: {  	[spmem:s2] =	stream.indirect.scatter.add.f32 [tilespmem:s12], [sflag:$0x1], $0x1, s13, s11, $0xb8;
	[tilespmem:$0x1C20] =	vst v63  }
0x4f: {  	_ = 	snop  }
0x50: {  	[spmem:s2] =	stream.indirect.scatter.add.f32 [tilespmem:s12], [sflag:$0x1], $0x1, s14, s11, $0xb8;
	[tilespmem:$0x1C20] =	vst v63  }
0x51: {  	_ = 	snop  }
0x52: {  	[spmem:s2] =	stream.indirect.scatter.add.f32 [tilespmem:s12], [sflag:$0x1], $0x1, s15, s11, $0xb8;
	[tilespmem:$0x1C20] =	vst v63  }
0x53: {  	_ = 	snop  }
0x54: {  	[spmem:s2] =	stream.indirect.scatter.add.f32 [tilespmem:s12], [sflag:$0x1], $0x1, s16, s11, $0xb8;
	[tilespmem:$0x1C20] =	vst v63  }
0x55: {  	_ = 	snop  }
0x56: {  	[spmem:s2] =	stream.indirect.scatter.add.f32 [tilespmem:s12], [sflag:$0x1], $0x1, s17, s11, $0xb8;
	[tilespmem:$0x1C20] =	vst v63  }
0x57: {  	_ = 	snop  }
0x58: {  	[spmem:s2] =	stream.indirect.scatter.add.f32 [tilespmem:s12], [sflag:$0x1], $0x1, s18, s11, $0xb8;
	[tilespmem:$0x1C20] =	vst v63  }
0x59: {  	_ = 	snop  }
0x5a: {  	[spmem:s2] =	stream.indirect.scatter.add.f32 [tilespmem:s12], [sflag:$0x1], $0x1, s19, s11, $0xb8;
	[tilespmem:$0x1C20] =	vst v63  }
0x5b: {  	_ =	swait.ge [sflag:s20], $0x64  }
0x5c: {  	[sflag:s20] =	ssyncset.done $0x0  }
0x5d: {  	[sflag:s20] =	ssyncadd.s32 $0xFFFFFF9C  }
0x5e: {  	_ =	swait.ge [sflag:s20], $0x64  }
0x5f: {  	[sflag:s20] =	ssyncset.done $0x0  }
0x60: {  	[sflag:s20] =	ssyncadd.s32 $0xFFFFFF9C  }
0x61: {  	_ =	swait.ge [sflag:s20], $0x64  }
0x62: {  	[sflag:s20] =	ssyncset.done $0x0  }
0x63: {  	[sflag:s20] =	ssyncadd.s32 $0xFFFFFF9C  }
0x64: {  	_ =	swait.ge [sflag:s20], $0x64  }
0x65: {  	[sflag:s20] =	ssyncset.done $0x0  }
0x66: {  	[sflag:s20] =	ssyncadd.s32 $0xFFFFFF9C  }
0x67: {  	_ =	swait.ge [sflag:s20], $0x64  }
0x68: {  	[sflag:s20] =	ssyncset.done $0x0  }
0x69: {  	[sflag:s20] =	ssyncadd.s32 $0xFFFFFF9C  }
0x6a: {  	_ =	swait.ge [sflag:s20], $0x64  }
0x6b: {  	[sflag:s20] =	ssyncset.done $0x0  }
0x6c: {  	[sflag:s20] =	ssyncadd.s32 $0xFFFFFF9C  }
.Ltmp0:
0x6d: {  	_ =	swait.ge [sflag:s20], $0x64;
	(pc) =	sbr.rel @p0 .LBB2_2-.Ltmp0, $4  }
0x6e: {  	[sflag:s20] =	ssyncset.done $0x0  }
0x6f: {  	[sflag:s20] =	ssyncadd.s32 $0xFFFFFF9C  }
0x70: {  	_ =	swait.ge [sflag:s20], $0x64  }
0x71: {  	s24 =	smov.u32 s23;
	[sflag:s20] =	ssyncset.done $0x0  }
0x72: {  	s22 =	sadd.s32 s22, s8;
	[sflag:s20] =	ssyncadd.s32 $0xFFFFFF9C  }
0x73: {  	[tilespmem:s3], [sflag:$0x2] =	stream.linear.gather [hbm4b:s22+s3], $0x340, $0x38;
	[tilespmem:$0x1C20] =	vst v63  }
0x74: {  	_ =	swait.ge [sflag:s10], $0x340  }
0x75: {  	[sflag:s10] =	ssyncset.done $0x0  }
0x76: {  	[sflag:s10] =	ssyncadd.s32 $0xFFFFFCC0  }
0x77: {  	[spmem:s2] =	stream.indirect.scatter.add.f32 [tilespmem:s12], [sflag:$0x1], $0x1, s3, s11, $0xb8;
	[tilespmem:$0x1C20] =	vst v63  }
0x78: {  	_ = 	snop  }
0x79: {  	[spmem:s2] =	stream.indirect.scatter.add.f32 [tilespmem:s12], [sflag:$0x1], $0x1, s13, s11, $0xb8;
	[tilespmem:$0x1C20] =	vst v63  }
0x7a: {  	_ = 	snop  }
0x7b: {  	[spmem:s2] =	stream.indirect.scatter.add.f32 [tilespmem:s12], [sflag:$0x1], $0x1, s14, s11, $0xb8;
	[tilespmem:$0x1C20] =	vst v63  }
0x7c: {  	_ = 	snop  }
0x7d: {  	[spmem:s2] =	stream.indirect.scatter.add.f32 [tilespmem:s12], [sflag:$0x1], $0x1, s15, s11, $0xb8;
	[tilespmem:$0x1C20] =	vst v63  }
0x7e: {  	_ = 	snop  }
0x7f: {  	[spmem:s2] =	stream.indirect.scatter.add.f32 [tilespmem:s12], [sflag:$0x1], $0x1, s16, s11, $0xb8;
	[tilespmem:$0x1C20] =	vst v63  }
0x80: {  	_ = 	snop  }
0x81: {  	[spmem:s2] =	stream.indirect.scatter.add.f32 [tilespmem:s12], [sflag:$0x1], $0x1, s17, s11, $0xb8;
	[tilespmem:$0x1C20] =	vst v63  }
0x82: {  	_ = 	snop  }
0x83: {  	[spmem:s2] =	stream.indirect.scatter.add.f32 [tilespmem:s12], [sflag:$0x1], $0x1, s18, s11, $0xb8;
	[tilespmem:$0x1C20] =	vst v63  }
0x84: {  	_ = 	snop  }
0x85: {  	[spmem:s2] =	stream.indirect.scatter.add.f32 [tilespmem:s12], [sflag:$0x1], $0x1, s19, s11, $0xb8;
	[tilespmem:$0x1C20] =	vst v63  }
0x86: {  	_ =	swait.ge [sflag:s20], $0x64  }
0x87: {  	[sflag:s20] =	ssyncset.done $0x0  }
0x88: {  	[sflag:s20] =	ssyncadd.s32 $0xFFFFFF9C  }
0x89: {  	_ =	swait.ge [sflag:s20], $0x64  }
0x8a: {  	[sflag:s20] =	ssyncset.done $0x0  }
0x8b: {  	[sflag:s20] =	ssyncadd.s32 $0xFFFFFF9C  }
0x8c: {  	_ =	swait.ge [sflag:s20], $0x64  }
0x8d: {  	[sflag:s20] =	ssyncset.done $0x0  }
0x8e: {  	[sflag:s20] =	ssyncadd.s32 $0xFFFFFF9C  }
0x8f: {  	_ =	swait.ge [sflag:s20], $0x64  }
0x90: {  	[sflag:s20] =	ssyncset.done $0x0  }
0x91: {  	[sflag:s20] =	ssyncadd.s32 $0xFFFFFF9C  }
0x92: {  	_ =	swait.ge [sflag:s20], $0x64  }
0x93: {  	[sflag:s20] =	ssyncset.done $0x0  }
0x94: {  	[sflag:s20] =	ssyncadd.s32 $0xFFFFFF9C  }
0x95: {  	_ =	swait.ge [sflag:s20], $0x64  }
0x96: {  	[sflag:s20] =	ssyncset.done $0x0  }
0x97: {  	[sflag:s20] =	ssyncadd.s32 $0xFFFFFF9C  }
0x98: {  	_ =	swait.ge [sflag:s20], $0x64  }
0x99: {  	[sflag:s20] =	ssyncset.done $0x0  }
0x9a: {  	[sflag:s20] =	ssyncadd.s32 $0xFFFFFF9C  }
0x9b: {  	_ =	swait.ge [sflag:s20], $0x64  }
0x9c: {  	s21 =	sadd.s32 $0x1, s21;
	[sflag:s20] =	ssyncset.done $0x0  }
0x9d: {  	p0 =	sne.s32 s21, s7;
	[sflag:s20] =	ssyncadd.s32 $0xFFFFFF9C  }
.Ltmp1:
0x9e: {  	[bflag:$0x0] =	sbarrier.arrive $0xFFFF;
	(pc) =	sbr.rel @p0 .LBB2_1-.Ltmp1, $4  }
0x9f: {  	[hbm:s6], [sflag:s5] =	dma.local [spmem:s9], $0x30E  }
0xa0: {  	_ =	swait.ge [sflag:s10], $0x30E  }
0xa1: {  	[sflag:s10] =	ssyncset.done $0x0  }
0xa2: {  	[sflag:s10] =	ssyncadd.s32 $0xFFFFFCF2  }
0xa3: {  	_ =	sfence.sel $0x180000  }
0xa4: {  	[bflag:$0x0] =	sbarrier.arrive $0xFFFF  }
0xa5: {  	p0 =	sne.s32 s0, $0x0;
	_ =	strace $0x90000047  }
0xa6: {  	s0 =	sadd.s32 @!p0 $0x100000, s1;
	[bflag:$0x2] =	sbarrier.arrive $0xFFFF  }
0xa7: {  	[sflag:s0] =	ssyncadd.tile.s32 @!p0 $0x1;
	_ =	shalt  }
.Lfunc_end2:
_tile_overlayer_lowered:
.L_overlay_start_2:
0xa8: {  	(tag) =	ssettag $0x2  }
0xa9: {  	s0 =	rddreg [dreg:$0x0];
	s2 =	stileid.u32  }
0xaa: {  	s1 =	rddreg [dreg:$0x1];
	p0 =	sne.s32 s2, $0x0  }
0xab: {  	s3 =	rddreg [dreg:$0x2];
	[bflag:$0x3] =	sbarrier.arrive $0xFFFF;
	s2 =	simm.s32 @!p0 $0x1C02  }
0xac: {  	[timem:s3], [sflag:s2] =	dma.local @!p0 [hbm:s0], s1  }
0xad: {  	s0 =	simm.s32 @!p0 $0x2  }
0xae: {  	_ =	swait.ge @!p0 [sflag:s0], s1  }
0xaf: {  	s1 =	ssub.s32 @!p0 $0x0, s1;
	[sflag:s0] =	ssyncset.done @!p0 $0x0  }
0xb0: {  	[sflag:s0] =	ssyncadd.s32 @!p0 s1  }
0xb1: {  	[bflag:$0x3] =	sbarrier.arrive $0xFFFF  }
0xb2: {  	_ =	shalt  }

</sc_bundles>
